<compile_context>
chip_gen: v7x
topology: tpu7x:2x2x1
jax: 0.10.2.dev20260603
libtpu: 0.0.44.dev20260713+nightly
codegen_flags: <defaults>
</compile_context>

<pallas_src>
import functools

import jax
import jax.numpy as jnp
from jax import lax
from jax.experimental import pallas as pl
from jax.experimental.pallas import tpu as pltpu
from jax.experimental.pallas import tpu_sc as plsc

NC = 2
NS = 16
NW = NC * NS
L = 16
CH = 128
IB = 4
BR = 1024


def _sc_mesh():
    return plsc.VectorSubcoreMesh(
        core_axis_name="c", subcore_axis_name="s", num_cores=NC, num_subcores=NS
    )


def _make_sc_agg(n_pad, h, k):
    out_type = jax.ShapeDtypeStruct((NC, n_pad, h), jnp.float32)
    scratch = [
        pltpu.VMEM((IB, CH), jnp.int32),
        pltpu.VMEM((IB, CH), jnp.int32),
        pltpu.VMEM((2, CH, h), jnp.float32),
        [pltpu.SemaphoreType.DMA] * 2,
        [pltpu.SemaphoreType.DMA] * 2,
        pltpu.VMEM_SHARED((n_pad, h), jnp.float32),
    ]

    def body(y_hbm, srcs_hbm, dsts_hbm, zeros_hbm, out_hbm,
             src_v, dst_v, rows_v, sem_g, sem_s, acc_sh):
        c = lax.axis_index("c")
        s = lax.axis_index("s")
        wid = c * NS + s

        rpt = n_pad // NS
        pltpu.sync_copy(
            zeros_hbm.at[pl.ds(s * rpt, rpt)], acc_sh.at[pl.ds(s * rpt, rpt)]
        )

        plsc.subcore_barrier()

        def gbody(g, carry):
            pltpu.sync_copy(srcs_hbm.at[wid, pl.ds(g * IB, IB)], src_v)
            pltpu.sync_copy(dsts_hbm.at[wid, pl.ds(g * IB, IB)], dst_v)
            dg = [None, None]
            ds = [None, None]
            for j in range(IB):
                b = j % 2
                if ds[b] is not None:
                    ds[b].wait()
                dg[b] = pltpu.async_copy(
                    y_hbm.at[src_v.at[j]], rows_v.at[b], sem_g[b]
                )
                if j >= 1:
                    p = (j - 1) % 2
                    dg[p].wait()
                    ds[p] = pltpu.async_copy(
                        rows_v.at[p], acc_sh.at[dst_v.at[j - 1]], sem_s[p],
                        add=True,
                    )
            bl = (IB - 1) % 2
            dg[bl].wait()
            ds[bl] = pltpu.async_copy(
                rows_v.at[bl], acc_sh.at[dst_v.at[IB - 1]], sem_s[bl], add=True
            )
            ds[1 - bl].wait()
            ds[bl].wait()
            return carry

        lax.fori_loop(0, k // IB, gbody, 0)

        plsc.subcore_barrier()

        pltpu.sync_copy(
            acc_sh.at[pl.ds(s * rpt, rpt)], out_hbm.at[c, pl.ds(s * rpt, rpt)]
        )

    return pl.kernel(
        body,
        out_type=out_type,
        mesh=_sc_mesh(),
        scratch_types=scratch,
    )


def _dot(a, b):
    return jnp.dot(a, b, preferred_element_type=jnp.float32)


def _tc1_body(x_r, wp_r, bp_r, w1l_r, w1r_r, b1_r, xp_o, y1_o, z1_o):
    xb = x_r[...]
    xp_o[...] = jnp.maximum(_dot(xb, wp_r[...]) + bp_r[...], 0.0)
    y1_o[...] = _dot(xb, w1l_r[...])
    z1_o[...] = _dot(xb, w1r_r[...]) + b1_r[...]


def _inv_deg(cnt_r):
    deg = cnt_r[0, :, 0] + cnt_r[1, :, 0]
    return 1.0 / jnp.maximum(deg, 1.0)


def _tc2_body(agg_r, cnt_r, z1_r, xp_r, w2la_r, w2lb_r, w2ra_r, w2rb_r, b2_r,
              h1_o, y2_o, z2_o):
    inv = _inv_deg(cnt_r)
    mean = (agg_r[0] + agg_r[1]) * inv[:, None]
    h1 = jnp.maximum(mean + z1_r[...], 0.0)
    h1_o[...] = h1
    xpb = xp_r[...]
    y2_o[...] = _dot(xpb, w2la_r[...]) + _dot(h1, w2lb_r[...])
    z2_o[...] = _dot(xpb, w2ra_r[...]) + _dot(h1, w2rb_r[...]) + b2_r[...]


def _tc3_body(agg_r, cnt_r, z2_r, xp_r, h1_r,
              w3la_r, w3lb_r, w3lc_r, w3ra_r, w3rb_r, w3rc_r, b3_r,
              y3_o, z3_o):
    inv = _inv_deg(cnt_r)
    mean = (agg_r[0] + agg_r[1]) * inv[:, None]
    h2 = jnp.maximum(mean + z2_r[...], 0.0)
    xpb = xp_r[...]
    h1b = h1_r[...]
    y3_o[...] = _dot(xpb, w3la_r[...]) + _dot(h1b, w3lb_r[...]) + _dot(h2, w3lc_r[...])
    z3_o[...] = (_dot(xpb, w3ra_r[...]) + _dot(h1b, w3rb_r[...])
                 + _dot(h2, w3rc_r[...]) + b3_r[...])


def _tc4_body(agg_r, cnt_r, z3_r, h3_o):
    inv = _inv_deg(cnt_r)
    mean = (agg_r[0] + agg_r[1]) * inv[:, None]
    h3_o[...] = jnp.maximum(mean + z3_r[...], 0.0)


def _row_spec(h):
    return pl.BlockSpec((BR, h), lambda i: (i, 0))


def _full_spec(shape):
    nd = len(shape)
    return pl.BlockSpec(shape, lambda i: (0,) * nd)


def _agg_spec(h):
    return pl.BlockSpec((NC, BR, h), lambda i: (0, i, 0))


def _cnt_spec():
    return pl.BlockSpec((NC, BR, L), lambda i: (0, i, 0))


def kernel(x, edge_index, Wp, bp, W1l, W1r, b1, W2l, W2r, b2, W3l, W3r, b3):
    n, d = x.shape
    h = Wp.shape[1]
    e = edge_index.shape[1]

    k = -(-e // (NW * CH * IB)) * IB
    e_pad = NW * CH * k
    n_pad = -(-(n + 1) // (NS * 8)) * (NS * 8)

    src = jnp.concatenate(
        [edge_index[0], jnp.zeros((e_pad - e,), jnp.int32)]).reshape(NW, k, CH)
    dst = jnp.concatenate(
        [edge_index[1], jnp.full((e_pad - e,), n, jnp.int32)]).reshape(NW, k, CH)
    zeros_acc = jnp.zeros((n_pad, h), jnp.float32)
    ones_feat = jnp.ones((n, h), jnp.float32)

    grid = -(-n // BR)
    bp2, b12, b22, b32 = (v.reshape(1, h) for v in (bp, b1, b2, b3))

    xp, y1, z1 = pl.pallas_call(
        _tc1_body,
        grid=(grid,),
        in_specs=[_row_spec(d)] + [_full_spec(s.shape) for s in (Wp, bp2, W1l, W1r, b12)],
        out_specs=[_row_spec(h)] * 3,
        out_shape=[jax.ShapeDtypeStruct((n, h), jnp.float32)] * 3,
    )(x, Wp, bp2, W1l, W1r, b12)

    sc_agg = _make_sc_agg(n_pad, h, k)

    cnt = sc_agg(ones_feat, src, dst, zeros_acc)[:, :, :L]
    agg1 = sc_agg(y1, src, dst, zeros_acc)

    h1, y2, z2 = pl.pallas_call(
        _tc2_body,
        grid=(grid,),
        in_specs=[_agg_spec(h), _cnt_spec(), _row_spec(h), _row_spec(h)]
        + [_full_spec((h, h))] * 4 + [_full_spec((1, h))],
        out_specs=[_row_spec(h)] * 3,
        out_shape=[jax.ShapeDtypeStruct((n, h), jnp.float32)] * 3,
    )(agg1, cnt, z1, xp, W2l[:h], W2l[h:], W2r[:h], W2r[h:], b22)

    agg2 = sc_agg(y2, src, dst, zeros_acc)

    y3, z3 = pl.pallas_call(
        _tc3_body,
        grid=(grid,),
        in_specs=[_agg_spec(h), _cnt_spec()] + [_row_spec(h)] * 3
        + [_full_spec((h, h))] * 6 + [_full_spec((1, h))],
        out_specs=[_row_spec(h)] * 2,
        out_shape=[jax.ShapeDtypeStruct((n, h), jnp.float32)] * 2,
    )(agg2, cnt, z2, xp, h1,
      W3l[:h], W3l[h:2 * h], W3l[2 * h:],
      W3r[:h], W3r[h:2 * h], W3r[2 * h:], b32)

    agg3 = sc_agg(y3, src, dst, zeros_acc)

    h3 = pl.pallas_call(
        _tc4_body,
        grid=(grid,),
        in_specs=[_agg_spec(h), _cnt_spec(), _row_spec(h)],
        out_specs=_row_spec(h),
        out_shape=jax.ShapeDtypeStruct((n, h), jnp.float32),
    )(agg3, cnt, z3)

    return h3

# --- scband reference (transcript-rebuilt; emitter-appended) ---
"""Pipeline reference for scband-dense-gcn-30880814858419 (READ-ONLY COPY).

The authoritative reference and input builder live on the scoring server;
editing this copy changes nothing except your own understanding.
"""

import jax, jax.numpy as jnp
import numpy as np

N = 10000
E = 320000
D = 128
H = 128

def _glorot(key, shape):
    fan_in = shape[0]
    return jax.random.normal(key, shape, dtype=jnp.float32) / np.sqrt(fan_in)

def setup_inputs(seed: int = 0) -> dict:
    key = jax.random.key(seed)
    ks = jax.random.split(key, 14)
    inp = {}
    inp["x"] = jax.random.normal(ks[0], (N, D), dtype=jnp.float32)
    inp["edge_index"] = jax.random.randint(ks[1], (2, E), 0, N, dtype=jnp.int32)
    inp["Wp"] = _glorot(ks[2], (D, H))
    inp["bp"] = jnp.zeros((H,), jnp.float32)
    inp["W1l"] = _glorot(ks[3], (D, H))
    inp["W1r"] = _glorot(ks[4], (D, H))
    inp["b1"] = jnp.zeros((H,), jnp.float32)
    inp["W2l"] = _glorot(ks[5], (2 * H, H))
    inp["W2r"] = _glorot(ks[6], (2 * H, H))
    inp["b2"] = jnp.zeros((H,), jnp.float32)
    inp["W3l"] = _glorot(ks[7], (3 * H, H))
    inp["W3r"] = _glorot(ks[8], (3 * H, H))
    inp["b3"] = jnp.zeros((H,), jnp.float32)
    return inp

def _sage_mean(h, src, dst, Wl, Wr, b, n):
    # SAGEConv(aggr='mean'): out = lin_l(mean_{j in N(i)} x_j) + lin_r(x_i)
    msg = h[src]
    agg = jax.ops.segment_sum(msg, dst, num_segments=n)
    cnt = jax.ops.segment_sum(jnp.ones((src.shape[0],), dtype=h.dtype), dst, num_segments=n)
    mean = agg / jnp.maximum(cnt, 1.0)[:, None]
    return mean @ Wl + h @ Wr + b

def reference(x, edge_index, Wp, bp, W1l, W1r, b1, W2l, W2r, b2, W3l, W3r, b3):
    n = x.shape[0]
    src = edge_index[0]
    dst = edge_index[1]
    act = jax.nn.relu
    # dropout prob is 0.0 -> identity (eval-equivalent)
    x_p = act(x @ Wp + bp)
    h1 = act(_sage_mean(x, src, dst, W1l, W1r, b1, n))
    in2 = jnp.concatenate([x_p, h1], axis=1)
    h2 = act(_sage_mean(in2, src, dst, W2l, W2r, b2, n))
    in3 = jnp.concatenate([x_p, h1, h2], axis=1)
    h3 = act(_sage_mean(in3, src, dst, W3l, W3r, b3, n))
    return h3

if __name__ == "__main__":
    import jax
    _d = setup_inputs()
    print(jax.jit(kernel)(*tuple(_d.values())))

</pallas_src>

<mosaic_0001>
#map = affine_map<(d0, d1) -> (0, 0)>
#map1 = affine_map<(d0, d1) -> (0, 0, 0)>
module attributes {stable_mosaic.version = 14 : i64} {
  func.func @body(%arg0: i32, %arg1: i32, %arg2: memref<10000x128xf32, #tpu.memory_space<hbm>>, %arg3: memref<32x80x128xi32, #tpu.memory_space<hbm>>, %arg4: memref<32x80x128xi32, #tpu.memory_space<hbm>>, %arg5: memref<10112x128xf32, #tpu.memory_space<hbm>>, %arg6: memref<2x10112x128xf32, #tpu.memory_space<hbm>>, %arg7: memref<4x128xi32, #tpu.memory_space<vmem>>, %arg8: memref<4x128xi32, #tpu.memory_space<vmem>>, %arg9: memref<2x128x128xf32, #tpu.memory_space<vmem>>, %arg10: memref<!tpu.dma_semaphore, #tpu.memory_space<semaphore_mem>>, %arg11: memref<!tpu.dma_semaphore, #tpu.memory_space<semaphore_mem>>, %arg12: memref<!tpu.dma_semaphore, #tpu.memory_space<semaphore_mem>>, %arg13: memref<!tpu.dma_semaphore, #tpu.memory_space<semaphore_mem>>, %arg14: memref<10112x128xf32, #tpu.memory_space<vmem_shared>>) attributes {dimension_semantics = [#tpu.dimension_semantics<core_parallel>, #tpu.dimension_semantics<subcore_parallel>], iteration_bounds = array<i64: 2, 16>, scalar_prefetch = 0 : i64, scratch_operands = 8 : i64, tpu.core_type = #tpu.core_type<sc_vector_subcore>, window_params = [{transform_indices = #map}, {transform_indices = #map1}, {transform_indices = #map1}, {transform_indices = #map}, {transform_indices = #map1}]} {
    %mul3A = arith.constant 16 : i32
    %mul3A_0 = arith.muli %arg0, %mul3A : i32
    %add3A = arith.addi %mul3A_0, %arg1 : i32
    %mul3A_1 = arith.constant 632 : i32
    %mul3A_2 = arith.muli %arg1, %mul3A_1 : i32
    %mul3A_3 = arith.constant 632 : i32
    %mul3A_4 = arith.muli %arg1, %mul3A_3 : i32
    "tpu.region"() ({
      %run_scoped3A = tpu.sem_alloc : memref<!tpu.dma_semaphore, #tpu.memory_space<semaphore_mem>>
      %dma_start3A = arith.constant 0 : i32
      %dma_start3A_15 = tpu.memref_slice %arg14[%mul3A_4, %dma_start3A] : memref<10112x128xf32, #tpu.memory_space<vmem_shared>> -> memref<632x128xf32, #tpu.memory_space<vmem_shared>>
      %dma_start3A_16 = arith.constant 0 : i32
      %dma_start3A_17 = tpu.memref_slice %arg5[%mul3A_2, %dma_start3A_16] : memref<10112x128xf32, #tpu.memory_space<hbm>> -> memref<632x128xf32, #tpu.memory_space<hbm>>
      tpu.enqueue_dma source(%dma_start3A_17 : memref<632x128xf32, #tpu.memory_space<hbm>>) target(%dma_start3A_15 : memref<632x128xf32, #tpu.memory_space<vmem_shared>>) target_semaphore(%run_scoped3A : memref<!tpu.dma_semaphore, #tpu.memory_space<semaphore_mem>>)
      %dma_wait3A = arith.constant 0 : i32
      %dma_wait3A_18 = tpu.memref_slice %arg14[%mul3A_4, %dma_wait3A] : memref<10112x128xf32, #tpu.memory_space<vmem_shared>> -> memref<632x128xf32, #tpu.memory_space<vmem_shared>>
      %dma_wait3A_19 = arith.constant 0 : i32
      %dma_wait3A_20 = tpu.memref_slice %arg5[%mul3A_2, %dma_wait3A_19] : memref<10112x128xf32, #tpu.memory_space<hbm>> -> memref<632x128xf32, #tpu.memory_space<hbm>>
      tpu.wait_dma2 semaphore(%run_scoped3A : memref<!tpu.dma_semaphore, #tpu.memory_space<semaphore_mem>>) src(%dma_wait3A_20 : memref<632x128xf32, #tpu.memory_space<hbm>>) dst(%dma_wait3A_18 : memref<632x128xf32, #tpu.memory_space<vmem_shared>>)
      tpu.yield
    }) : () -> ()
    %barrier3A = arith.constant 0 : index
    tpu.barrier barrier_id(%barrier3A)
    %scan3A = arith.constant 0 : i32
    %scan3A_5 = arith.constant 0 : i32
    %scan3A_6 = arith.constant 20 : i32
    %scan3A_7 = arith.addi %scan3A_5, %scan3A_6 : i32
    %scan3A_8 = arith.constant 1 : i32
    scf.for %scan3A_15 = %scan3A_5 to %scan3A_7 step %scan3A_8  : i32 {
      %mul3A_16 = arith.constant 4 : i32
      %mul3A_17 = arith.muli %scan3A_15, %mul3A_16 : i32
      "tpu.region"() ({
        %run_scoped3A = tpu.sem_alloc : memref<!tpu.dma_semaphore, #tpu.memory_space<semaphore_mem>>
        %dma_start3A_210 = arith.constant 0 : i32
        %dma_start3A_211 = tpu.memref_slice %arg3[%add3A, %mul3A_17, %dma_start3A_210] : memref<32x80x128xi32, #tpu.memory_space<hbm>> -> memref<1x4x128xi32, #tpu.memory_space<hbm>>
        %dma_start3A_212 = tpu.memref_squeeze %dma_start3A_211 : memref<1x4x128xi32, #tpu.memory_space<hbm>> -> memref<4x128xi32, #tpu.memory_space<hbm>>
        %dma_start3A_213 = arith.constant 0 : i32
        %dma_start3A_214 = tpu.memref_slice %arg3[%add3A, %mul3A_17, %dma_start3A_213] : memref<32x80x128xi32, #tpu.memory_space<hbm>> -> memref<1x4x128xi32, #tpu.memory_space<hbm>>
        %dma_start3A_215 = tpu.memref_squeeze %dma_start3A_214 : memref<1x4x128xi32, #tpu.memory_space<hbm>> -> memref<4x128xi32, #tpu.memory_space<hbm>>
        tpu.enqueue_dma source(%dma_start3A_215 : memref<4x128xi32, #tpu.memory_space<hbm>>) target(%arg7 : memref<4x128xi32, #tpu.memory_space<vmem>>) target_semaphore(%run_scoped3A : memref<!tpu.dma_semaphore, #tpu.memory_space<semaphore_mem>>)
        %dma_wait3A_216 = arith.constant 0 : i32
        %dma_wait3A_217 = tpu.memref_slice %arg3[%add3A, %mul3A_17, %dma_wait3A_216] : memref<32x80x128xi32, #tpu.memory_space<hbm>> -> memref<1x4x128xi32, #tpu.memory_space<hbm>>
        %dma_wait3A_218 = tpu.memref_squeeze %dma_wait3A_217 : memref<1x4x128xi32, #tpu.memory_space<hbm>> -> memref<4x128xi32, #tpu.memory_space<hbm>>
        %dma_wait3A_219 = arith.constant 0 : i32
        %dma_wait3A_220 = tpu.memref_slice %arg3[%add3A, %mul3A_17, %dma_wait3A_219] : memref<32x80x128xi32, #tpu.memory_space<hbm>> -> memref<1x4x128xi32, #tpu.memory_space<hbm>>
        %dma_wait3A_221 = tpu.memref_squeeze %dma_wait3A_220 : memref<1x4x128xi32, #tpu.memory_space<hbm>> -> memref<4x128xi32, #tpu.memory_space<hbm>>
        tpu.wait_dma2 semaphore(%run_scoped3A : memref<!tpu.dma_semaphore, #tpu.memory_space<semaphore_mem>>) src(%dma_wait3A_221 : memref<4x128xi32, #tpu.memory_space<hbm>>) dst(%arg7 : memref<4x128xi32, #tpu.memory_space<vmem>>)
        tpu.yield
      }) : () -> ()
      %mul3A_18 = arith.constant 4 : i32
      %mul3A_19 = arith.muli %scan3A_15, %mul3A_18 : i32
      "tpu.region"() ({
        %run_scoped3A = tpu.sem_alloc : memref<!tpu.dma_semaphore, #tpu.memory_space<semaphore_mem>>
        %dma_start3A_210 = arith.constant 0 : i32
        %dma_start3A_211 = tpu.memref_slice %arg4[%add3A, %mul3A_19, %dma_start3A_210] : memref<32x80x128xi32, #tpu.memory_space<hbm>> -> memref<1x4x128xi32, #tpu.memory_space<hbm>>
        %dma_start3A_212 = tpu.memref_squeeze %dma_start3A_211 : memref<1x4x128xi32, #tpu.memory_space<hbm>> -> memref<4x128xi32, #tpu.memory_space<hbm>>
        %dma_start3A_213 = arith.constant 0 : i32
        %dma_start3A_214 = tpu.memref_slice %arg4[%add3A, %mul3A_19, %dma_start3A_213] : memref<32x80x128xi32, #tpu.memory_space<hbm>> -> memref<1x4x128xi32, #tpu.memory_space<hbm>>
        %dma_start3A_215 = tpu.memref_squeeze %dma_start3A_214 : memref<1x4x128xi32, #tpu.memory_space<hbm>> -> memref<4x128xi32, #tpu.memory_space<hbm>>
        tpu.enqueue_dma source(%dma_start3A_215 : memref<4x128xi32, #tpu.memory_space<hbm>>) target(%arg8 : memref<4x128xi32, #tpu.memory_space<vmem>>) target_semaphore(%run_scoped3A : memref<!tpu.dma_semaphore, #tpu.memory_space<semaphore_mem>>)
        %dma_wait3A_216 = arith.constant 0 : i32
        %dma_wait3A_217 = tpu.memref_slice %arg4[%add3A, %mul3A_19, %dma_wait3A_216] : memref<32x80x128xi32, #tpu.memory_space<hbm>> -> memref<1x4x128xi32, #tpu.memory_space<hbm>>
        %dma_wait3A_218 = tpu.memref_squeeze %dma_wait3A_217 : memref<1x4x128xi32, #tpu.memory_space<hbm>> -> memref<4x128xi32, #tpu.memory_space<hbm>>
        %dma_wait3A_219 = arith.constant 0 : i32
        %dma_wait3A_220 = tpu.memref_slice %arg4[%add3A, %mul3A_19, %dma_wait3A_219] : memref<32x80x128xi32, #tpu.memory_space<hbm>> -> memref<1x4x128xi32, #tpu.memory_space<hbm>>
        %dma_wait3A_221 = tpu.memref_squeeze %dma_wait3A_220 : memref<1x4x128xi32, #tpu.memory_space<hbm>> -> memref<4x128xi32, #tpu.memory_space<hbm>>
        tpu.wait_dma2 semaphore(%run_scoped3A : memref<!tpu.dma_semaphore, #tpu.memory_space<semaphore_mem>>) src(%dma_wait3A_221 : memref<4x128xi32, #tpu.memory_space<hbm>>) dst(%arg8 : memref<4x128xi32, #tpu.memory_space<vmem>>)
        tpu.yield
      }) : () -> ()
      %dma_start3A = arith.constant 0 : i32
      %dma_start3A_20 = arith.constant 0 : i32
      %dma_start3A_21 = arith.constant 0 : i32
      %dma_start3A_22 = arith.constant 0 : i32
      %dma_start3A_23 = tpu.memref_slice %arg9[%dma_start3A_20, %dma_start3A_21, %dma_start3A_22] : memref<2x128x128xf32, #tpu.memory_space<vmem>> -> memref<1x128x128xf32, #tpu.memory_space<vmem>>
      %dma_start3A_24 = tpu.memref_squeeze %dma_start3A_23 : memref<1x128x128xf32, #tpu.memory_space<vmem>> -> memref<128x128xf32, #tpu.memory_space<vmem>>
      %dma_start3A_25 = arith.constant 0 : i32
      %dma_start3A_26 = tpu.memref_slice %arg7[%dma_start3A, %dma_start3A_25] : memref<4x128xi32, #tpu.memory_space<vmem>> -> memref<1x128xi32, #tpu.memory_space<vmem>>
      %dma_start3A_27 = tpu.memref_squeeze %dma_start3A_26 : memref<1x128xi32, #tpu.memory_space<vmem>> -> memref<128xi32, #tpu.memory_space<vmem>>
      %dma_start3A_28 = arith.constant 0 : i32
      %dma_start3A_29 = arith.constant 0 : i32
      %dma_start3A_30 = tpu.memref_slice %arg2[%dma_start3A_28, %dma_start3A_29] : memref<10000x128xf32, #tpu.memory_space<hbm>> -> memref<10000x128xf32, #tpu.memory_space<hbm>>
      tpu.enqueue_indirect_dma source(%dma_start3A_30 : memref<10000x128xf32, #tpu.memory_space<hbm>>) target(%dma_start3A_24 : memref<128x128xf32, #tpu.memory_space<vmem>>) offsets(%dma_start3A_27 : memref<128xi32, #tpu.memory_space<vmem>>) semaphore(%arg10 : memref<!tpu.dma_semaphore, #tpu.memory_space<semaphore_mem>>)
      %dma_start3A_31 = arith.constant 1 : i32
      %dma_start3A_32 = arith.constant 1 : i32
      %dma_start3A_33 = arith.constant 0 : i32
      %dma_start3A_34 = arith.constant 0 : i32
      %dma_start3A_35 = tpu.memref_slice %arg9[%dma_start3A_32, %dma_start3A_33, %dma_start3A_34] : memref<2x128x128xf32, #tpu.memory_space<vmem>> -> memref<1x128x128xf32, #tpu.memory_space<vmem>>
      %dma_start3A_36 = tpu.memref_squeeze %dma_start3A_35 : memref<1x128x128xf32, #tpu.memory_space<vmem>> -> memref<128x128xf32, #tpu.memory_space<vmem>>
      %dma_start3A_37 = arith.constant 0 : i32
      %dma_start3A_38 = tpu.memref_slice %arg7[%dma_start3A_31, %dma_start3A_37] : memref<4x128xi32, #tpu.memory_space<vmem>> -> memref<1x128xi32, #tpu.memory_space<vmem>>
      %dma_start3A_39 = tpu.memref_squeeze %dma_start3A_38 : memref<1x128xi32, #tpu.memory_space<vmem>> -> memref<128xi32, #tpu.memory_space<vmem>>
      %dma_start3A_40 = arith.constant 0 : i32
      %dma_start3A_41 = arith.constant 0 : i32
      %dma_start3A_42 = tpu.memref_slice %arg2[%dma_start3A_40, %dma_start3A_41] : memref<10000x128xf32, #tpu.memory_space<hbm>> -> memref<10000x128xf32, #tpu.memory_space<hbm>>
      tpu.enqueue_indirect_dma source(%dma_start3A_42 : memref<10000x128xf32, #tpu.memory_space<hbm>>) target(%dma_start3A_36 : memref<128x128xf32, #tpu.memory_space<vmem>>) offsets(%dma_start3A_39 : memref<128xi32, #tpu.memory_space<vmem>>) semaphore(%arg11 : memref<!tpu.dma_semaphore, #tpu.memory_space<semaphore_mem>>)
      %dma_wait3A = arith.constant 0 : i32
      %dma_wait3A_43 = arith.constant 0 : i32
      %dma_wait3A_44 = arith.constant 0 : i32
      %dma_wait3A_45 = arith.constant 0 : i32
      %dma_wait3A_46 = tpu.memref_slice %arg9[%dma_wait3A_43, %dma_wait3A_44, %dma_wait3A_45] : memref<2x128x128xf32, #tpu.memory_space<vmem>> -> memref<1x128x128xf32, #tpu.memory_space<vmem>>
      %dma_wait3A_47 = tpu.memref_squeeze %dma_wait3A_46 : memref<1x128x128xf32, #tpu.memory_space<vmem>> -> memref<128x128xf32, #tpu.memory_space<vmem>>
      %dma_wait3A_48 = arith.constant 0 : i32
      %dma_wait3A_49 = tpu.memref_slice %arg7[%dma_wait3A, %dma_wait3A_48] : memref<4x128xi32, #tpu.memory_space<vmem>> -> memref<1x128xi32, #tpu.memory_space<vmem>>
      %dma_wait3A_50 = tpu.memref_squeeze %dma_wait3A_49 : memref<1x128xi32, #tpu.memory_space<vmem>> -> memref<128xi32, #tpu.memory_space<vmem>>
      %dma_wait3A_51 = arith.constant 0 : i32
      %dma_wait3A_52 = arith.constant 0 : i32
      %dma_wait3A_53 = tpu.memref_slice %arg2[%dma_wait3A_51, %dma_wait3A_52] : memref<10000x128xf32, #tpu.memory_space<hbm>> -> memref<10000x128xf32, #tpu.memory_space<hbm>>
      tpu.wait_indirect_dma semaphore(%arg10 : memref<!tpu.dma_semaphore, #tpu.memory_space<semaphore_mem>>) src(%dma_wait3A_53 : memref<10000x128xf32, #tpu.memory_space<hbm>>) dst(%dma_wait3A_47 : memref<128x128xf32, #tpu.memory_space<vmem>>)
      %dma_start3A_54 = arith.constant 0 : i32
      %dma_start3A_55 = arith.constant 0 : i32
      %dma_start3A_56 = arith.constant 0 : i32
      %dma_start3A_57 = arith.constant 0 : i32
      %dma_start3A_58 = tpu.memref_slice %arg9[%dma_start3A_54, %dma_start3A_56, %dma_start3A_57] : memref<2x128x128xf32, #tpu.memory_space<vmem>> -> memref<1x128x128xf32, #tpu.memory_space<vmem>>
      %dma_start3A_59 = tpu.memref_squeeze %dma_start3A_58 : memref<1x128x128xf32, #tpu.memory_space<vmem>> -> memref<128x128xf32, #tpu.memory_space<vmem>>
      %dma_start3A_60 = arith.constant 0 : i32
      %dma_start3A_61 = tpu.memref_slice %arg8[%dma_start3A_55, %dma_start3A_60] : memref<4x128xi32, #tpu.memory_space<vmem>> -> memref<1x128xi32, #tpu.memory_space<vmem>>
      %dma_start3A_62 = tpu.memref_squeeze %dma_start3A_61 : memref<1x128xi32, #tpu.memory_space<vmem>> -> memref<128xi32, #tpu.memory_space<vmem>>
      %dma_start3A_63 = arith.constant 0 : i32
      %dma_start3A_64 = arith.constant 0 : i32
      %dma_start3A_65 = tpu.memref_slice %arg14[%dma_start3A_63, %dma_start3A_64] : memref<10112x128xf32, #tpu.memory_space<vmem_shared>> -> memref<10112x128xf32, #tpu.memory_space<vmem_shared>>
      tpu.enqueue_indirect_dma source(%dma_start3A_59 : memref<128x128xf32, #tpu.memory_space<vmem>>) target(%dma_start3A_65 : memref<10112x128xf32, #tpu.memory_space<vmem_shared>>) offsets(%dma_start3A_62 : memref<128xi32, #tpu.memory_space<vmem>>) semaphore(%arg12 : memref<!tpu.dma_semaphore, #tpu.memory_space<semaphore_mem>>) {add = true}
      %dma_wait3A_66 = arith.constant 0 : i32
      %dma_wait3A_67 = arith.constant 0 : i32
      %dma_wait3A_68 = arith.constant 0 : i32
      %dma_wait3A_69 = arith.constant 0 : i32
      %dma_wait3A_70 = tpu.memref_slice %arg9[%dma_wait3A_66, %dma_wait3A_68, %dma_wait3A_69] : memref<2x128x128xf32, #tpu.memory_space<vmem>> -> memref<1x128x128xf32, #tpu.memory_space<vmem>>
      %dma_wait3A_71 = tpu.memref_squeeze %dma_wait3A_70 : memref<1x128x128xf32, #tpu.memory_space<vmem>> -> memref<128x128xf32, #tpu.memory_space<vmem>>
      %dma_wait3A_72 = arith.constant 0 : i32
      %dma_wait3A_73 = tpu.memref_slice %arg8[%dma_wait3A_67, %dma_wait3A_72] : memref<4x128xi32, #tpu.memory_space<vmem>> -> memref<1x128xi32, #tpu.memory_space<vmem>>
      %dma_wait3A_74 = tpu.memref_squeeze %dma_wait3A_73 : memref<1x128xi32, #tpu.memory_space<vmem>> -> memref<128xi32, #tpu.memory_space<vmem>>
      %dma_wait3A_75 = arith.constant 0 : i32
      %dma_wait3A_76 = arith.constant 0 : i32
      %dma_wait3A_77 = tpu.memref_slice %arg14[%dma_wait3A_75, %dma_wait3A_76] : memref<10112x128xf32, #tpu.memory_space<vmem_shared>> -> memref<10112x128xf32, #tpu.memory_space<vmem_shared>>
      tpu.wait_indirect_dma semaphore(%arg12 : memref<!tpu.dma_semaphore, #tpu.memory_space<semaphore_mem>>) src(%dma_wait3A_71 : memref<128x128xf32, #tpu.memory_space<vmem>>) dst(%dma_wait3A_77 : memref<10112x128xf32, #tpu.memory_space<vmem_shared>>)
      %dma_start3A_78 = arith.constant 2 : i32
      %dma_start3A_79 = arith.constant 0 : i32
      %dma_start3A_80 = arith.constant 0 : i32
      %dma_start3A_81 = arith.constant 0 : i32
      %dma_start3A_82 = tpu.memref_slice %arg9[%dma_start3A_79, %dma_start3A_80, %dma_start3A_81] : memref<2x128x128xf32, #tpu.memory_space<vmem>> -> memref<1x128x128xf32, #tpu.memory_space<vmem>>
      %dma_start3A_83 = tpu.memref_squeeze %dma_start3A_82 : memref<1x128x128xf32, #tpu.memory_space<vmem>> -> memref<128x128xf32, #tpu.memory_space<vmem>>
      %dma_start3A_84 = arith.constant 0 : i32
      %dma_start3A_85 = tpu.memref_slice %arg7[%dma_start3A_78, %dma_start3A_84] : memref<4x128xi32, #tpu.memory_space<vmem>> -> memref<1x128xi32, #tpu.memory_space<vmem>>
      %dma_start3A_86 = tpu.memref_squeeze %dma_start3A_85 : memref<1x128xi32, #tpu.memory_space<vmem>> -> memref<128xi32, #tpu.memory_space<vmem>>
      %dma_start3A_87 = arith.constant 0 : i32
      %dma_start3A_88 = arith.constant 0 : i32
      %dma_start3A_89 = tpu.memref_slice %arg2[%dma_start3A_87, %dma_start3A_88] : memref<10000x128xf32, #tpu.memory_space<hbm>> -> memref<10000x128xf32, #tpu.memory_space<hbm>>
      tpu.enqueue_indirect_dma source(%dma_start3A_89 : memref<10000x128xf32, #tpu.memory_space<hbm>>) target(%dma_start3A_83 : memref<128x128xf32, #tpu.memory_space<vmem>>) offsets(%dma_start3A_86 : memref<128xi32, #tpu.memory_space<vmem>>) semaphore(%arg10 : memref<!tpu.dma_semaphore, #tpu.memory_space<semaphore_mem>>)
      %dma_wait3A_90 = arith.constant 1 : i32
      %dma_wait3A_91 = arith.constant 1 : i32
      %dma_wait3A_92 = arith.constant 0 : i32
      %dma_wait3A_93 = arith.constant 0 : i32
      %dma_wait3A_94 = tpu.memref_slice %arg9[%dma_wait3A_91, %dma_wait3A_92, %dma_wait3A_93] : memref<2x128x128xf32, #tpu.memory_space<vmem>> -> memref<1x128x128xf32, #tpu.memory_space<vmem>>
      %dma_wait3A_95 = tpu.memref_squeeze %dma_wait3A_94 : memref<1x128x128xf32, #tpu.memory_space<vmem>> -> memref<128x128xf32, #tpu.memory_space<vmem>>
      %dma_wait3A_96 = arith.constant 0 : i32
      %dma_wait3A_97 = tpu.memref_slice %arg7[%dma_wait3A_90, %dma_wait3A_96] : memref<4x128xi32, #tpu.memory_space<vmem>> -> memref<1x128xi32, #tpu.memory_space<vmem>>
      %dma_wait3A_98 = tpu.memref_squeeze %dma_wait3A_97 : memref<1x128xi32, #tpu.memory_space<vmem>> -> memref<128xi32, #tpu.memory_space<vmem>>
      %dma_wait3A_99 = arith.constant 0 : i32
      %dma_wait3A_100 = arith.constant 0 : i32
      %dma_wait3A_101 = tpu.memref_slice %arg2[%dma_wait3A_99, %dma_wait3A_100] : memref<10000x128xf32, #tpu.memory_space<hbm>> -> memref<10000x128xf32, #tpu.memory_space<hbm>>
      tpu.wait_indirect_dma semaphore(%arg11 : memref<!tpu.dma_semaphore, #tpu.memory_space<semaphore_mem>>) src(%dma_wait3A_101 : memref<10000x128xf32, #tpu.memory_space<hbm>>) dst(%dma_wait3A_95 : memref<128x128xf32, #tpu.memory_space<vmem>>)
      %dma_start3A_102 = arith.constant 1 : i32
      %dma_start3A_103 = arith.constant 1 : i32
      %dma_start3A_104 = arith.constant 0 : i32
      %dma_start3A_105 = arith.constant 0 : i32
      %dma_start3A_106 = tpu.memref_slice %arg9[%dma_start3A_102, %dma_start3A_104, %dma_start3A_105] : memref<2x128x128xf32, #tpu.memory_space<vmem>> -> memref<1x128x128xf32, #tpu.memory_space<vmem>>
      %dma_start3A_107 = tpu.memref_squeeze %dma_start3A_106 : memref<1x128x128xf32, #tpu.memory_space<vmem>> -> memref<128x128xf32, #tpu.memory_space<vmem>>
      %dma_start3A_108 = arith.constant 0 : i32
      %dma_start3A_109 = tpu.memref_slice %arg8[%dma_start3A_103, %dma_start3A_108] : memref<4x128xi32, #tpu.memory_space<vmem>> -> memref<1x128xi32, #tpu.memory_space<vmem>>
      %dma_start3A_110 = tpu.memref_squeeze %dma_start3A_109 : memref<1x128xi32, #tpu.memory_space<vmem>> -> memref<128xi32, #tpu.memory_space<vmem>>
      %dma_start3A_111 = arith.constant 0 : i32
      %dma_start3A_112 = arith.constant 0 : i32
      %dma_start3A_113 = tpu.memref_slice %arg14[%dma_start3A_111, %dma_start3A_112] : memref<10112x128xf32, #tpu.memory_space<vmem_shared>> -> memref<10112x128xf32, #tpu.memory_space<vmem_shared>>
      tpu.enqueue_indirect_dma source(%dma_start3A_107 : memref<128x128xf32, #tpu.memory_space<vmem>>) target(%dma_start3A_113 : memref<10112x128xf32, #tpu.memory_space<vmem_shared>>) offsets(%dma_start3A_110 : memref<128xi32, #tpu.memory_space<vmem>>) semaphore(%arg13 : memref<!tpu.dma_semaphore, #tpu.memory_space<semaphore_mem>>) {add = true}
      %dma_wait3A_114 = arith.constant 1 : i32
      %dma_wait3A_115 = arith.constant 1 : i32
      %dma_wait3A_116 = arith.constant 0 : i32
      %dma_wait3A_117 = arith.constant 0 : i32
      %dma_wait3A_118 = tpu.memref_slice %arg9[%dma_wait3A_114, %dma_wait3A_116, %dma_wait3A_117] : memref<2x128x128xf32, #tpu.memory_space<vmem>> -> memref<1x128x128xf32, #tpu.memory_space<vmem>>
      %dma_wait3A_119 = tpu.memref_squeeze %dma_wait3A_118 : memref<1x128x128xf32, #tpu.memory_space<vmem>> -> memref<128x128xf32, #tpu.memory_space<vmem>>
      %dma_wait3A_120 = arith.constant 0 : i32
      %dma_wait3A_121 = tpu.memref_slice %arg8[%dma_wait3A_115, %dma_wait3A_120] : memref<4x128xi32, #tpu.memory_space<vmem>> -> memref<1x128xi32, #tpu.memory_space<vmem>>
      %dma_wait3A_122 = tpu.memref_squeeze %dma_wait3A_121 : memref<1x128xi32, #tpu.memory_space<vmem>> -> memref<128xi32, #tpu.memory_space<vmem>>
      %dma_wait3A_123 = arith.constant 0 : i32
      %dma_wait3A_124 = arith.constant 0 : i32
      %dma_wait3A_125 = tpu.memref_slice %arg14[%dma_wait3A_123, %dma_wait3A_124] : memref<10112x128xf32, #tpu.memory_space<vmem_shared>> -> memref<10112x128xf32, #tpu.memory_space<vmem_shared>>
      tpu.wait_indirect_dma semaphore(%arg13 : memref<!tpu.dma_semaphore, #tpu.memory_space<semaphore_mem>>) src(%dma_wait3A_119 : memref<128x128xf32, #tpu.memory_space<vmem>>) dst(%dma_wait3A_125 : memref<10112x128xf32, #tpu.memory_space<vmem_shared>>)
      %dma_start3A_126 = arith.constant 3 : i32
      %dma_start3A_127 = arith.constant 1 : i32
      %dma_start3A_128 = arith.constant 0 : i32
      %dma_start3A_129 = arith.constant 0 : i32
      %dma_start3A_130 = tpu.memref_slice %arg9[%dma_start3A_127, %dma_start3A_128, %dma_start3A_129] : memref<2x128x128xf32, #tpu.memory_space<vmem>> -> memref<1x128x128xf32, #tpu.memory_space<vmem>>
      %dma_start3A_131 = tpu.memref_squeeze %dma_start3A_130 : memref<1x128x128xf32, #tpu.memory_space<vmem>> -> memref<128x128xf32, #tpu.memory_space<vmem>>
      %dma_start3A_132 = arith.constant 0 : i32
      %dma_start3A_133 = tpu.memref_slice %arg7[%dma_start3A_126, %dma_start3A_132] : memref<4x128xi32, #tpu.memory_space<vmem>> -> memref<1x128xi32, #tpu.memory_space<vmem>>
      %dma_start3A_134 = tpu.memref_squeeze %dma_start3A_133 : memref<1x128xi32, #tpu.memory_space<vmem>> -> memref<128xi32, #tpu.memory_space<vmem>>
      %dma_start3A_135 = arith.constant 0 : i32
      %dma_start3A_136 = arith.constant 0 : i32
      %dma_start3A_137 = tpu.memref_slice %arg2[%dma_start3A_135, %dma_start3A_136] : memref<10000x128xf32, #tpu.memory_space<hbm>> -> memref<10000x128xf32, #tpu.memory_space<hbm>>
      tpu.enqueue_indirect_dma source(%dma_start3A_137 : memref<10000x128xf32, #tpu.memory_space<hbm>>) target(%dma_start3A_131 : memref<128x128xf32, #tpu.memory_space<vmem>>) offsets(%dma_start3A_134 : memref<128xi32, #tpu.memory_space<vmem>>) semaphore(%arg11 : memref<!tpu.dma_semaphore, #tpu.memory_space<semaphore_mem>>)
      %dma_wait3A_138 = arith.constant 2 : i32
      %dma_wait3A_139 = arith.constant 0 : i32
      %dma_wait3A_140 = arith.constant 0 : i32
      %dma_wait3A_141 = arith.constant 0 : i32
      %dma_wait3A_142 = tpu.memref_slice %arg9[%dma_wait3A_139, %dma_wait3A_140, %dma_wait3A_141] : memref<2x128x128xf32, #tpu.memory_space<vmem>> -> memref<1x128x128xf32, #tpu.memory_space<vmem>>
      %dma_wait3A_143 = tpu.memref_squeeze %dma_wait3A_142 : memref<1x128x128xf32, #tpu.memory_space<vmem>> -> memref<128x128xf32, #tpu.memory_space<vmem>>
      %dma_wait3A_144 = arith.constant 0 : i32
      %dma_wait3A_145 = tpu.memref_slice %arg7[%dma_wait3A_138, %dma_wait3A_144] : memref<4x128xi32, #tpu.memory_space<vmem>> -> memref<1x128xi32, #tpu.memory_space<vmem>>
      %dma_wait3A_146 = tpu.memref_squeeze %dma_wait3A_145 : memref<1x128xi32, #tpu.memory_space<vmem>> -> memref<128xi32, #tpu.memory_space<vmem>>
      %dma_wait3A_147 = arith.constant 0 : i32
      %dma_wait3A_148 = arith.constant 0 : i32
      %dma_wait3A_149 = tpu.memref_slice %arg2[%dma_wait3A_147, %dma_wait3A_148] : memref<10000x128xf32, #tpu.memory_space<hbm>> -> memref<10000x128xf32, #tpu.memory_space<hbm>>
      tpu.wait_indirect_dma semaphore(%arg10 : memref<!tpu.dma_semaphore, #tpu.memory_space<semaphore_mem>>) src(%dma_wait3A_149 : memref<10000x128xf32, #tpu.memory_space<hbm>>) dst(%dma_wait3A_143 : memref<128x128xf32, #tpu.memory_space<vmem>>)
      %dma_start3A_150 = arith.constant 0 : i32
      %dma_start3A_151 = arith.constant 2 : i32
      %dma_start3A_152 = arith.constant 0 : i32
      %dma_start3A_153 = arith.constant 0 : i32
      %dma_start3A_154 = tpu.memref_slice %arg9[%dma_start3A_150, %dma_start3A_152, %dma_start3A_153] : memref<2x128x128xf32, #tpu.memory_space<vmem>> -> memref<1x128x128xf32, #tpu.memory_space<vmem>>
      %dma_start3A_155 = tpu.memref_squeeze %dma_start3A_154 : memref<1x128x128xf32, #tpu.memory_space<vmem>> -> memref<128x128xf32, #tpu.memory_space<vmem>>
      %dma_start3A_156 = arith.constant 0 : i32
      %dma_start3A_157 = tpu.memref_slice %arg8[%dma_start3A_151, %dma_start3A_156] : memref<4x128xi32, #tpu.memory_space<vmem>> -> memref<1x128xi32, #tpu.memory_space<vmem>>
      %dma_start3A_158 = tpu.memref_squeeze %dma_start3A_157 : memref<1x128xi32, #tpu.memory_space<vmem>> -> memref<128xi32, #tpu.memory_space<vmem>>
      %dma_start3A_159 = arith.constant 0 : i32
      %dma_start3A_160 = arith.constant 0 : i32
      %dma_start3A_161 = tpu.memref_slice %arg14[%dma_start3A_159, %dma_start3A_160] : memref<10112x128xf32, #tpu.memory_space<vmem_shared>> -> memref<10112x128xf32, #tpu.memory_space<vmem_shared>>
      tpu.enqueue_indirect_dma source(%dma_start3A_155 : memref<128x128xf32, #tpu.memory_space<vmem>>) target(%dma_start3A_161 : memref<10112x128xf32, #tpu.memory_space<vmem_shared>>) offsets(%dma_start3A_158 : memref<128xi32, #tpu.memory_space<vmem>>) semaphore(%arg12 : memref<!tpu.dma_semaphore, #tpu.memory_space<semaphore_mem>>) {add = true}
      %dma_wait3A_162 = arith.constant 3 : i32
      %dma_wait3A_163 = arith.constant 1 : i32
      %dma_wait3A_164 = arith.constant 0 : i32
      %dma_wait3A_165 = arith.constant 0 : i32
      %dma_wait3A_166 = tpu.memref_slice %arg9[%dma_wait3A_163, %dma_wait3A_164, %dma_wait3A_165] : memref<2x128x128xf32, #tpu.memory_space<vmem>> -> memref<1x128x128xf32, #tpu.memory_space<vmem>>
      %dma_wait3A_167 = tpu.memref_squeeze %dma_wait3A_166 : memref<1x128x128xf32, #tpu.memory_space<vmem>> -> memref<128x128xf32, #tpu.memory_space<vmem>>
      %dma_wait3A_168 = arith.constant 0 : i32
      %dma_wait3A_169 = tpu.memref_slice %arg7[%dma_wait3A_162, %dma_wait3A_168] : memref<4x128xi32, #tpu.memory_space<vmem>> -> memref<1x128xi32, #tpu.memory_space<vmem>>
      %dma_wait3A_170 = tpu.memref_squeeze %dma_wait3A_169 : memref<1x128xi32, #tpu.memory_space<vmem>> -> memref<128xi32, #tpu.memory_space<vmem>>
      %dma_wait3A_171 = arith.constant 0 : i32
      %dma_wait3A_172 = arith.constant 0 : i32
      %dma_wait3A_173 = tpu.memref_slice %arg2[%dma_wait3A_171, %dma_wait3A_172] : memref<10000x128xf32, #tpu.memory_space<hbm>> -> memref<10000x128xf32, #tpu.memory_space<hbm>>
      tpu.wait_indirect_dma semaphore(%arg11 : memref<!tpu.dma_semaphore, #tpu.memory_space<semaphore_mem>>) src(%dma_wait3A_173 : memref<10000x128xf32, #tpu.memory_space<hbm>>) dst(%dma_wait3A_167 : memref<128x128xf32, #tpu.memory_space<vmem>>)
      %dma_start3A_174 = arith.constant 1 : i32
      %dma_start3A_175 = arith.constant 3 : i32
      %dma_start3A_176 = arith.constant 0 : i32
      %dma_start3A_177 = arith.constant 0 : i32
      %dma_start3A_178 = tpu.memref_slice %arg9[%dma_start3A_174, %dma_start3A_176, %dma_start3A_177] : memref<2x128x128xf32, #tpu.memory_space<vmem>> -> memref<1x128x128xf32, #tpu.memory_space<vmem>>
      %dma_start3A_179 = tpu.memref_squeeze %dma_start3A_178 : memref<1x128x128xf32, #tpu.memory_space<vmem>> -> memref<128x128xf32, #tpu.memory_space<vmem>>
      %dma_start3A_180 = arith.constant 0 : i32
      %dma_start3A_181 = tpu.memref_slice %arg8[%dma_start3A_175, %dma_start3A_180] : memref<4x128xi32, #tpu.memory_space<vmem>> -> memref<1x128xi32, #tpu.memory_space<vmem>>
      %dma_start3A_182 = tpu.memref_squeeze %dma_start3A_181 : memref<1x128xi32, #tpu.memory_space<vmem>> -> memref<128xi32, #tpu.memory_space<vmem>>
      %dma_start3A_183 = arith.constant 0 : i32
      %dma_start3A_184 = arith.constant 0 : i32
      %dma_start3A_185 = tpu.memref_slice %arg14[%dma_start3A_183, %dma_start3A_184] : memref<10112x128xf32, #tpu.memory_space<vmem_shared>> -> memref<10112x128xf32, #tpu.memory_space<vmem_shared>>
      tpu.enqueue_indirect_dma source(%dma_start3A_179 : memref<128x128xf32, #tpu.memory_space<vmem>>) target(%dma_start3A_185 : memref<10112x128xf32, #tpu.memory_space<vmem_shared>>) offsets(%dma_start3A_182 : memref<128xi32, #tpu.memory_space<vmem>>) semaphore(%arg13 : memref<!tpu.dma_semaphore, #tpu.memory_space<semaphore_mem>>) {add = true}
      %dma_wait3A_186 = arith.constant 0 : i32
      %dma_wait3A_187 = arith.constant 2 : i32
      %dma_wait3A_188 = arith.constant 0 : i32
      %dma_wait3A_189 = arith.constant 0 : i32
      %dma_wait3A_190 = tpu.memref_slice %arg9[%dma_wait3A_186, %dma_wait3A_188, %dma_wait3A_189] : memref<2x128x128xf32, #tpu.memory_space<vmem>> -> memref<1x128x128xf32, #tpu.memory_space<vmem>>
      %dma_wait3A_191 = tpu.memref_squeeze %dma_wait3A_190 : memref<1x128x128xf32, #tpu.memory_space<vmem>> -> memref<128x128xf32, #tpu.memory_space<vmem>>
      %dma_wait3A_192 = arith.constant 0 : i32
      %dma_wait3A_193 = tpu.memref_slice %arg8[%dma_wait3A_187, %dma_wait3A_192] : memref<4x128xi32, #tpu.memory_space<vmem>> -> memref<1x128xi32, #tpu.memory_space<vmem>>
      %dma_wait3A_194 = tpu.memref_squeeze %dma_wait3A_193 : memref<1x128xi32, #tpu.memory_space<vmem>> -> memref<128xi32, #tpu.memory_space<vmem>>
      %dma_wait3A_195 = arith.constant 0 : i32
      %dma_wait3A_196 = arith.constant 0 : i32
      %dma_wait3A_197 = tpu.memref_slice %arg14[%dma_wait3A_195, %dma_wait3A_196] : memref<10112x128xf32, #tpu.memory_space<vmem_shared>> -> memref<10112x128xf32, #tpu.memory_space<vmem_shared>>
      tpu.wait_indirect_dma semaphore(%arg12 : memref<!tpu.dma_semaphore, #tpu.memory_space<semaphore_mem>>) src(%dma_wait3A_191 : memref<128x128xf32, #tpu.memory_space<vmem>>) dst(%dma_wait3A_197 : memref<10112x128xf32, #tpu.memory_space<vmem_shared>>)
      %dma_wait3A_198 = arith.constant 1 : i32
      %dma_wait3A_199 = arith.constant 3 : i32
      %dma_wait3A_200 = arith.constant 0 : i32
      %dma_wait3A_201 = arith.constant 0 : i32
      %dma_wait3A_202 = tpu.memref_slice %arg9[%dma_wait3A_198, %dma_wait3A_200, %dma_wait3A_201] : memref<2x128x128xf32, #tpu.memory_space<vmem>> -> memref<1x128x128xf32, #tpu.memory_space<vmem>>
      %dma_wait3A_203 = tpu.memref_squeeze %dma_wait3A_202 : memref<1x128x128xf32, #tpu.memory_space<vmem>> -> memref<128x128xf32, #tpu.memory_space<vmem>>
      %dma_wait3A_204 = arith.constant 0 : i32
      %dma_wait3A_205 = tpu.memref_slice %arg8[%dma_wait3A_199, %dma_wait3A_204] : memref<4x128xi32, #tpu.memory_space<vmem>> -> memref<1x128xi32, #tpu.memory_space<vmem>>
      %dma_wait3A_206 = tpu.memref_squeeze %dma_wait3A_205 : memref<1x128xi32, #tpu.memory_space<vmem>> -> memref<128xi32, #tpu.memory_space<vmem>>
      %dma_wait3A_207 = arith.constant 0 : i32
      %dma_wait3A_208 = arith.constant 0 : i32
      %dma_wait3A_209 = tpu.memref_slice %arg14[%dma_wait3A_207, %dma_wait3A_208] : memref<10112x128xf32, #tpu.memory_space<vmem_shared>> -> memref<10112x128xf32, #tpu.memory_space<vmem_shared>>
      tpu.wait_indirect_dma semaphore(%arg13 : memref<!tpu.dma_semaphore, #tpu.memory_space<semaphore_mem>>) src(%dma_wait3A_203 : memref<128x128xf32, #tpu.memory_space<vmem>>) dst(%dma_wait3A_209 : memref<10112x128xf32, #tpu.memory_space<vmem_shared>>)
    }
    %scan3A_9 = arith.constant 20 : i32
    %barrier3A_10 = arith.constant 0 : index
    tpu.barrier barrier_id(%barrier3A_10)
    %mul3A_11 = arith.constant 632 : i32
    %mul3A_12 = arith.muli %arg1, %mul3A_11 : i32
    %mul3A_13 = arith.constant 632 : i32
    %mul3A_14 = arith.muli %arg1, %mul3A_13 : i32
    "tpu.region"() ({
      %run_scoped3A = tpu.sem_alloc : memref<!tpu.dma_semaphore, #tpu.memory_space<semaphore_mem>>
      %dma_start3A = arith.constant 0 : i32
      %dma_start3A_15 = tpu.memref_slice %arg6[%arg0, %mul3A_14, %dma_start3A] : memref<2x10112x128xf32, #tpu.memory_space<hbm>> -> memref<1x632x128xf32, #tpu.memory_space<hbm>>
      %dma_start3A_16 = tpu.memref_squeeze %dma_start3A_15 : memref<1x632x128xf32, #tpu.memory_space<hbm>> -> memref<632x128xf32, #tpu.memory_space<hbm>>
      %dma_start3A_17 = arith.constant 0 : i32
      %dma_start3A_18 = tpu.memref_slice %arg14[%mul3A_12, %dma_start3A_17] : memref<10112x128xf32, #tpu.memory_space<vmem_shared>> -> memref<632x128xf32, #tpu.memory_space<vmem_shared>>
      tpu.enqueue_dma source(%dma_start3A_18 : memref<632x128xf32, #tpu.memory_space<vmem_shared>>) target(%dma_start3A_16 : memref<632x128xf32, #tpu.memory_space<hbm>>) target_semaphore(%run_scoped3A : memref<!tpu.dma_semaphore, #tpu.memory_space<semaphore_mem>>)
      %dma_wait3A = arith.constant 0 : i32
      %dma_wait3A_19 = tpu.memref_slice %arg6[%arg0, %mul3A_14, %dma_wait3A] : memref<2x10112x128xf32, #tpu.memory_space<hbm>> -> memref<1x632x128xf32, #tpu.memory_space<hbm>>
      %dma_wait3A_20 = tpu.memref_squeeze %dma_wait3A_19 : memref<1x632x128xf32, #tpu.memory_space<hbm>> -> memref<632x128xf32, #tpu.memory_space<hbm>>
      %dma_wait3A_21 = arith.constant 0 : i32
      %dma_wait3A_22 = tpu.memref_slice %arg14[%mul3A_12, %dma_wait3A_21] : memref<10112x128xf32, #tpu.memory_space<vmem_shared>> -> memref<632x128xf32, #tpu.memory_space<vmem_shared>>
      tpu.wait_dma2 semaphore(%run_scoped3A : memref<!tpu.dma_semaphore, #tpu.memory_space<semaphore_mem>>) src(%dma_wait3A_22 : memref<632x128xf32, #tpu.memory_space<vmem_shared>>) dst(%dma_wait3A_20 : memref<632x128xf32, #tpu.memory_space<hbm>>)
      tpu.yield
    }) : () -> ()
    return
  }
}

#map = affine_map<(d0, d1) -> (0, 0)>
#map1 = affine_map<(d0, d1) -> (0, 0, 0)>
module attributes {stable_mosaic.version = 14 : i64} {
  func.func @body(%arg0: i32, %arg1: i32, %arg2: memref<10000x128xf32, #tpu.memory_space<hbm>>, %arg3: memref<32x80x128xi32, #tpu.memory_space<hbm>>, %arg4: memref<32x80x128xi32, #tpu.memory_space<hbm>>, %arg5: memref<10112x128xf32, #tpu.memory_space<hbm>>, %arg6: memref<2x10112x128xf32, #tpu.memory_space<hbm>>, %arg7: memref<4x128xi32, #tpu.memory_space<vmem>>, %arg8: memref<4x128xi32, #tpu.memory_space<vmem>>, %arg9: memref<2x128x128xf32, #tpu.memory_space<vmem>>, %arg10: memref<!tpu.dma_semaphore, #tpu.memory_space<semaphore_mem>>, %arg11: memref<!tpu.dma_semaphore, #tpu.memory_space<semaphore_mem>>, %arg12: memref<!tpu.dma_semaphore, #tpu.memory_space<semaphore_mem>>, %arg13: memref<!tpu.dma_semaphore, #tpu.memory_space<semaphore_mem>>, %arg14: memref<10112x128xf32, #tpu.memory_space<vmem_shared>>) attributes {dimension_semantics = [#tpu.dimension_semantics<core_parallel>, #tpu.dimension_semantics<subcore_parallel>], iteration_bounds = array<i64: 2, 16>, scalar_prefetch = 0 : i64, scratch_operands = 8 : i64, tpu.core_type = #tpu.core_type<sc_vector_subcore>, window_params = [{transform_indices = #map}, {transform_indices = #map1}, {transform_indices = #map1}, {transform_indices = #map}, {transform_indices = #map1}]} {
    %mul3A = arith.constant 16 : i32
    %mul3A_0 = arith.muli %arg0, %mul3A : i32
    %add3A = arith.addi %mul3A_0, %arg1 : i32
    %mul3A_1 = arith.constant 632 : i32
    %mul3A_2 = arith.muli %arg1, %mul3A_1 : i32
    %mul3A_3 = arith.constant 632 : i32
    %mul3A_4 = arith.muli %arg1, %mul3A_3 : i32
    "tpu.region"() ({
      %run_scoped3A = tpu.sem_alloc : memref<!tpu.dma_semaphore, #tpu.memory_space<semaphore_mem>>
      %dma_start3A = arith.constant 0 : i32
      %dma_start3A_15 = tpu.memref_slice %arg14[%mul3A_4, %dma_start3A] : memref<10112x128xf32, #tpu.memory_space<vmem_shared>> -> memref<632x128xf32, #tpu.memory_space<vmem_shared>>
      %dma_start3A_16 = arith.constant 0 : i32
      %dma_start3A_17 = tpu.memref_slice %arg5[%mul3A_2, %dma_start3A_16] : memref<10112x128xf32, #tpu.memory_space<hbm>> -> memref<632x128xf32, #tpu.memory_space<hbm>>
      tpu.enqueue_dma source(%dma_start3A_17 : memref<632x128xf32, #tpu.memory_space<hbm>>) target(%dma_start3A_15 : memref<632x128xf32, #tpu.memory_space<vmem_shared>>) target_semaphore(%run_scoped3A : memref<!tpu.dma_semaphore, #tpu.memory_space<semaphore_mem>>)
      %dma_wait3A = arith.constant 0 : i32
      %dma_wait3A_18 = tpu.memref_slice %arg14[%mul3A_4, %dma_wait3A] : memref<10112x128xf32, #tpu.memory_space<vmem_shared>> -> memref<632x128xf32, #tpu.memory_space<vmem_shared>>
      %dma_wait3A_19 = arith.constant 0 : i32
      %dma_wait3A_20 = tpu.memref_slice %arg5[%mul3A_2, %dma_wait3A_19] : memref<10112x128xf32, #tpu.memory_space<hbm>> -> memref<632x128xf32, #tpu.memory_space<hbm>>
      tpu.wait_dma2 semaphore(%run_scoped3A : memref<!tpu.dma_semaphore, #tpu.memory_space<semaphore_mem>>) src(%dma_wait3A_20 : memref<632x128xf32, #tpu.memory_space<hbm>>) dst(%dma_wait3A_18 : memref<632x128xf32, #tpu.memory_space<vmem_shared>>)
      tpu.yield
    }) : () -> ()
    %barrier3A = arith.constant 0 : index
    tpu.barrier barrier_id(%barrier3A)
    %scan3A = arith.constant 0 : i32
    %scan3A_5 = arith.constant 0 : i32
    %scan3A_6 = arith.constant 20 : i32
    %scan3A_7 = arith.addi %scan3A_5, %scan3A_6 : i32
    %scan3A_8 = arith.constant 1 : i32
    scf.for %scan3A_15 = %scan3A_5 to %scan3A_7 step %scan3A_8  : i32 {
      %mul3A_16 = arith.constant 4 : i32
      %mul3A_17 = arith.muli %scan3A_15, %mul3A_16 : i32
      "tpu.region"() ({
        %run_scoped3A = tpu.sem_alloc : memref<!tpu.dma_semaphore, #tpu.memory_space<semaphore_mem>>
        %dma_start3A_210 = arith.constant 0 : i32
        %dma_start3A_211 = tpu.memref_slice %arg3[%add3A, %mul3A_17, %dma_start3A_210] : memref<32x80x128xi32, #tpu.memory_space<hbm>> -> memref<1x4x128xi32, #tpu.memory_space<hbm>>
        %dma_start3A_212 = tpu.memref_squeeze %dma_start3A_211 : memref<1x4x128xi32, #tpu.memory_space<hbm>> -> memref<4x128xi32, #tpu.memory_space<hbm>>
        %dma_start3A_213 = arith.constant 0 : i32
        %dma_start3A_214 = tpu.memref_slice %arg3[%add3A, %mul3A_17, %dma_start3A_213] : memref<32x80x128xi32, #tpu.memory_space<hbm>> -> memref<1x4x128xi32, #tpu.memory_space<hbm>>
        %dma_start3A_215 = tpu.memref_squeeze %dma_start3A_214 : memref<1x4x128xi32, #tpu.memory_space<hbm>> -> memref<4x128xi32, #tpu.memory_space<hbm>>
        tpu.enqueue_dma source(%dma_start3A_215 : memref<4x128xi32, #tpu.memory_space<hbm>>) target(%arg7 : memref<4x128xi32, #tpu.memory_space<vmem>>) target_semaphore(%run_scoped3A : memref<!tpu.dma_semaphore, #tpu.memory_space<semaphore_mem>>)
        %dma_wait3A_216 = arith.constant 0 : i32
        %dma_wait3A_217 = tpu.memref_slice %arg3[%add3A, %mul3A_17, %dma_wait3A_216] : memref<32x80x128xi32, #tpu.memory_space<hbm>> -> memref<1x4x128xi32, #tpu.memory_space<hbm>>
        %dma_wait3A_218 = tpu.memref_squeeze %dma_wait3A_217 : memref<1x4x128xi32, #tpu.memory_space<hbm>> -> memref<4x128xi32, #tpu.memory_space<hbm>>
        %dma_wait3A_219 = arith.constant 0 : i32
        %dma_wait3A_220 = tpu.memref_slice %arg3[%add3A, %mul3A_17, %dma_wait3A_219] : memref<32x80x128xi32, #tpu.memory_space<hbm>> -> memref<1x4x128xi32, #tpu.memory_space<hbm>>
        %dma_wait3A_221 = tpu.memref_squeeze %dma_wait3A_220 : memref<1x4x128xi32, #tpu.memory_space<hbm>> -> memref<4x128xi32, #tpu.memory_space<hbm>>
        tpu.wait_dma2 semaphore(%run_scoped3A : memref<!tpu.dma_semaphore, #tpu.memory_space<semaphore_mem>>) src(%dma_wait3A_221 : memref<4x128xi32, #tpu.memory_space<hbm>>) dst(%arg7 : memref<4x128xi32, #tpu.memory_space<vmem>>)
        tpu.yield
      }) : () -> ()
      %mul3A_18 = arith.constant 4 : i32
      %mul3A_19 = arith.muli %scan3A_15, %mul3A_18 : i32
      "tpu.region"() ({
        %run_scoped3A = tpu.sem_alloc : memref<!tpu.dma_semaphore, #tpu.memory_space<semaphore_mem>>
        %dma_start3A_210 = arith.constant 0 : i32
        %dma_start3A_211 = tpu.memref_slice %arg4[%add3A, %mul3A_19, %dma_start3A_210] : memref<32x80x128xi32, #tpu.memory_space<hbm>> -> memref<1x4x128xi32, #tpu.memory_space<hbm>>
        %dma_start3A_212 = tpu.memref_squeeze %dma_start3A_211 : memref<1x4x128xi32, #tpu.memory_space<hbm>> -> memref<4x128xi32, #tpu.memory_space<hbm>>
        %dma_start3A_213 = arith.constant 0 : i32
        %dma_start3A_214 = tpu.memref_slice %arg4[%add3A, %mul3A_19, %dma_start3A_213] : memref<32x80x128xi32, #tpu.memory_space<hbm>> -> memref<1x4x128xi32, #tpu.memory_space<hbm>>
        %dma_start3A_215 = tpu.memref_squeeze %dma_start3A_214 : memref<1x4x128xi32, #tpu.memory_space<hbm>> -> memref<4x128xi32, #tpu.memory_space<hbm>>
        tpu.enqueue_dma source(%dma_start3A_215 : memref<4x128xi32, #tpu.memory_space<hbm>>) target(%arg8 : memref<4x128xi32, #tpu.memory_space<vmem>>) target_semaphore(%run_scoped3A : memref<!tpu.dma_semaphore, #tpu.memory_space<semaphore_mem>>)
        %dma_wait3A_216 = arith.constant 0 : i32
        %dma_wait3A_217 = tpu.memref_slice %arg4[%add3A, %mul3A_19, %dma_wait3A_216] : memref<32x80x128xi32, #tpu.memory_space<hbm>> -> memref<1x4x128xi32, #tpu.memory_space<hbm>>
        %dma_wait3A_218 = tpu.memref_squeeze %dma_wait3A_217 : memref<1x4x128xi32, #tpu.memory_space<hbm>> -> memref<4x128xi32, #tpu.memory_space<hbm>>
        %dma_wait3A_219 = arith.constant 0 : i32
        %dma_wait3A_220 = tpu.memref_slice %arg4[%add3A, %mul3A_19, %dma_wait3A_219] : memref<32x80x128xi32, #tpu.memory_space<hbm>> -> memref<1x4x128xi32, #tpu.memory_space<hbm>>
        %dma_wait3A_221 = tpu.memref_squeeze %dma_wait3A_220 : memref<1x4x128xi32, #tpu.memory_space<hbm>> -> memref<4x128xi32, #tpu.memory_space<hbm>>
        tpu.wait_dma2 semaphore(%run_scoped3A : memref<!tpu.dma_semaphore, #tpu.memory_space<semaphore_mem>>) src(%dma_wait3A_221 : memref<4x128xi32, #tpu.memory_space<hbm>>) dst(%arg8 : memref<4x128xi32, #tpu.memory_space<vmem>>)
        tpu.yield
      }) : () -> ()
      %dma_start3A = arith.constant 0 : i32
      %dma_start3A_20 = arith.constant 0 : i32
      %dma_start3A_21 = arith.constant 0 : i32
      %dma_start3A_22 = arith.constant 0 : i32
      %dma_start3A_23 = tpu.memref_slice %arg9[%dma_start3A_20, %dma_start3A_21, %dma_start3A_22] : memref<2x128x128xf32, #tpu.memory_space<vmem>> -> memref<1x128x128xf32, #tpu.memory_space<vmem>>
      %dma_start3A_24 = tpu.memref_squeeze %dma_start3A_23 : memref<1x128x128xf32, #tpu.memory_space<vmem>> -> memref<128x128xf32, #tpu.memory_space<vmem>>
      %dma_start3A_25 = arith.constant 0 : i32
      %dma_start3A_26 = tpu.memref_slice %arg7[%dma_start3A, %dma_start3A_25] : memref<4x128xi32, #tpu.memory_space<vmem>> -> memref<1x128xi32, #tpu.memory_space<vmem>>
      %dma_start3A_27 = tpu.memref_squeeze %dma_start3A_26 : memref<1x128xi32, #tpu.memory_space<vmem>> -> memref<128xi32, #tpu.memory_space<vmem>>
      %dma_start3A_28 = arith.constant 0 : i32
      %dma_start3A_29 = arith.constant 0 : i32
      %dma_start3A_30 = tpu.memref_slice %arg2[%dma_start3A_28, %dma_start3A_29] : memref<10000x128xf32, #tpu.memory_space<hbm>> -> memref<10000x128xf32, #tpu.memory_space<hbm>>
      tpu.enqueue_indirect_dma source(%dma_start3A_30 : memref<10000x128xf32, #tpu.memory_space<hbm>>) target(%dma_start3A_24 : memref<128x128xf32, #tpu.memory_space<vmem>>) offsets(%dma_start3A_27 : memref<128xi32, #tpu.memory_space<vmem>>) semaphore(%arg10 : memref<!tpu.dma_semaphore, #tpu.memory_space<semaphore_mem>>)
      %dma_start3A_31 = arith.constant 1 : i32
      %dma_start3A_32 = arith.constant 1 : i32
      %dma_start3A_33 = arith.constant 0 : i32
      %dma_start3A_34 = arith.constant 0 : i32
      %dma_start3A_35 = tpu.memref_slice %arg9[%dma_start3A_32, %dma_start3A_33, %dma_start3A_34] : memref<2x128x128xf32, #tpu.memory_space<vmem>> -> memref<1x128x128xf32, #tpu.memory_space<vmem>>
      %dma_start3A_36 = tpu.memref_squeeze %dma_start3A_35 : memref<1x128x128xf32, #tpu.memory_space<vmem>> -> memref<128x128xf32, #tpu.memory_space<vmem>>
      %dma_start3A_37 = arith.constant 0 : i32
      %dma_start3A_38 = tpu.memref_slice %arg7[%dma_start3A_31, %dma_start3A_37] : memref<4x128xi32, #tpu.memory_space<vmem>> -> memref<1x128xi32, #tpu.memory_space<vmem>>
      %dma_start3A_39 = tpu.memref_squeeze %dma_start3A_38 : memref<1x128xi32, #tpu.memory_space<vmem>> -> memref<128xi32, #tpu.memory_space<vmem>>
      %dma_start3A_40 = arith.constant 0 : i32
      %dma_start3A_41 = arith.constant 0 : i32
      %dma_start3A_42 = tpu.memref_slice %arg2[%dma_start3A_40, %dma_start3A_41] : memref<10000x128xf32, #tpu.memory_space<hbm>> -> memref<10000x128xf32, #tpu.memory_space<hbm>>
      tpu.enqueue_indirect_dma source(%dma_start3A_42 : memref<10000x128xf32, #tpu.memory_space<hbm>>) target(%dma_start3A_36 : memref<128x128xf32, #tpu.memory_space<vmem>>) offsets(%dma_start3A_39 : memref<128xi32, #tpu.memory_space<vmem>>) semaphore(%arg11 : memref<!tpu.dma_semaphore, #tpu.memory_space<semaphore_mem>>)
      %dma_wait3A = arith.constant 0 : i32
      %dma_wait3A_43 = arith.constant 0 : i32
      %dma_wait3A_44 = arith.constant 0 : i32
      %dma_wait3A_45 = arith.constant 0 : i32
      %dma_wait3A_46 = tpu.memref_slice %arg9[%dma_wait3A_43, %dma_wait3A_44, %dma_wait3A_45] : memref<2x128x128xf32, #tpu.memory_space<vmem>> -> memref<1x128x128xf32, #tpu.memory_space<vmem>>
      %dma_wait3A_47 = tpu.memref_squeeze %dma_wait3A_46 : memref<1x128x128xf32, #tpu.memory_space<vmem>> -> memref<128x128xf32, #tpu.memory_space<vmem>>
      %dma_wait3A_48 = arith.constant 0 : i32
      %dma_wait3A_49 = tpu.memref_slice %arg7[%dma_wait3A, %dma_wait3A_48] : memref<4x128xi32, #tpu.memory_space<vmem>> -> memref<1x128xi32, #tpu.memory_space<vmem>>
      %dma_wait3A_50 = tpu.memref_squeeze %dma_wait3A_49 : memref<1x128xi32, #tpu.memory_space<vmem>> -> memref<128xi32, #tpu.memory_space<vmem>>
      %dma_wait3A_51 = arith.constant 0 : i32
      %dma_wait3A_52 = arith.constant 0 : i32
      %dma_wait3A_53 = tpu.memref_slice %arg2[%dma_wait3A_51, %dma_wait3A_52] : memref<10000x128xf32, #tpu.memory_space<hbm>> -> memref<10000x128xf32, #tpu.memory_space<hbm>>
      tpu.wait_indirect_dma semaphore(%arg10 : memref<!tpu.dma_semaphore, #tpu.memory_space<semaphore_mem>>) src(%dma_wait3A_53 : memref<10000x128xf32, #tpu.memory_space<hbm>>) dst(%dma_wait3A_47 : memref<128x128xf32, #tpu.memory_space<vmem>>)
      %dma_start3A_54 = arith.constant 0 : i32
      %dma_start3A_55 = arith.constant 0 : i32
      %dma_start3A_56 = arith.constant 0 : i32
      %dma_start3A_57 = arith.constant 0 : i32
      %dma_start3A_58 = tpu.memref_slice %arg9[%dma_start3A_54, %dma_start3A_56, %dma_start3A_57] : memref<2x128x128xf32, #tpu.memory_space<vmem>> -> memref<1x128x128xf32, #tpu.memory_space<vmem>>
      %dma_start3A_59 = tpu.memref_squeeze %dma_start3A_58 : memref<1x128x128xf32, #tpu.memory_space<vmem>> -> memref<128x128xf32, #tpu.memory_space<vmem>>
      %dma_start3A_60 = arith.constant 0 : i32
      %dma_start3A_61 = tpu.memref_slice %arg8[%dma_start3A_55, %dma_start3A_60] : memref<4x128xi32, #tpu.memory_space<vmem>> -> memref<1x128xi32, #tpu.memory_space<vmem>>
      %dma_start3A_62 = tpu.memref_squeeze %dma_start3A_61 : memref<1x128xi32, #tpu.memory_space<vmem>> -> memref<128xi32, #tpu.memory_space<vmem>>
      %dma_start3A_63 = arith.constant 0 : i32
      %dma_start3A_64 = arith.constant 0 : i32
      %dma_start3A_65 = tpu.memref_slice %arg14[%dma_start3A_63, %dma_start3A_64] : memref<10112x128xf32, #tpu.memory_space<vmem_shared>> -> memref<10112x128xf32, #tpu.memory_space<vmem_shared>>
      tpu.enqueue_indirect_dma source(%dma_start3A_59 : memref<128x128xf32, #tpu.memory_space<vmem>>) target(%dma_start3A_65 : memref<10112x128xf32, #tpu.memory_space<vmem_shared>>) offsets(%dma_start3A_62 : memref<128xi32, #tpu.memory_space<vmem>>) semaphore(%arg12 : memref<!tpu.dma_semaphore, #tpu.memory_space<semaphore_mem>>) {add = true}
      %dma_wait3A_66 = arith.constant 0 : i32
      %dma_wait3A_67 = arith.constant 0 : i32
      %dma_wait3A_68 = arith.constant 0 : i32
      %dma_wait3A_69 = arith.constant 0 : i32
      %dma_wait3A_70 = tpu.memref_slice %arg9[%dma_wait3A_66, %dma_wait3A_68, %dma_wait3A_69] : memref<2x128x128xf32, #tpu.memory_space<vmem>> -> memref<1x128x128xf32, #tpu.memory_space<vmem>>
      %dma_wait3A_71 = tpu.memref_squeeze %dma_wait3A_70 : memref<1x128x128xf32, #tpu.memory_space<vmem>> -> memref<128x128xf32, #tpu.memory_space<vmem>>
      %dma_wait3A_72 = arith.constant 0 : i32
      %dma_wait3A_73 = tpu.memref_slice %arg8[%dma_wait3A_67, %dma_wait3A_72] : memref<4x128xi32, #tpu.memory_space<vmem>> -> memref<1x128xi32, #tpu.memory_space<vmem>>
      %dma_wait3A_74 = tpu.memref_squeeze %dma_wait3A_73 : memref<1x128xi32, #tpu.memory_space<vmem>> -> memref<128xi32, #tpu.memory_space<vmem>>
      %dma_wait3A_75 = arith.constant 0 : i32
      %dma_wait3A_76 = arith.constant 0 : i32
      %dma_wait3A_77 = tpu.memref_slice %arg14[%dma_wait3A_75, %dma_wait3A_76] : memref<10112x128xf32, #tpu.memory_space<vmem_shared>> -> memref<10112x128xf32, #tpu.memory_space<vmem_shared>>
      tpu.wait_indirect_dma semaphore(%arg12 : memref<!tpu.dma_semaphore, #tpu.memory_space<semaphore_mem>>) src(%dma_wait3A_71 : memref<128x128xf32, #tpu.memory_space<vmem>>) dst(%dma_wait3A_77 : memref<10112x128xf32, #tpu.memory_space<vmem_shared>>)
      %dma_start3A_78 = arith.constant 2 : i32
      %dma_start3A_79 = arith.constant 0 : i32
      %dma_start3A_80 = arith.constant 0 : i32
      %dma_start3A_81 = arith.constant 0 : i32
      %dma_start3A_82 = tpu.memref_slice %arg9[%dma_start3A_79, %dma_start3A_80, %dma_start3A_81] : memref<2x128x128xf32, #tpu.memory_space<vmem>> -> memref<1x128x128xf32, #tpu.memory_space<vmem>>
      %dma_start3A_83 = tpu.memref_squeeze %dma_start3A_82 : memref<1x128x128xf32, #tpu.memory_space<vmem>> -> memref<128x128xf32, #tpu.memory_space<vmem>>
      %dma_start3A_84 = arith.constant 0 : i32
      %dma_start3A_85 = tpu.memref_slice %arg7[%dma_start3A_78, %dma_start3A_84] : memref<4x128xi32, #tpu.memory_space<vmem>> -> memref<1x128xi32, #tpu.memory_space<vmem>>
      %dma_start3A_86 = tpu.memref_squeeze %dma_start3A_85 : memref<1x128xi32, #tpu.memory_space<vmem>> -> memref<128xi32, #tpu.memory_space<vmem>>
      %dma_start3A_87 = arith.constant 0 : i32
      %dma_start3A_88 = arith.constant 0 : i32
      %dma_start3A_89 = tpu.memref_slice %arg2[%dma_start3A_87, %dma_start3A_88] : memref<10000x128xf32, #tpu.memory_space<hbm>> -> memref<10000x128xf32, #tpu.memory_space<hbm>>
      tpu.enqueue_indirect_dma source(%dma_start3A_89 : memref<10000x128xf32, #tpu.memory_space<hbm>>) target(%dma_start3A_83 : memref<128x128xf32, #tpu.memory_space<vmem>>) offsets(%dma_start3A_86 : memref<128xi32, #tpu.memory_space<vmem>>) semaphore(%arg10 : memref<!tpu.dma_semaphore, #tpu.memory_space<semaphore_mem>>)
      %dma_wait3A_90 = arith.constant 1 : i32
      %dma_wait3A_91 = arith.constant 1 : i32
      %dma_wait3A_92 = arith.constant 0 : i32
      %dma_wait3A_93 = arith.constant 0 : i32
      %dma_wait3A_94 = tpu.memref_slice %arg9[%dma_wait3A_91, %dma_wait3A_92, %dma_wait3A_93] : memref<2x128x128xf32, #tpu.memory_space<vmem>> -> memref<1x128x128xf32, #tpu.memory_space<vmem>>
      %dma_wait3A_95 = tpu.memref_squeeze %dma_wait3A_94 : memref<1x128x128xf32, #tpu.memory_space<vmem>> -> memref<128x128xf32, #tpu.memory_space<vmem>>
      %dma_wait3A_96 = arith.constant 0 : i32
      %dma_wait3A_97 = tpu.memref_slice %arg7[%dma_wait3A_90, %dma_wait3A_96] : memref<4x128xi32, #tpu.memory_space<vmem>> -> memref<1x128xi32, #tpu.memory_space<vmem>>
      %dma_wait3A_98 = tpu.memref_squeeze %dma_wait3A_97 : memref<1x128xi32, #tpu.memory_space<vmem>> -> memref<128xi32, #tpu.memory_space<vmem>>
      %dma_wait3A_99 = arith.constant 0 : i32
      %dma_wait3A_100 = arith.constant 0 : i32
      %dma_wait3A_101 = tpu.memref_slice %arg2[%dma_wait3A_99, %dma_wait3A_100] : memref<10000x128xf32, #tpu.memory_space<hbm>> -> memref<10000x128xf32, #tpu.memory_space<hbm>>
      tpu.wait_indirect_dma semaphore(%arg11 : memref<!tpu.dma_semaphore, #tpu.memory_space<semaphore_mem>>) src(%dma_wait3A_101 : memref<10000x128xf32, #tpu.memory_space<hbm>>) dst(%dma_wait3A_95 : memref<128x128xf32, #tpu.memory_space<vmem>>)
      %dma_start3A_102 = arith.constant 1 : i32
      %dma_start3A_103 = arith.constant 1 : i32
      %dma_start3A_104 = arith.constant 0 : i32
      %dma_start3A_105 = arith.constant 0 : i32
      %dma_start3A_106 = tpu.memref_slice %arg9[%dma_start3A_102, %dma_start3A_104, %dma_start3A_105] : memref<2x128x128xf32, #tpu.memory_space<vmem>> -> memref<1x128x128xf32, #tpu.memory_space<vmem>>
      %dma_start3A_107 = tpu.memref_squeeze %dma_start3A_106 : memref<1x128x128xf32, #tpu.memory_space<vmem>> -> memref<128x128xf32, #tpu.memory_space<vmem>>
      %dma_start3A_108 = arith.constant 0 : i32
      %dma_start3A_109 = tpu.memref_slice %arg8[%dma_start3A_103, %dma_start3A_108] : memref<4x128xi32, #tpu.memory_space<vmem>> -> memref<1x128xi32, #tpu.memory_space<vmem>>
      %dma_start3A_110 = tpu.memref_squeeze %dma_start3A_109 : memref<1x128xi32, #tpu.memory_space<vmem>> -> memref<128xi32, #tpu.memory_space<vmem>>
      %dma_start3A_111 = arith.constant 0 : i32
      %dma_start3A_112 = arith.constant 0 : i32
      %dma_start3A_113 = tpu.memref_slice %arg14[%dma_start3A_111, %dma_start3A_112] : memref<10112x128xf32, #tpu.memory_space<vmem_shared>> -> memref<10112x128xf32, #tpu.memory_space<vmem_shared>>
      tpu.enqueue_indirect_dma source(%dma_start3A_107 : memref<128x128xf32, #tpu.memory_space<vmem>>) target(%dma_start3A_113 : memref<10112x128xf32, #tpu.memory_space<vmem_shared>>) offsets(%dma_start3A_110 : memref<128xi32, #tpu.memory_space<vmem>>) semaphore(%arg13 : memref<!tpu.dma_semaphore, #tpu.memory_space<semaphore_mem>>) {add = true}
      %dma_wait3A_114 = arith.constant 1 : i32
      %dma_wait3A_115 = arith.constant 1 : i32
      %dma_wait3A_116 = arith.constant 0 : i32
      %dma_wait3A_117 = arith.constant 0 : i32
      %dma_wait3A_118 = tpu.memref_slice %arg9[%dma_wait3A_114, %dma_wait3A_116, %dma_wait3A_117] : memref<2x128x128xf32, #tpu.memory_space<vmem>> -> memref<1x128x128xf32, #tpu.memory_space<vmem>>
      %dma_wait3A_119 = tpu.memref_squeeze %dma_wait3A_118 : memref<1x128x128xf32, #tpu.memory_space<vmem>> -> memref<128x128xf32, #tpu.memory_space<vmem>>
      %dma_wait3A_120 = arith.constant 0 : i32
      %dma_wait3A_121 = tpu.memref_slice %arg8[%dma_wait3A_115, %dma_wait3A_120] : memref<4x128xi32, #tpu.memory_space<vmem>> -> memref<1x128xi32, #tpu.memory_space<vmem>>
      %dma_wait3A_122 = tpu.memref_squeeze %dma_wait3A_121 : memref<1x128xi32, #tpu.memory_space<vmem>> -> memref<128xi32, #tpu.memory_space<vmem>>
      %dma_wait3A_123 = arith.constant 0 : i32
      %dma_wait3A_124 = arith.constant 0 : i32
      %dma_wait3A_125 = tpu.memref_slice %arg14[%dma_wait3A_123, %dma_wait3A_124] : memref<10112x128xf32, #tpu.memory_space<vmem_shared>> -> memref<10112x128xf32, #tpu.memory_space<vmem_shared>>
      tpu.wait_indirect_dma semaphore(%arg13 : memref<!tpu.dma_semaphore, #tpu.memory_space<semaphore_mem>>) src(%dma_wait3A_119 : memref<128x128xf32, #tpu.memory_space<vmem>>) dst(%dma_wait3A_125 : memref<10112x128xf32, #tpu.memory_space<vmem_shared>>)
      %dma_start3A_126 = arith.constant 3 : i32
      %dma_start3A_127 = arith.constant 1 : i32
      %dma_start3A_128 = arith.constant 0 : i32
      %dma_start3A_129 = arith.constant 0 : i32
      %dma_start3A_130 = tpu.memref_slice %arg9[%dma_start3A_127, %dma_start3A_128, %dma_start3A_129] : memref<2x128x128xf32, #tpu.memory_space<vmem>> -> memref<1x128x128xf32, #tpu.memory_space<vmem>>
      %dma_start3A_131 = tpu.memref_squeeze %dma_start3A_130 : memref<1x128x128xf32, #tpu.memory_space<vmem>> -> memref<128x128xf32, #tpu.memory_space<vmem>>
      %dma_start3A_132 = arith.constant 0 : i32
      %dma_start3A_133 = tpu.memref_slice %arg7[%dma_start3A_126, %dma_start3A_132] : memref<4x128xi32, #tpu.memory_space<vmem>> -> memref<1x128xi32, #tpu.memory_space<vmem>>
      %dma_start3A_134 = tpu.memref_squeeze %dma_start3A_133 : memref<1x128xi32, #tpu.memory_space<vmem>> -> memref<128xi32, #tpu.memory_space<vmem>>
      %dma_start3A_135 = arith.constant 0 : i32
      %dma_start3A_136 = arith.constant 0 : i32
      %dma_start3A_137 = tpu.memref_slice %arg2[%dma_start3A_135, %dma_start3A_136] : memref<10000x128xf32, #tpu.memory_space<hbm>> -> memref<10000x128xf32, #tpu.memory_space<hbm>>
      tpu.enqueue_indirect_dma source(%dma_start3A_137 : memref<10000x128xf32, #tpu.memory_space<hbm>>) target(%dma_start3A_131 : memref<128x128xf32, #tpu.memory_space<vmem>>) offsets(%dma_start3A_134 : memref<128xi32, #tpu.memory_space<vmem>>) semaphore(%arg11 : memref<!tpu.dma_semaphore, #tpu.memory_space<semaphore_mem>>)
      %dma_wait3A_138 = arith.constant 2 : i32
      %dma_wait3A_139 = arith.constant 0 : i32
      %dma_wait3A_140 = arith.constant 0 : i32
      %dma_wait3A_141 = arith.constant 0 : i32
      %dma_wait3A_142 = tpu.memref_slice %arg9[%dma_wait3A_139, %dma_wait3A_140, %dma_wait3A_141] : memref<2x128x128xf32, #tpu.memory_space<vmem>> -> memref<1x128x128xf32, #tpu.memory_space<vmem>>
      %dma_wait3A_143 = tpu.memref_squeeze %dma_wait3A_142 : memref<1x128x128xf32, #tpu.memory_space<vmem>> -> memref<128x128xf32, #tpu.memory_space<vmem>>
      %dma_wait3A_144 = arith.constant 0 : i32
      %dma_wait3A_145 = tpu.memref_slice %arg7[%dma_wait3A_138, %dma_wait3A_144] : memref<4x128xi32, #tpu.memory_space<vmem>> -> memref<1x128xi32, #tpu.memory_space<vmem>>
      %dma_wait3A_146 = tpu.memref_squeeze %dma_wait3A_145 : memref<1x128xi32, #tpu.memory_space<vmem>> -> memref<128xi32, #tpu.memory_space<vmem>>
      %dma_wait3A_147 = arith.constant 0 : i32
      %dma_wait3A_148 = arith.constant 0 : i32
      %dma_wait3A_149 = tpu.memref_slice %arg2[%dma_wait3A_147, %dma_wait3A_148] : memref<10000x128xf32, #tpu.memory_space<hbm>> -> memref<10000x128xf32, #tpu.memory_space<hbm>>
      tpu.wait_indirect_dma semaphore(%arg10 : memref<!tpu.dma_semaphore, #tpu.memory_space<semaphore_mem>>) src(%dma_wait3A_149 : memref<10000x128xf32, #tpu.memory_space<hbm>>) dst(%dma_wait3A_143 : memref<128x128xf32, #tpu.memory_space<vmem>>)
      %dma_start3A_150 = arith.constant 0 : i32
      %dma_start3A_151 = arith.constant 2 : i32
      %dma_start3A_152 = arith.constant 0 : i32
      %dma_start3A_153 = arith.constant 0 : i32
      %dma_start3A_154 = tpu.memref_slice %arg9[%dma_start3A_150, %dma_start3A_152, %dma_start3A_153] : memref<2x128x128xf32, #tpu.memory_space<vmem>> -> memref<1x128x128xf32, #tpu.memory_space<vmem>>
      %dma_start3A_155 = tpu.memref_squeeze %dma_start3A_154 : memref<1x128x128xf32, #tpu.memory_space<vmem>> -> memref<128x128xf32, #tpu.memory_space<vmem>>
      %dma_start3A_156 = arith.constant 0 : i32
      %dma_start3A_157 = tpu.memref_slice %arg8[%dma_start3A_151, %dma_start3A_156] : memref<4x128xi32, #tpu.memory_space<vmem>> -> memref<1x128xi32, #tpu.memory_space<vmem>>
      %dma_start3A_158 = tpu.memref_squeeze %dma_start3A_157 : memref<1x128xi32, #tpu.memory_space<vmem>> -> memref<128xi32, #tpu.memory_space<vmem>>
      %dma_start3A_159 = arith.constant 0 : i32
      %dma_start3A_160 = arith.constant 0 : i32
      %dma_start3A_161 = tpu.memref_slice %arg14[%dma_start3A_159, %dma_start3A_160] : memref<10112x128xf32, #tpu.memory_space<vmem_shared>> -> memref<10112x128xf32, #tpu.memory_space<vmem_shared>>
      tpu.enqueue_indirect_dma source(%dma_start3A_155 : memref<128x128xf32, #tpu.memory_space<vmem>>) target(%dma_start3A_161 : memref<10112x128xf32, #tpu.memory_space<vmem_shared>>) offsets(%dma_start3A_158 : memref<128xi32, #tpu.memory_space<vmem>>) semaphore(%arg12 : memref<!tpu.dma_semaphore, #tpu.memory_space<semaphore_mem>>) {add = true}
      %dma_wait3A_162 = arith.constant 3 : i32
      %dma_wait3A_163 = arith.constant 1 : i32
      %dma_wait3A_164 = arith.constant 0 : i32
      %dma_wait3A_165 = arith.constant 0 : i32
      %dma_wait3A_166 = tpu.memref_slice %arg9[%dma_wait3A_163, %dma_wait3A_164, %dma_wait3A_165] : memref<2x128x128xf32, #tpu.memory_space<vmem>> -> memref<1x128x128xf32, #tpu.memory_space<vmem>>
      %dma_wait3A_167 = tpu.memref_squeeze %dma_wait3A_166 : memref<1x128x128xf32, #tpu.memory_space<vmem>> -> memref<128x128xf32, #tpu.memory_space<vmem>>
      %dma_wait3A_168 = arith.constant 0 : i32
      %dma_wait3A_169 = tpu.memref_slice %arg7[%dma_wait3A_162, %dma_wait3A_168] : memref<4x128xi32, #tpu.memory_space<vmem>> -> memref<1x128xi32, #tpu.memory_space<vmem>>
      %dma_wait3A_170 = tpu.memref_squeeze %dma_wait3A_169 : memref<1x128xi32, #tpu.memory_space<vmem>> -> memref<128xi32, #tpu.memory_space<vmem>>
      %dma_wait3A_171 = arith.constant 0 : i32
      %dma_wait3A_172 = arith.constant 0 : i32
      %dma_wait3A_173 = tpu.memref_slice %arg2[%dma_wait3A_171, %dma_wait3A_172] : memref<10000x128xf32, #tpu.memory_space<hbm>> -> memref<10000x128xf32, #tpu.memory_space<hbm>>
      tpu.wait_indirect_dma semaphore(%arg11 : memref<!tpu.dma_semaphore, #tpu.memory_space<semaphore_mem>>) src(%dma_wait3A_173 : memref<10000x128xf32, #tpu.memory_space<hbm>>) dst(%dma_wait3A_167 : memref<128x128xf32, #tpu.memory_space<vmem>>)
      %dma_start3A_174 = arith.constant 1 : i32
      %dma_start3A_175 = arith.constant 3 : i32
      %dma_start3A_176 = arith.constant 0 : i32
      %dma_start3A_177 = arith.constant 0 : i32
      %dma_start3A_178 = tpu.memref_slice %arg9[%dma_start3A_174, %dma_start3A_176, %dma_start3A_177] : memref<2x128x128xf32, #tpu.memory_space<vmem>> -> memref<1x128x128xf32, #tpu.memory_space<vmem>>
      %dma_start3A_179 = tpu.memref_squeeze %dma_start3A_178 : memref<1x128x128xf32, #tpu.memory_space<vmem>> -> memref<128x128xf32, #tpu.memory_space<vmem>>
      %dma_start3A_180 = arith.constant 0 : i32
      %dma_start3A_181 = tpu.memref_slice %arg8[%dma_start3A_175, %dma_start3A_180] : memref<4x128xi32, #tpu.memory_space<vmem>> -> memref<1x128xi32, #tpu.memory_space<vmem>>
      %dma_start3A_182 = tpu.memref_squeeze %dma_start3A_181 : memref<1x128xi32, #tpu.memory_space<vmem>> -> memref<128xi32, #tpu.memory_space<vmem>>
      %dma_start3A_183 = arith.constant 0 : i32
      %dma_start3A_184 = arith.constant 0 : i32
      %dma_start3A_185 = tpu.memref_slice %arg14[%dma_start3A_183, %dma_start3A_184] : memref<10112x128xf32, #tpu.memory_space<vmem_shared>> -> memref<10112x128xf32, #tpu.memory_space<vmem_shared>>
      tpu.enqueue_indirect_dma source(%dma_start3A_179 : memref<128x128xf32, #tpu.memory_space<vmem>>) target(%dma_start3A_185 : memref<10112x128xf32, #tpu.memory_space<vmem_shared>>) offsets(%dma_start3A_182 : memref<128xi32, #tpu.memory_space<vmem>>) semaphore(%arg13 : memref<!tpu.dma_semaphore, #tpu.memory_space<semaphore_mem>>) {add = true}
      %dma_wait3A_186 = arith.constant 0 : i32
      %dma_wait3A_187 = arith.constant 2 : i32
      %dma_wait3A_188 = arith.constant 0 : i32
      %dma_wait3A_189 = arith.constant 0 : i32
      %dma_wait3A_190 = tpu.memref_slice %arg9[%dma_wait3A_186, %dma_wait3A_188, %dma_wait3A_189] : memref<2x128x128xf32, #tpu.memory_space<vmem>> -> memref<1x128x128xf32, #tpu.memory_space<vmem>>
      %dma_wait3A_191 = tpu.memref_squeeze %dma_wait3A_190 : memref<1x128x128xf32, #tpu.memory_space<vmem>> -> memref<128x128xf32, #tpu.memory_space<vmem>>
      %dma_wait3A_192 = arith.constant 0 : i32
      %dma_wait3A_193 = tpu.memref_slice %arg8[%dma_wait3A_187, %dma_wait3A_192] : memref<4x128xi32, #tpu.memory_space<vmem>> -> memref<1x128xi32, #tpu.memory_space<vmem>>
      %dma_wait3A_194 = tpu.memref_squeeze %dma_wait3A_193 : memref<1x128xi32, #tpu.memory_space<vmem>> -> memref<128xi32, #tpu.memory_space<vmem>>
      %dma_wait3A_195 = arith.constant 0 : i32
      %dma_wait3A_196 = arith.constant 0 : i32
      %dma_wait3A_197 = tpu.memref_slice %arg14[%dma_wait3A_195, %dma_wait3A_196] : memref<10112x128xf32, #tpu.memory_space<vmem_shared>> -> memref<10112x128xf32, #tpu.memory_space<vmem_shared>>
      tpu.wait_indirect_dma semaphore(%arg12 : memref<!tpu.dma_semaphore, #tpu.memory_space<semaphore_mem>>) src(%dma_wait3A_191 : memref<128x128xf32, #tpu.memory_space<vmem>>) dst(%dma_wait3A_197 : memref<10112x128xf32, #tpu.memory_space<vmem_shared>>)
      %dma_wait3A_198 = arith.constant 1 : i32
      %dma_wait3A_199 = arith.constant 3 : i32
      %dma_wait3A_200 = arith.constant 0 : i32
      %dma_wait3A_201 = arith.constant 0 : i32
      %dma_wait3A_202 = tpu.memref_slice %arg9[%dma_wait3A_198, %dma_wait3A_200, %dma_wait3A_201] : memref<2x128x128xf32, #tpu.memory_space<vmem>> -> memref<1x128x128xf32, #tpu.memory_space<vmem>>
      %dma_wait3A_203 = tpu.memref_squeeze %dma_wait3A_202 : memref<1x128x128xf32, #tpu.memory_space<vmem>> -> memref<128x128xf32, #tpu.memory_space<vmem>>
      %dma_wait3A_204 = arith.constant 0 : i32
      %dma_wait3A_205 = tpu.memref_slice %arg8[%dma_wait3A_199, %dma_wait3A_204] : memref<4x128xi32, #tpu.memory_space<vmem>> -> memref<1x128xi32, #tpu.memory_space<vmem>>
      %dma_wait3A_206 = tpu.memref_squeeze %dma_wait3A_205 : memref<1x128xi32, #tpu.memory_space<vmem>> -> memref<128xi32, #tpu.memory_space<vmem>>
      %dma_wait3A_207 = arith.constant 0 : i32
      %dma_wait3A_208 = arith.constant 0 : i32
      %dma_wait3A_209 = tpu.memref_slice %arg14[%dma_wait3A_207, %dma_wait3A_208] : memref<10112x128xf32, #tpu.memory_space<vmem_shared>> -> memref<10112x128xf32, #tpu.memory_space<vmem_shared>>
      tpu.wait_indirect_dma semaphore(%arg13 : memref<!tpu.dma_semaphore, #tpu.memory_space<semaphore_mem>>) src(%dma_wait3A_203 : memref<128x128xf32, #tpu.memory_space<vmem>>) dst(%dma_wait3A_209 : memref<10112x128xf32, #tpu.memory_space<vmem_shared>>)
    }
    %scan3A_9 = arith.constant 20 : i32
    %barrier3A_10 = arith.constant 0 : index
    tpu.barrier barrier_id(%barrier3A_10)
    %mul3A_11 = arith.constant 632 : i32
    %mul3A_12 = arith.muli %arg1, %mul3A_11 : i32
    %mul3A_13 = arith.constant 632 : i32
    %mul3A_14 = arith.muli %arg1, %mul3A_13 : i32
    "tpu.region"() ({
      %run_scoped3A = tpu.sem_alloc : memref<!tpu.dma_semaphore, #tpu.memory_space<semaphore_mem>>
      %dma_start3A = arith.constant 0 : i32
      %dma_start3A_15 = tpu.memref_slice %arg6[%arg0, %mul3A_14, %dma_start3A] : memref<2x10112x128xf32, #tpu.memory_space<hbm>> -> memref<1x632x128xf32, #tpu.memory_space<hbm>>
      %dma_start3A_16 = tpu.memref_squeeze %dma_start3A_15 : memref<1x632x128xf32, #tpu.memory_space<hbm>> -> memref<632x128xf32, #tpu.memory_space<hbm>>
      %dma_start3A_17 = arith.constant 0 : i32
      %dma_start3A_18 = tpu.memref_slice %arg14[%mul3A_12, %dma_start3A_17] : memref<10112x128xf32, #tpu.memory_space<vmem_shared>> -> memref<632x128xf32, #tpu.memory_space<vmem_shared>>
      tpu.enqueue_dma source(%dma_start3A_18 : memref<632x128xf32, #tpu.memory_space<vmem_shared>>) target(%dma_start3A_16 : memref<632x128xf32, #tpu.memory_space<hbm>>) target_semaphore(%run_scoped3A : memref<!tpu.dma_semaphore, #tpu.memory_space<semaphore_mem>>)
      %dma_wait3A = arith.constant 0 : i32
      %dma_wait3A_19 = tpu.memref_slice %arg6[%arg0, %mul3A_14, %dma_wait3A] : memref<2x10112x128xf32, #tpu.memory_space<hbm>> -> memref<1x632x128xf32, #tpu.memory_space<hbm>>
      %dma_wait3A_20 = tpu.memref_squeeze %dma_wait3A_19 : memref<1x632x128xf32, #tpu.memory_space<hbm>> -> memref<632x128xf32, #tpu.memory_space<hbm>>
      %dma_wait3A_21 = arith.constant 0 : i32
      %dma_wait3A_22 = tpu.memref_slice %arg14[%mul3A_12, %dma_wait3A_21] : memref<10112x128xf32, #tpu.memory_space<vmem_shared>> -> memref<632x128xf32, #tpu.memory_space<vmem_shared>>
      tpu.wait_dma2 semaphore(%run_scoped3A : memref<!tpu.dma_semaphore, #tpu.memory_space<semaphore_mem>>) src(%dma_wait3A_22 : memref<632x128xf32, #tpu.memory_space<vmem_shared>>) dst(%dma_wait3A_20 : memref<632x128xf32, #tpu.memory_space<hbm>>)
      tpu.yield
    }) : () -> ()
    return
  }
}

#map = affine_map<(d0, d1) -> (0, 0)>
#map1 = affine_map<(d0, d1) -> (0, 0, 0)>
module attributes {stable_mosaic.version = 14 : i64} {
  func.func @body(%arg0: i32, %arg1: i32, %arg2: memref<10000x128xf32, #tpu.memory_space<hbm>>, %arg3: memref<32x80x128xi32, #tpu.memory_space<hbm>>, %arg4: memref<32x80x128xi32, #tpu.memory_space<hbm>>, %arg5: memref<10112x128xf32, #tpu.memory_space<hbm>>, %arg6: memref<2x10112x128xf32, #tpu.memory_space<hbm>>, %arg7: memref<4x128xi32, #tpu.memory_space<vmem>>, %arg8: memref<4x128xi32, #tpu.memory_space<vmem>>, %arg9: memref<2x128x128xf32, #tpu.memory_space<vmem>>, %arg10: memref<!tpu.dma_semaphore, #tpu.memory_space<semaphore_mem>>, %arg11: memref<!tpu.dma_semaphore, #tpu.memory_space<semaphore_mem>>, %arg12: memref<!tpu.dma_semaphore, #tpu.memory_space<semaphore_mem>>, %arg13: memref<!tpu.dma_semaphore, #tpu.memory_space<semaphore_mem>>, %arg14: memref<10112x128xf32, #tpu.memory_space<vmem_shared>>) attributes {dimension_semantics = [#tpu.dimension_semantics<core_parallel>, #tpu.dimension_semantics<subcore_parallel>], iteration_bounds = array<i64: 2, 16>, scalar_prefetch = 0 : i64, scratch_operands = 8 : i64, tpu.core_type = #tpu.core_type<sc_vector_subcore>, window_params = [{transform_indices = #map}, {transform_indices = #map1}, {transform_indices = #map1}, {transform_indices = #map}, {transform_indices = #map1}]} {
    %mul3A = arith.constant 16 : i32
    %mul3A_0 = arith.muli %arg0, %mul3A : i32
    %add3A = arith.addi %mul3A_0, %arg1 : i32
    %mul3A_1 = arith.constant 632 : i32
    %mul3A_2 = arith.muli %arg1, %mul3A_1 : i32
    %mul3A_3 = arith.constant 632 : i32
    %mul3A_4 = arith.muli %arg1, %mul3A_3 : i32
    "tpu.region"() ({
      %run_scoped3A = tpu.sem_alloc : memref<!tpu.dma_semaphore, #tpu.memory_space<semaphore_mem>>
      %dma_start3A = arith.constant 0 : i32
      %dma_start3A_15 = tpu.memref_slice %arg14[%mul3A_4, %dma_start3A] : memref<10112x128xf32, #tpu.memory_space<vmem_shared>> -> memref<632x128xf32, #tpu.memory_space<vmem_shared>>
      %dma_start3A_16 = arith.constant 0 : i32
      %dma_start3A_17 = tpu.memref_slice %arg5[%mul3A_2, %dma_start3A_16] : memref<10112x128xf32, #tpu.memory_space<hbm>> -> memref<632x128xf32, #tpu.memory_space<hbm>>
      tpu.enqueue_dma source(%dma_start3A_17 : memref<632x128xf32, #tpu.memory_space<hbm>>) target(%dma_start3A_15 : memref<632x128xf32, #tpu.memory_space<vmem_shared>>) target_semaphore(%run_scoped3A : memref<!tpu.dma_semaphore, #tpu.memory_space<semaphore_mem>>)
      %dma_wait3A = arith.constant 0 : i32
      %dma_wait3A_18 = tpu.memref_slice %arg14[%mul3A_4, %dma_wait3A] : memref<10112x128xf32, #tpu.memory_space<vmem_shared>> -> memref<632x128xf32, #tpu.memory_space<vmem_shared>>
      %dma_wait3A_19 = arith.constant 0 : i32
      %dma_wait3A_20 = tpu.memref_slice %arg5[%mul3A_2, %dma_wait3A_19] : memref<10112x128xf32, #tpu.memory_space<hbm>> -> memref<632x128xf32, #tpu.memory_space<hbm>>
      tpu.wait_dma2 semaphore(%run_scoped3A : memref<!tpu.dma_semaphore, #tpu.memory_space<semaphore_mem>>) src(%dma_wait3A_20 : memref<632x128xf32, #tpu.memory_space<hbm>>) dst(%dma_wait3A_18 : memref<632x128xf32, #tpu.memory_space<vmem_shared>>)
      tpu.yield
    }) : () -> ()
    %barrier3A = arith.constant 0 : index
    tpu.barrier barrier_id(%barrier3A)
    %scan3A = arith.constant 0 : i32
    %scan3A_5 = arith.constant 0 : i32
    %scan3A_6 = arith.constant 20 : i32
    %scan3A_7 = arith.addi %scan3A_5, %scan3A_6 : i32
    %scan3A_8 = arith.constant 1 : i32
    scf.for %scan3A_15 = %scan3A_5 to %scan3A_7 step %scan3A_8  : i32 {
      %mul3A_16 = arith.constant 4 : i32
      %mul3A_17 = arith.muli %scan3A_15, %mul3A_16 : i32
      "tpu.region"() ({
        %run_scoped3A = tpu.sem_alloc : memref<!tpu.dma_semaphore, #tpu.memory_space<semaphore_mem>>
        %dma_start3A_210 = arith.constant 0 : i32
        %dma_start3A_211 = tpu.memref_slice %arg3[%add3A, %mul3A_17, %dma_start3A_210] : memref<32x80x128xi32, #tpu.memory_space<hbm>> -> memref<1x4x128xi32, #tpu.memory_space<hbm>>
        %dma_start3A_212 = tpu.memref_squeeze %dma_start3A_211 : memref<1x4x128xi32, #tpu.memory_space<hbm>> -> memref<4x128xi32, #tpu.memory_space<hbm>>
        %dma_start3A_213 = arith.constant 0 : i32
        %dma_start3A_214 = tpu.memref_slice %arg3[%add3A, %mul3A_17, %dma_start3A_213] : memref<32x80x128xi32, #tpu.memory_space<hbm>> -> memref<1x4x128xi32, #tpu.memory_space<hbm>>
        %dma_start3A_215 = tpu.memref_squeeze %dma_start3A_214 : memref<1x4x128xi32, #tpu.memory_space<hbm>> -> memref<4x128xi32, #tpu.memory_space<hbm>>
        tpu.enqueue_dma source(%dma_start3A_215 : memref<4x128xi32, #tpu.memory_space<hbm>>) target(%arg7 : memref<4x128xi32, #tpu.memory_space<vmem>>) target_semaphore(%run_scoped3A : memref<!tpu.dma_semaphore, #tpu.memory_space<semaphore_mem>>)
        %dma_wait3A_216 = arith.constant 0 : i32
        %dma_wait3A_217 = tpu.memref_slice %arg3[%add3A, %mul3A_17, %dma_wait3A_216] : memref<32x80x128xi32, #tpu.memory_space<hbm>> -> memref<1x4x128xi32, #tpu.memory_space<hbm>>
        %dma_wait3A_218 = tpu.memref_squeeze %dma_wait3A_217 : memref<1x4x128xi32, #tpu.memory_space<hbm>> -> memref<4x128xi32, #tpu.memory_space<hbm>>
        %dma_wait3A_219 = arith.constant 0 : i32
        %dma_wait3A_220 = tpu.memref_slice %arg3[%add3A, %mul3A_17, %dma_wait3A_219] : memref<32x80x128xi32, #tpu.memory_space<hbm>> -> memref<1x4x128xi32, #tpu.memory_space<hbm>>
        %dma_wait3A_221 = tpu.memref_squeeze %dma_wait3A_220 : memref<1x4x128xi32, #tpu.memory_space<hbm>> -> memref<4x128xi32, #tpu.memory_space<hbm>>
        tpu.wait_dma2 semaphore(%run_scoped3A : memref<!tpu.dma_semaphore, #tpu.memory_space<semaphore_mem>>) src(%dma_wait3A_221 : memref<4x128xi32, #tpu.memory_space<hbm>>) dst(%arg7 : memref<4x128xi32, #tpu.memory_space<vmem>>)
        tpu.yield
      }) : () -> ()
      %mul3A_18 = arith.constant 4 : i32
      %mul3A_19 = arith.muli %scan3A_15, %mul3A_18 : i32
      "tpu.region"() ({
        %run_scoped3A = tpu.sem_alloc : memref<!tpu.dma_semaphore, #tpu.memory_space<semaphore_mem>>
        %dma_start3A_210 = arith.constant 0 : i32
        %dma_start3A_211 = tpu.memref_slice %arg4[%add3A, %mul3A_19, %dma_start3A_210] : memref<32x80x128xi32, #tpu.memory_space<hbm>> -> memref<1x4x128xi32, #tpu.memory_space<hbm>>
        %dma_start3A_212 = tpu.memref_squeeze %dma_start3A_211 : memref<1x4x128xi32, #tpu.memory_space<hbm>> -> memref<4x128xi32, #tpu.memory_space<hbm>>
        %dma_start3A_213 = arith.constant 0 : i32
        %dma_start3A_214 = tpu.memref_slice %arg4[%add3A, %mul3A_19, %dma_start3A_213] : memref<32x80x128xi32, #tpu.memory_space<hbm>> -> memref<1x4x128xi32, #tpu.memory_space<hbm>>
        %dma_start3A_215 = tpu.memref_squeeze %dma_start3A_214 : memref<1x4x128xi32, #tpu.memory_space<hbm>> -> memref<4x128xi32, #tpu.memory_space<hbm>>
        tpu.enqueue_dma source(%dma_start3A_215 : memref<4x128xi32, #tpu.memory_space<hbm>>) target(%arg8 : memref<4x128xi32, #tpu.memory_space<vmem>>) target_semaphore(%run_scoped3A : memref<!tpu.dma_semaphore, #tpu.memory_space<semaphore_mem>>)
        %dma_wait3A_216 = arith.constant 0 : i32
        %dma_wait3A_217 = tpu.memref_slice %arg4[%add3A, %mul3A_19, %dma_wait3A_216] : memref<32x80x128xi32, #tpu.memory_space<hbm>> -> memref<1x4x128xi32, #tpu.memory_space<hbm>>
        %dma_wait3A_218 = tpu.memref_squeeze %dma_wait3A_217 : memref<1x4x128xi32, #tpu.memory_space<hbm>> -> memref<4x128xi32, #tpu.memory_space<hbm>>
        %dma_wait3A_219 = arith.constant 0 : i32
        %dma_wait3A_220 = tpu.memref_slice %arg4[%add3A, %mul3A_19, %dma_wait3A_219] : memref<32x80x128xi32, #tpu.memory_space<hbm>> -> memref<1x4x128xi32, #tpu.memory_space<hbm>>
        %dma_wait3A_221 = tpu.memref_squeeze %dma_wait3A_220 : memref<1x4x128xi32, #tpu.memory_space<hbm>> -> memref<4x128xi32, #tpu.memory_space<hbm>>
        tpu.wait_dma2 semaphore(%run_scoped3A : memref<!tpu.dma_semaphore, #tpu.memory_space<semaphore_mem>>) src(%dma_wait3A_221 : memref<4x128xi32, #tpu.memory_space<hbm>>) dst(%arg8 : memref<4x128xi32, #tpu.memory_space<vmem>>)
        tpu.yield
      }) : () -> ()
      %dma_start3A = arith.constant 0 : i32
      %dma_start3A_20 = arith.constant 0 : i32
      %dma_start3A_21 = arith.constant 0 : i32
      %dma_start3A_22 = arith.constant 0 : i32
      %dma_start3A_23 = tpu.memref_slice %arg9[%dma_start3A_20, %dma_start3A_21, %dma_start3A_22] : memref<2x128x128xf32, #tpu.memory_space<vmem>> -> memref<1x128x128xf32, #tpu.memory_space<vmem>>
      %dma_start3A_24 = tpu.memref_squeeze %dma_start3A_23 : memref<1x128x128xf32, #tpu.memory_space<vmem>> -> memref<128x128xf32, #tpu.memory_space<vmem>>
      %dma_start3A_25 = arith.constant 0 : i32
      %dma_start3A_26 = tpu.memref_slice %arg7[%dma_start3A, %dma_start3A_25] : memref<4x128xi32, #tpu.memory_space<vmem>> -> memref<1x128xi32, #tpu.memory_space<vmem>>
      %dma_start3A_27 = tpu.memref_squeeze %dma_start3A_26 : memref<1x128xi32, #tpu.memory_space<vmem>> -> memref<128xi32, #tpu.memory_space<vmem>>
      %dma_start3A_28 = arith.constant 0 : i32
      %dma_start3A_29 = arith.constant 0 : i32
      %dma_start3A_30 = tpu.memref_slice %arg2[%dma_start3A_28, %dma_start3A_29] : memref<10000x128xf32, #tpu.memory_space<hbm>> -> memref<10000x128xf32, #tpu.memory_space<hbm>>
      tpu.enqueue_indirect_dma source(%dma_start3A_30 : memref<10000x128xf32, #tpu.memory_space<hbm>>) target(%dma_start3A_24 : memref<128x128xf32, #tpu.memory_space<vmem>>) offsets(%dma_start3A_27 : memref<128xi32, #tpu.memory_space<vmem>>) semaphore(%arg10 : memref<!tpu.dma_semaphore, #tpu.memory_space<semaphore_mem>>)
      %dma_start3A_31 = arith.constant 1 : i32
      %dma_start3A_32 = arith.constant 1 : i32
      %dma_start3A_33 = arith.constant 0 : i32
      %dma_start3A_34 = arith.constant 0 : i32
      %dma_start3A_35 = tpu.memref_slice %arg9[%dma_start3A_32, %dma_start3A_33, %dma_start3A_34] : memref<2x128x128xf32, #tpu.memory_space<vmem>> -> memref<1x128x128xf32, #tpu.memory_space<vmem>>
      %dma_start3A_36 = tpu.memref_squeeze %dma_start3A_35 : memref<1x128x128xf32, #tpu.memory_space<vmem>> -> memref<128x128xf32, #tpu.memory_space<vmem>>
      %dma_start3A_37 = arith.constant 0 : i32
      %dma_start3A_38 = tpu.memref_slice %arg7[%dma_start3A_31, %dma_start3A_37] : memref<4x128xi32, #tpu.memory_space<vmem>> -> memref<1x128xi32, #tpu.memory_space<vmem>>
      %dma_start3A_39 = tpu.memref_squeeze %dma_start3A_38 : memref<1x128xi32, #tpu.memory_space<vmem>> -> memref<128xi32, #tpu.memory_space<vmem>>
      %dma_start3A_40 = arith.constant 0 : i32
      %dma_start3A_41 = arith.constant 0 : i32
      %dma_start3A_42 = tpu.memref_slice %arg2[%dma_start3A_40, %dma_start3A_41] : memref<10000x128xf32, #tpu.memory_space<hbm>> -> memref<10000x128xf32, #tpu.memory_space<hbm>>
      tpu.enqueue_indirect_dma source(%dma_start3A_42 : memref<10000x128xf32, #tpu.memory_space<hbm>>) target(%dma_start3A_36 : memref<128x128xf32, #tpu.memory_space<vmem>>) offsets(%dma_start3A_39 : memref<128xi32, #tpu.memory_space<vmem>>) semaphore(%arg11 : memref<!tpu.dma_semaphore, #tpu.memory_space<semaphore_mem>>)
      %dma_wait3A = arith.constant 0 : i32
      %dma_wait3A_43 = arith.constant 0 : i32
      %dma_wait3A_44 = arith.constant 0 : i32
      %dma_wait3A_45 = arith.constant 0 : i32
      %dma_wait3A_46 = tpu.memref_slice %arg9[%dma_wait3A_43, %dma_wait3A_44, %dma_wait3A_45] : memref<2x128x128xf32, #tpu.memory_space<vmem>> -> memref<1x128x128xf32, #tpu.memory_space<vmem>>
      %dma_wait3A_47 = tpu.memref_squeeze %dma_wait3A_46 : memref<1x128x128xf32, #tpu.memory_space<vmem>> -> memref<128x128xf32, #tpu.memory_space<vmem>>
      %dma_wait3A_48 = arith.constant 0 : i32
      %dma_wait3A_49 = tpu.memref_slice %arg7[%dma_wait3A, %dma_wait3A_48] : memref<4x128xi32, #tpu.memory_space<vmem>> -> memref<1x128xi32, #tpu.memory_space<vmem>>
      %dma_wait3A_50 = tpu.memref_squeeze %dma_wait3A_49 : memref<1x128xi32, #tpu.memory_space<vmem>> -> memref<128xi32, #tpu.memory_space<vmem>>
      %dma_wait3A_51 = arith.constant 0 : i32
      %dma_wait3A_52 = arith.constant 0 : i32
      %dma_wait3A_53 = tpu.memref_slice %arg2[%dma_wait3A_51, %dma_wait3A_52] : memref<10000x128xf32, #tpu.memory_space<hbm>> -> memref<10000x128xf32, #tpu.memory_space<hbm>>
      tpu.wait_indirect_dma semaphore(%arg10 : memref<!tpu.dma_semaphore, #tpu.memory_space<semaphore_mem>>) src(%dma_wait3A_53 : memref<10000x128xf32, #tpu.memory_space<hbm>>) dst(%dma_wait3A_47 : memref<128x128xf32, #tpu.memory_space<vmem>>)
      %dma_start3A_54 = arith.constant 0 : i32
      %dma_start3A_55 = arith.constant 0 : i32
      %dma_start3A_56 = arith.constant 0 : i32
      %dma_start3A_57 = arith.constant 0 : i32
      %dma_start3A_58 = tpu.memref_slice %arg9[%dma_start3A_54, %dma_start3A_56, %dma_start3A_57] : memref<2x128x128xf32, #tpu.memory_space<vmem>> -> memref<1x128x128xf32, #tpu.memory_space<vmem>>
      %dma_start3A_59 = tpu.memref_squeeze %dma_start3A_58 : memref<1x128x128xf32, #tpu.memory_space<vmem>> -> memref<128x128xf32, #tpu.memory_space<vmem>>
      %dma_start3A_60 = arith.constant 0 : i32
      %dma_start3A_61 = tpu.memref_slice %arg8[%dma_start3A_55, %dma_start3A_60] : memref<4x128xi32, #tpu.memory_space<vmem>> -> memref<1x128xi32, #tpu.memory_space<vmem>>
      %dma_start3A_62 = tpu.memref_squeeze %dma_start3A_61 : memref<1x128xi32, #tpu.memory_space<vmem>> -> memref<128xi32, #tpu.memory_space<vmem>>
      %dma_start3A_63 = arith.constant 0 : i32
      %dma_start3A_64 = arith.constant 0 : i32
      %dma_start3A_65 = tpu.memref_slice %arg14[%dma_start3A_63, %dma_start3A_64] : memref<10112x128xf32, #tpu.memory_space<vmem_shared>> -> memref<10112x128xf32, #tpu.memory_space<vmem_shared>>
      tpu.enqueue_indirect_dma source(%dma_start3A_59 : memref<128x128xf32, #tpu.memory_space<vmem>>) target(%dma_start3A_65 : memref<10112x128xf32, #tpu.memory_space<vmem_shared>>) offsets(%dma_start3A_62 : memref<128xi32, #tpu.memory_space<vmem>>) semaphore(%arg12 : memref<!tpu.dma_semaphore, #tpu.memory_space<semaphore_mem>>) {add = true}
      %dma_wait3A_66 = arith.constant 0 : i32
      %dma_wait3A_67 = arith.constant 0 : i32
      %dma_wait3A_68 = arith.constant 0 : i32
      %dma_wait3A_69 = arith.constant 0 : i32
      %dma_wait3A_70 = tpu.memref_slice %arg9[%dma_wait3A_66, %dma_wait3A_68, %dma_wait3A_69] : memref<2x128x128xf32, #tpu.memory_space<vmem>> -> memref<1x128x128xf32, #tpu.memory_space<vmem>>
      %dma_wait3A_71 = tpu.memref_squeeze %dma_wait3A_70 : memref<1x128x128xf32, #tpu.memory_space<vmem>> -> memref<128x128xf32, #tpu.memory_space<vmem>>
      %dma_wait3A_72 = arith.constant 0 : i32
      %dma_wait3A_73 = tpu.memref_slice %arg8[%dma_wait3A_67, %dma_wait3A_72] : memref<4x128xi32, #tpu.memory_space<vmem>> -> memref<1x128xi32, #tpu.memory_space<vmem>>
      %dma_wait3A_74 = tpu.memref_squeeze %dma_wait3A_73 : memref<1x128xi32, #tpu.memory_space<vmem>> -> memref<128xi32, #tpu.memory_space<vmem>>
      %dma_wait3A_75 = arith.constant 0 : i32
      %dma_wait3A_76 = arith.constant 0 : i32
      %dma_wait3A_77 = tpu.memref_slice %arg14[%dma_wait3A_75, %dma_wait3A_76] : memref<10112x128xf32, #tpu.memory_space<vmem_shared>> -> memref<10112x128xf32, #tpu.memory_space<vmem_shared>>
      tpu.wait_indirect_dma semaphore(%arg12 : memref<!tpu.dma_semaphore, #tpu.memory_space<semaphore_mem>>) src(%dma_wait3A_71 : memref<128x128xf32, #tpu.memory_space<vmem>>) dst(%dma_wait3A_77 : memref<10112x128xf32, #tpu.memory_space<vmem_shared>>)
      %dma_start3A_78 = arith.constant 2 : i32
      %dma_start3A_79 = arith.constant 0 : i32
      %dma_start3A_80 = arith.constant 0 : i32
      %dma_start3A_81 = arith.constant 0 : i32
      %dma_start3A_82 = tpu.memref_slice %arg9[%dma_start3A_79, %dma_start3A_80, %dma_start3A_81] : memref<2x128x128xf32, #tpu.memory_space<vmem>> -> memref<1x128x128xf32, #tpu.memory_space<vmem>>
      %dma_start3A_83 = tpu.memref_squeeze %dma_start3A_82 : memref<1x128x128xf32, #tpu.memory_space<vmem>> -> memref<128x128xf32, #tpu.memory_space<vmem>>
      %dma_start3A_84 = arith.constant 0 : i32
      %dma_start3A_85 = tpu.memref_slice %arg7[%dma_start3A_78, %dma_start3A_84] : memref<4x128xi32, #tpu.memory_space<vmem>> -> memref<1x128xi32, #tpu.memory_space<vmem>>
      %dma_start3A_86 = tpu.memref_squeeze %dma_start3A_85 : memref<1x128xi32, #tpu.memory_space<vmem>> -> memref<128xi32, #tpu.memory_space<vmem>>
      %dma_start3A_87 = arith.constant 0 : i32
      %dma_start3A_88 = arith.constant 0 : i32
      %dma_start3A_89 = tpu.memref_slice %arg2[%dma_start3A_87, %dma_start3A_88] : memref<10000x128xf32, #tpu.memory_space<hbm>> -> memref<10000x128xf32, #tpu.memory_space<hbm>>
      tpu.enqueue_indirect_dma source(%dma_start3A_89 : memref<10000x128xf32, #tpu.memory_space<hbm>>) target(%dma_start3A_83 : memref<128x128xf32, #tpu.memory_space<vmem>>) offsets(%dma_start3A_86 : memref<128xi32, #tpu.memory_space<vmem>>) semaphore(%arg10 : memref<!tpu.dma_semaphore, #tpu.memory_space<semaphore_mem>>)
      %dma_wait3A_90 = arith.constant 1 : i32
      %dma_wait3A_91 = arith.constant 1 : i32
      %dma_wait3A_92 = arith.constant 0 : i32
      %dma_wait3A_93 = arith.constant 0 : i32
      %dma_wait3A_94 = tpu.memref_slice %arg9[%dma_wait3A_91, %dma_wait3A_92, %dma_wait3A_93] : memref<2x128x128xf32, #tpu.memory_space<vmem>> -> memref<1x128x128xf32, #tpu.memory_space<vmem>>
      %dma_wait3A_95 = tpu.memref_squeeze %dma_wait3A_94 : memref<1x128x128xf32, #tpu.memory_space<vmem>> -> memref<128x128xf32, #tpu.memory_space<vmem>>
      %dma_wait3A_96 = arith.constant 0 : i32
      %dma_wait3A_97 = tpu.memref_slice %arg7[%dma_wait3A_90, %dma_wait3A_96] : memref<4x128xi32, #tpu.memory_space<vmem>> -> memref<1x128xi32, #tpu.memory_space<vmem>>
      %dma_wait3A_98 = tpu.memref_squeeze %dma_wait3A_97 : memref<1x128xi32, #tpu.memory_space<vmem>> -> memref<128xi32, #tpu.memory_space<vmem>>
      %dma_wait3A_99 = arith.constant 0 : i32
      %dma_wait3A_100 = arith.constant 0 : i32
      %dma_wait3A_101 = tpu.memref_slice %arg2[%dma_wait3A_99, %dma_wait3A_100] : memref<10000x128xf32, #tpu.memory_space<hbm>> -> memref<10000x128xf32, #tpu.memory_space<hbm>>
      tpu.wait_indirect_dma semaphore(%arg11 : memref<!tpu.dma_semaphore, #tpu.memory_space<semaphore_mem>>) src(%dma_wait3A_101 : memref<10000x128xf32, #tpu.memory_space<hbm>>) dst(%dma_wait3A_95 : memref<128x128xf32, #tpu.memory_space<vmem>>)
      %dma_start3A_102 = arith.constant 1 : i32
      %dma_start3A_103 = arith.constant 1 : i32
      %dma_start3A_104 = arith.constant 0 : i32
      %dma_start3A_105 = arith.constant 0 : i32
      %dma_start3A_106 = tpu.memref_slice %arg9[%dma_start3A_102, %dma_start3A_104, %dma_start3A_105] : memref<2x128x128xf32, #tpu.memory_space<vmem>> -> memref<1x128x128xf32, #tpu.memory_space<vmem>>
      %dma_start3A_107 = tpu.memref_squeeze %dma_start3A_106 : memref<1x128x128xf32, #tpu.memory_space<vmem>> -> memref<128x128xf32, #tpu.memory_space<vmem>>
      %dma_start3A_108 = arith.constant 0 : i32
      %dma_start3A_109 = tpu.memref_slice %arg8[%dma_start3A_103, %dma_start3A_108] : memref<4x128xi32, #tpu.memory_space<vmem>> -> memref<1x128xi32, #tpu.memory_space<vmem>>
      %dma_start3A_110 = tpu.memref_squeeze %dma_start3A_109 : memref<1x128xi32, #tpu.memory_space<vmem>> -> memref<128xi32, #tpu.memory_space<vmem>>
      %dma_start3A_111 = arith.constant 0 : i32
      %dma_start3A_112 = arith.constant 0 : i32
      %dma_start3A_113 = tpu.memref_slice %arg14[%dma_start3A_111, %dma_start3A_112] : memref<10112x128xf32, #tpu.memory_space<vmem_shared>> -> memref<10112x128xf32, #tpu.memory_space<vmem_shared>>
      tpu.enqueue_indirect_dma source(%dma_start3A_107 : memref<128x128xf32, #tpu.memory_space<vmem>>) target(%dma_start3A_113 : memref<10112x128xf32, #tpu.memory_space<vmem_shared>>) offsets(%dma_start3A_110 : memref<128xi32, #tpu.memory_space<vmem>>) semaphore(%arg13 : memref<!tpu.dma_semaphore, #tpu.memory_space<semaphore_mem>>) {add = true}
      %dma_wait3A_114 = arith.constant 1 : i32
      %dma_wait3A_115 = arith.constant 1 : i32
      %dma_wait3A_116 = arith.constant 0 : i32
      %dma_wait3A_117 = arith.constant 0 : i32
      %dma_wait3A_118 = tpu.memref_slice %arg9[%dma_wait3A_114, %dma_wait3A_116, %dma_wait3A_117] : memref<2x128x128xf32, #tpu.memory_space<vmem>> -> memref<1x128x128xf32, #tpu.memory_space<vmem>>
      %dma_wait3A_119 = tpu.memref_squeeze %dma_wait3A_118 : memref<1x128x128xf32, #tpu.memory_space<vmem>> -> memref<128x128xf32, #tpu.memory_space<vmem>>
      %dma_wait3A_120 = arith.constant 0 : i32
      %dma_wait3A_121 = tpu.memref_slice %arg8[%dma_wait3A_115, %dma_wait3A_120] : memref<4x128xi32, #tpu.memory_space<vmem>> -> memref<1x128xi32, #tpu.memory_space<vmem>>
      %dma_wait3A_122 = tpu.memref_squeeze %dma_wait3A_121 : memref<1x128xi32, #tpu.memory_space<vmem>> -> memref<128xi32, #tpu.memory_space<vmem>>
      %dma_wait3A_123 = arith.constant 0 : i32
      %dma_wait3A_124 = arith.constant 0 : i32
      %dma_wait3A_125 = tpu.memref_slice %arg14[%dma_wait3A_123, %dma_wait3A_124] : memref<10112x128xf32, #tpu.memory_space<vmem_shared>> -> memref<10112x128xf32, #tpu.memory_space<vmem_shared>>
      tpu.wait_indirect_dma semaphore(%arg13 : memref<!tpu.dma_semaphore, #tpu.memory_space<semaphore_mem>>) src(%dma_wait3A_119 : memref<128x128xf32, #tpu.memory_space<vmem>>) dst(%dma_wait3A_125 : memref<10112x128xf32, #tpu.memory_space<vmem_shared>>)
      %dma_start3A_126 = arith.constant 3 : i32
      %dma_start3A_127 = arith.constant 1 : i32
      %dma_start3A_128 = arith.constant 0 : i32
      %dma_start3A_129 = arith.constant 0 : i32
      %dma_start3A_130 = tpu.memref_slice %arg9[%dma_start3A_127, %dma_start3A_128, %dma_start3A_129] : memref<2x128x128xf32, #tpu.memory_space<vmem>> -> memref<1x128x128xf32, #tpu.memory_space<vmem>>
      %dma_start3A_131 = tpu.memref_squeeze %dma_start3A_130 : memref<1x128x128xf32, #tpu.memory_space<vmem>> -> memref<128x128xf32, #tpu.memory_space<vmem>>
      %dma_start3A_132 = arith.constant 0 : i32
      %dma_start3A_133 = tpu.memref_slice %arg7[%dma_start3A_126, %dma_start3A_132] : memref<4x128xi32, #tpu.memory_space<vmem>> -> memref<1x128xi32, #tpu.memory_space<vmem>>
      %dma_start3A_134 = tpu.memref_squeeze %dma_start3A_133 : memref<1x128xi32, #tpu.memory_space<vmem>> -> memref<128xi32, #tpu.memory_space<vmem>>
      %dma_start3A_135 = arith.constant 0 : i32
      %dma_start3A_136 = arith.constant 0 : i32
      %dma_start3A_137 = tpu.memref_slice %arg2[%dma_start3A_135, %dma_start3A_136] : memref<10000x128xf32, #tpu.memory_space<hbm>> -> memref<10000x128xf32, #tpu.memory_space<hbm>>
      tpu.enqueue_indirect_dma source(%dma_start3A_137 : memref<10000x128xf32, #tpu.memory_space<hbm>>) target(%dma_start3A_131 : memref<128x128xf32, #tpu.memory_space<vmem>>) offsets(%dma_start3A_134 : memref<128xi32, #tpu.memory_space<vmem>>) semaphore(%arg11 : memref<!tpu.dma_semaphore, #tpu.memory_space<semaphore_mem>>)
      %dma_wait3A_138 = arith.constant 2 : i32
      %dma_wait3A_139 = arith.constant 0 : i32
      %dma_wait3A_140 = arith.constant 0 : i32
      %dma_wait3A_141 = arith.constant 0 : i32
      %dma_wait3A_142 = tpu.memref_slice %arg9[%dma_wait3A_139, %dma_wait3A_140, %dma_wait3A_141] : memref<2x128x128xf32, #tpu.memory_space<vmem>> -> memref<1x128x128xf32, #tpu.memory_space<vmem>>
      %dma_wait3A_143 = tpu.memref_squeeze %dma_wait3A_142 : memref<1x128x128xf32, #tpu.memory_space<vmem>> -> memref<128x128xf32, #tpu.memory_space<vmem>>
      %dma_wait3A_144 = arith.constant 0 : i32
      %dma_wait3A_145 = tpu.memref_slice %arg7[%dma_wait3A_138, %dma_wait3A_144] : memref<4x128xi32, #tpu.memory_space<vmem>> -> memref<1x128xi32, #tpu.memory_space<vmem>>
      %dma_wait3A_146 = tpu.memref_squeeze %dma_wait3A_145 : memref<1x128xi32, #tpu.memory_space<vmem>> -> memref<128xi32, #tpu.memory_space<vmem>>
      %dma_wait3A_147 = arith.constant 0 : i32
      %dma_wait3A_148 = arith.constant 0 : i32
      %dma_wait3A_149 = tpu.memref_slice %arg2[%dma_wait3A_147, %dma_wait3A_148] : memref<10000x128xf32, #tpu.memory_space<hbm>> -> memref<10000x128xf32, #tpu.memory_space<hbm>>
      tpu.wait_indirect_dma semaphore(%arg10 : memref<!tpu.dma_semaphore, #tpu.memory_space<semaphore_mem>>) src(%dma_wait3A_149 : memref<10000x128xf32, #tpu.memory_space<hbm>>) dst(%dma_wait3A_143 : memref<128x128xf32, #tpu.memory_space<vmem>>)
      %dma_start3A_150 = arith.constant 0 : i32
      %dma_start3A_151 = arith.constant 2 : i32
      %dma_start3A_152 = arith.constant 0 : i32
      %dma_start3A_153 = arith.constant 0 : i32
      %dma_start3A_154 = tpu.memref_slice %arg9[%dma_start3A_150, %dma_start3A_152, %dma_start3A_153] : memref<2x128x128xf32, #tpu.memory_space<vmem>> -> memref<1x128x128xf32, #tpu.memory_space<vmem>>
      %dma_start3A_155 = tpu.memref_squeeze %dma_start3A_154 : memref<1x128x128xf32, #tpu.memory_space<vmem>> -> memref<128x128xf32, #tpu.memory_space<vmem>>
      %dma_start3A_156 = arith.constant 0 : i32
      %dma_start3A_157 = tpu.memref_slice %arg8[%dma_start3A_151, %dma_start3A_156] : memref<4x128xi32, #tpu.memory_space<vmem>> -> memref<1x128xi32, #tpu.memory_space<vmem>>
      %dma_start3A_158 = tpu.memref_squeeze %dma_start3A_157 : memref<1x128xi32, #tpu.memory_space<vmem>> -> memref<128xi32, #tpu.memory_space<vmem>>
      %dma_start3A_159 = arith.constant 0 : i32
      %dma_start3A_160 = arith.constant 0 : i32
      %dma_start3A_161 = tpu.memref_slice %arg14[%dma_start3A_159, %dma_start3A_160] : memref<10112x128xf32, #tpu.memory_space<vmem_shared>> -> memref<10112x128xf32, #tpu.memory_space<vmem_shared>>
      tpu.enqueue_indirect_dma source(%dma_start3A_155 : memref<128x128xf32, #tpu.memory_space<vmem>>) target(%dma_start3A_161 : memref<10112x128xf32, #tpu.memory_space<vmem_shared>>) offsets(%dma_start3A_158 : memref<128xi32, #tpu.memory_space<vmem>>) semaphore(%arg12 : memref<!tpu.dma_semaphore, #tpu.memory_space<semaphore_mem>>) {add = true}
      %dma_wait3A_162 = arith.constant 3 : i32
      %dma_wait3A_163 = arith.constant 1 : i32
      %dma_wait3A_164 = arith.constant 0 : i32
      %dma_wait3A_165 = arith.constant 0 : i32
      %dma_wait3A_166 = tpu.memref_slice %arg9[%dma_wait3A_163, %dma_wait3A_164, %dma_wait3A_165] : memref<2x128x128xf32, #tpu.memory_space<vmem>> -> memref<1x128x128xf32, #tpu.memory_space<vmem>>
      %dma_wait3A_167 = tpu.memref_squeeze %dma_wait3A_166 : memref<1x128x128xf32, #tpu.memory_space<vmem>> -> memref<128x128xf32, #tpu.memory_space<vmem>>
      %dma_wait3A_168 = arith.constant 0 : i32
      %dma_wait3A_169 = tpu.memref_slice %arg7[%dma_wait3A_162, %dma_wait3A_168] : memref<4x128xi32, #tpu.memory_space<vmem>> -> memref<1x128xi32, #tpu.memory_space<vmem>>
      %dma_wait3A_170 = tpu.memref_squeeze %dma_wait3A_169 : memref<1x128xi32, #tpu.memory_space<vmem>> -> memref<128xi32, #tpu.memory_space<vmem>>
      %dma_wait3A_171 = arith.constant 0 : i32
      %dma_wait3A_172 = arith.constant 0 : i32
      %dma_wait3A_173 = tpu.memref_slice %arg2[%dma_wait3A_171, %dma_wait3A_172] : memref<10000x128xf32, #tpu.memory_space<hbm>> -> memref<10000x128xf32, #tpu.memory_space<hbm>>
      tpu.wait_indirect_dma semaphore(%arg11 : memref<!tpu.dma_semaphore, #tpu.memory_space<semaphore_mem>>) src(%dma_wait3A_173 : memref<10000x128xf32, #tpu.memory_space<hbm>>) dst(%dma_wait3A_167 : memref<128x128xf32, #tpu.memory_space<vmem>>)
      %dma_start3A_174 = arith.constant 1 : i32
      %dma_start3A_175 = arith.constant 3 : i32
      %dma_start3A_176 = arith.constant 0 : i32
      %dma_start3A_177 = arith.constant 0 : i32
      %dma_start3A_178 = tpu.memref_slice %arg9[%dma_start3A_174, %dma_start3A_176, %dma_start3A_177] : memref<2x128x128xf32, #tpu.memory_space<vmem>> -> memref<1x128x128xf32, #tpu.memory_space<vmem>>
      %dma_start3A_179 = tpu.memref_squeeze %dma_start3A_178 : memref<1x128x128xf32, #tpu.memory_space<vmem>> -> memref<128x128xf32, #tpu.memory_space<vmem>>
      %dma_start3A_180 = arith.constant 0 : i32
      %dma_start3A_181 = tpu.memref_slice %arg8[%dma_start3A_175, %dma_start3A_180] : memref<4x128xi32, #tpu.memory_space<vmem>> -> memref<1x128xi32, #tpu.memory_space<vmem>>
      %dma_start3A_182 = tpu.memref_squeeze %dma_start3A_181 : memref<1x128xi32, #tpu.memory_space<vmem>> -> memref<128xi32, #tpu.memory_space<vmem>>
      %dma_start3A_183 = arith.constant 0 : i32
      %dma_start3A_184 = arith.constant 0 : i32
      %dma_start3A_185 = tpu.memref_slice %arg14[%dma_start3A_183, %dma_start3A_184] : memref<10112x128xf32, #tpu.memory_space<vmem_shared>> -> memref<10112x128xf32, #tpu.memory_space<vmem_shared>>
      tpu.enqueue_indirect_dma source(%dma_start3A_179 : memref<128x128xf32, #tpu.memory_space<vmem>>) target(%dma_start3A_185 : memref<10112x128xf32, #tpu.memory_space<vmem_shared>>) offsets(%dma_start3A_182 : memref<128xi32, #tpu.memory_space<vmem>>) semaphore(%arg13 : memref<!tpu.dma_semaphore, #tpu.memory_space<semaphore_mem>>) {add = true}
      %dma_wait3A_186 = arith.constant 0 : i32
      %dma_wait3A_187 = arith.constant 2 : i32
      %dma_wait3A_188 = arith.constant 0 : i32
      %dma_wait3A_189 = arith.constant 0 : i32
      %dma_wait3A_190 = tpu.memref_slice %arg9[%dma_wait3A_186, %dma_wait3A_188, %dma_wait3A_189] : memref<2x128x128xf32, #tpu.memory_space<vmem>> -> memref<1x128x128xf32, #tpu.memory_space<vmem>>
      %dma_wait3A_191 = tpu.memref_squeeze %dma_wait3A_190 : memref<1x128x128xf32, #tpu.memory_space<vmem>> -> memref<128x128xf32, #tpu.memory_space<vmem>>
      %dma_wait3A_192 = arith.constant 0 : i32
      %dma_wait3A_193 = tpu.memref_slice %arg8[%dma_wait3A_187, %dma_wait3A_192] : memref<4x128xi32, #tpu.memory_space<vmem>> -> memref<1x128xi32, #tpu.memory_space<vmem>>
      %dma_wait3A_194 = tpu.memref_squeeze %dma_wait3A_193 : memref<1x128xi32, #tpu.memory_space<vmem>> -> memref<128xi32, #tpu.memory_space<vmem>>
      %dma_wait3A_195 = arith.constant 0 : i32
      %dma_wait3A_196 = arith.constant 0 : i32
      %dma_wait3A_197 = tpu.memref_slice %arg14[%dma_wait3A_195, %dma_wait3A_196] : memref<10112x128xf32, #tpu.memory_space<vmem_shared>> -> memref<10112x128xf32, #tpu.memory_space<vmem_shared>>
      tpu.wait_indirect_dma semaphore(%arg12 : memref<!tpu.dma_semaphore, #tpu.memory_space<semaphore_mem>>) src(%dma_wait3A_191 : memref<128x128xf32, #tpu.memory_space<vmem>>) dst(%dma_wait3A_197 : memref<10112x128xf32, #tpu.memory_space<vmem_shared>>)
      %dma_wait3A_198 = arith.constant 1 : i32
      %dma_wait3A_199 = arith.constant 3 : i32
      %dma_wait3A_200 = arith.constant 0 : i32
      %dma_wait3A_201 = arith.constant 0 : i32
      %dma_wait3A_202 = tpu.memref_slice %arg9[%dma_wait3A_198, %dma_wait3A_200, %dma_wait3A_201] : memref<2x128x128xf32, #tpu.memory_space<vmem>> -> memref<1x128x128xf32, #tpu.memory_space<vmem>>
      %dma_wait3A_203 = tpu.memref_squeeze %dma_wait3A_202 : memref<1x128x128xf32, #tpu.memory_space<vmem>> -> memref<128x128xf32, #tpu.memory_space<vmem>>
      %dma_wait3A_204 = arith.constant 0 : i32
      %dma_wait3A_205 = tpu.memref_slice %arg8[%dma_wait3A_199, %dma_wait3A_204] : memref<4x128xi32, #tpu.memory_space<vmem>> -> memref<1x128xi32, #tpu.memory_space<vmem>>
      %dma_wait3A_206 = tpu.memref_squeeze %dma_wait3A_205 : memref<1x128xi32, #tpu.memory_space<vmem>> -> memref<128xi32, #tpu.memory_space<vmem>>
      %dma_wait3A_207 = arith.constant 0 : i32
      %dma_wait3A_208 = arith.constant 0 : i32
      %dma_wait3A_209 = tpu.memref_slice %arg14[%dma_wait3A_207, %dma_wait3A_208] : memref<10112x128xf32, #tpu.memory_space<vmem_shared>> -> memref<10112x128xf32, #tpu.memory_space<vmem_shared>>
      tpu.wait_indirect_dma semaphore(%arg13 : memref<!tpu.dma_semaphore, #tpu.memory_space<semaphore_mem>>) src(%dma_wait3A_203 : memref<128x128xf32, #tpu.memory_space<vmem>>) dst(%dma_wait3A_209 : memref<10112x128xf32, #tpu.memory_space<vmem_shared>>)
    }
    %scan3A_9 = arith.constant 20 : i32
    %barrier3A_10 = arith.constant 0 : index
    tpu.barrier barrier_id(%barrier3A_10)
    %mul3A_11 = arith.constant 632 : i32
    %mul3A_12 = arith.muli %arg1, %mul3A_11 : i32
    %mul3A_13 = arith.constant 632 : i32
    %mul3A_14 = arith.muli %arg1, %mul3A_13 : i32
    "tpu.region"() ({
      %run_scoped3A = tpu.sem_alloc : memref<!tpu.dma_semaphore, #tpu.memory_space<semaphore_mem>>
      %dma_start3A = arith.constant 0 : i32
      %dma_start3A_15 = tpu.memref_slice %arg6[%arg0, %mul3A_14, %dma_start3A] : memref<2x10112x128xf32, #tpu.memory_space<hbm>> -> memref<1x632x128xf32, #tpu.memory_space<hbm>>
      %dma_start3A_16 = tpu.memref_squeeze %dma_start3A_15 : memref<1x632x128xf32, #tpu.memory_space<hbm>> -> memref<632x128xf32, #tpu.memory_space<hbm>>
      %dma_start3A_17 = arith.constant 0 : i32
      %dma_start3A_18 = tpu.memref_slice %arg14[%mul3A_12, %dma_start3A_17] : memref<10112x128xf32, #tpu.memory_space<vmem_shared>> -> memref<632x128xf32, #tpu.memory_space<vmem_shared>>
      tpu.enqueue_dma source(%dma_start3A_18 : memref<632x128xf32, #tpu.memory_space<vmem_shared>>) target(%dma_start3A_16 : memref<632x128xf32, #tpu.memory_space<hbm>>) target_semaphore(%run_scoped3A : memref<!tpu.dma_semaphore, #tpu.memory_space<semaphore_mem>>)
      %dma_wait3A = arith.constant 0 : i32
      %dma_wait3A_19 = tpu.memref_slice %arg6[%arg0, %mul3A_14, %dma_wait3A] : memref<2x10112x128xf32, #tpu.memory_space<hbm>> -> memref<1x632x128xf32, #tpu.memory_space<hbm>>
      %dma_wait3A_20 = tpu.memref_squeeze %dma_wait3A_19 : memref<1x632x128xf32, #tpu.memory_space<hbm>> -> memref<632x128xf32, #tpu.memory_space<hbm>>
      %dma_wait3A_21 = arith.constant 0 : i32
      %dma_wait3A_22 = tpu.memref_slice %arg14[%mul3A_12, %dma_wait3A_21] : memref<10112x128xf32, #tpu.memory_space<vmem_shared>> -> memref<632x128xf32, #tpu.memory_space<vmem_shared>>
      tpu.wait_dma2 semaphore(%run_scoped3A : memref<!tpu.dma_semaphore, #tpu.memory_space<semaphore_mem>>) src(%dma_wait3A_22 : memref<632x128xf32, #tpu.memory_space<vmem_shared>>) dst(%dma_wait3A_20 : memref<632x128xf32, #tpu.memory_space<hbm>>)
      tpu.yield
    }) : () -> ()
    return
  }
}

#map = affine_map<(d0, d1) -> (0, 0)>
#map1 = affine_map<(d0, d1) -> (0, 0, 0)>
module attributes {stable_mosaic.version = 14 : i64} {
  func.func @body(%arg0: i32, %arg1: i32, %arg2: memref<10000x128xf32, #tpu.memory_space<hbm>>, %arg3: memref<32x80x128xi32, #tpu.memory_space<hbm>>, %arg4: memref<32x80x128xi32, #tpu.memory_space<hbm>>, %arg5: memref<10112x128xf32, #tpu.memory_space<hbm>>, %arg6: memref<2x10112x128xf32, #tpu.memory_space<hbm>>, %arg7: memref<4x128xi32, #tpu.memory_space<vmem>>, %arg8: memref<4x128xi32, #tpu.memory_space<vmem>>, %arg9: memref<2x128x128xf32, #tpu.memory_space<vmem>>, %arg10: memref<!tpu.dma_semaphore, #tpu.memory_space<semaphore_mem>>, %arg11: memref<!tpu.dma_semaphore, #tpu.memory_space<semaphore_mem>>, %arg12: memref<!tpu.dma_semaphore, #tpu.memory_space<semaphore_mem>>, %arg13: memref<!tpu.dma_semaphore, #tpu.memory_space<semaphore_mem>>, %arg14: memref<10112x128xf32, #tpu.memory_space<vmem_shared>>) attributes {dimension_semantics = [#tpu.dimension_semantics<core_parallel>, #tpu.dimension_semantics<subcore_parallel>], iteration_bounds = array<i64: 2, 16>, scalar_prefetch = 0 : i64, scratch_operands = 8 : i64, tpu.core_type = #tpu.core_type<sc_vector_subcore>, window_params = [{transform_indices = #map}, {transform_indices = #map1}, {transform_indices = #map1}, {transform_indices = #map}, {transform_indices = #map1}]} {
    %mul3A = arith.constant 16 : i32
    %mul3A_0 = arith.muli %arg0, %mul3A : i32
    %add3A = arith.addi %mul3A_0, %arg1 : i32
    %mul3A_1 = arith.constant 632 : i32
    %mul3A_2 = arith.muli %arg1, %mul3A_1 : i32
    %mul3A_3 = arith.constant 632 : i32
    %mul3A_4 = arith.muli %arg1, %mul3A_3 : i32
    "tpu.region"() ({
      %run_scoped3A = tpu.sem_alloc : memref<!tpu.dma_semaphore, #tpu.memory_space<semaphore_mem>>
      %dma_start3A = arith.constant 0 : i32
      %dma_start3A_15 = tpu.memref_slice %arg14[%mul3A_4, %dma_start3A] : memref<10112x128xf32, #tpu.memory_space<vmem_shared>> -> memref<632x128xf32, #tpu.memory_space<vmem_shared>>
      %dma_start3A_16 = arith.constant 0 : i32
      %dma_start3A_17 = tpu.memref_slice %arg5[%mul3A_2, %dma_start3A_16] : memref<10112x128xf32, #tpu.memory_space<hbm>> -> memref<632x128xf32, #tpu.memory_space<hbm>>
      tpu.enqueue_dma source(%dma_start3A_17 : memref<632x128xf32, #tpu.memory_space<hbm>>) target(%dma_start3A_15 : memref<632x128xf32, #tpu.memory_space<vmem_shared>>) target_semaphore(%run_scoped3A : memref<!tpu.dma_semaphore, #tpu.memory_space<semaphore_mem>>)
      %dma_wait3A = arith.constant 0 : i32
      %dma_wait3A_18 = tpu.memref_slice %arg14[%mul3A_4, %dma_wait3A] : memref<10112x128xf32, #tpu.memory_space<vmem_shared>> -> memref<632x128xf32, #tpu.memory_space<vmem_shared>>
      %dma_wait3A_19 = arith.constant 0 : i32
      %dma_wait3A_20 = tpu.memref_slice %arg5[%mul3A_2, %dma_wait3A_19] : memref<10112x128xf32, #tpu.memory_space<hbm>> -> memref<632x128xf32, #tpu.memory_space<hbm>>
      tpu.wait_dma2 semaphore(%run_scoped3A : memref<!tpu.dma_semaphore, #tpu.memory_space<semaphore_mem>>) src(%dma_wait3A_20 : memref<632x128xf32, #tpu.memory_space<hbm>>) dst(%dma_wait3A_18 : memref<632x128xf32, #tpu.memory_space<vmem_shared>>)
      tpu.yield
    }) : () -> ()
    %barrier3A = arith.constant 0 : index
    tpu.barrier barrier_id(%barrier3A)
    %scan3A = arith.constant 0 : i32
    %scan3A_5 = arith.constant 0 : i32
    %scan3A_6 = arith.constant 20 : i32
    %scan3A_7 = arith.addi %scan3A_5, %scan3A_6 : i32
    %scan3A_8 = arith.constant 1 : i32
    scf.for %scan3A_15 = %scan3A_5 to %scan3A_7 step %scan3A_8  : i32 {
      %mul3A_16 = arith.constant 4 : i32
      %mul3A_17 = arith.muli %scan3A_15, %mul3A_16 : i32
      "tpu.region"() ({
        %run_scoped3A = tpu.sem_alloc : memref<!tpu.dma_semaphore, #tpu.memory_space<semaphore_mem>>
        %dma_start3A_210 = arith.constant 0 : i32
        %dma_start3A_211 = tpu.memref_slice %arg3[%add3A, %mul3A_17, %dma_start3A_210] : memref<32x80x128xi32, #tpu.memory_space<hbm>> -> memref<1x4x128xi32, #tpu.memory_space<hbm>>
        %dma_start3A_212 = tpu.memref_squeeze %dma_start3A_211 : memref<1x4x128xi32, #tpu.memory_space<hbm>> -> memref<4x128xi32, #tpu.memory_space<hbm>>
        %dma_start3A_213 = arith.constant 0 : i32
        %dma_start3A_214 = tpu.memref_slice %arg3[%add3A, %mul3A_17, %dma_start3A_213] : memref<32x80x128xi32, #tpu.memory_space<hbm>> -> memref<1x4x128xi32, #tpu.memory_space<hbm>>
        %dma_start3A_215 = tpu.memref_squeeze %dma_start3A_214 : memref<1x4x128xi32, #tpu.memory_space<hbm>> -> memref<4x128xi32, #tpu.memory_space<hbm>>
        tpu.enqueue_dma source(%dma_start3A_215 : memref<4x128xi32, #tpu.memory_space<hbm>>) target(%arg7 : memref<4x128xi32, #tpu.memory_space<vmem>>) target_semaphore(%run_scoped3A : memref<!tpu.dma_semaphore, #tpu.memory_space<semaphore_mem>>)
        %dma_wait3A_216 = arith.constant 0 : i32
        %dma_wait3A_217 = tpu.memref_slice %arg3[%add3A, %mul3A_17, %dma_wait3A_216] : memref<32x80x128xi32, #tpu.memory_space<hbm>> -> memref<1x4x128xi32, #tpu.memory_space<hbm>>
        %dma_wait3A_218 = tpu.memref_squeeze %dma_wait3A_217 : memref<1x4x128xi32, #tpu.memory_space<hbm>> -> memref<4x128xi32, #tpu.memory_space<hbm>>
        %dma_wait3A_219 = arith.constant 0 : i32
        %dma_wait3A_220 = tpu.memref_slice %arg3[%add3A, %mul3A_17, %dma_wait3A_219] : memref<32x80x128xi32, #tpu.memory_space<hbm>> -> memref<1x4x128xi32, #tpu.memory_space<hbm>>
        %dma_wait3A_221 = tpu.memref_squeeze %dma_wait3A_220 : memref<1x4x128xi32, #tpu.memory_space<hbm>> -> memref<4x128xi32, #tpu.memory_space<hbm>>
        tpu.wait_dma2 semaphore(%run_scoped3A : memref<!tpu.dma_semaphore, #tpu.memory_space<semaphore_mem>>) src(%dma_wait3A_221 : memref<4x128xi32, #tpu.memory_space<hbm>>) dst(%arg7 : memref<4x128xi32, #tpu.memory_space<vmem>>)
        tpu.yield
      }) : () -> ()
      %mul3A_18 = arith.constant 4 : i32
      %mul3A_19 = arith.muli %scan3A_15, %mul3A_18 : i32
      "tpu.region"() ({
        %run_scoped3A = tpu.sem_alloc : memref<!tpu.dma_semaphore, #tpu.memory_space<semaphore_mem>>
        %dma_start3A_210 = arith.constant 0 : i32
        %dma_start3A_211 = tpu.memref_slice %arg4[%add3A, %mul3A_19, %dma_start3A_210] : memref<32x80x128xi32, #tpu.memory_space<hbm>> -> memref<1x4x128xi32, #tpu.memory_space<hbm>>
        %dma_start3A_212 = tpu.memref_squeeze %dma_start3A_211 : memref<1x4x128xi32, #tpu.memory_space<hbm>> -> memref<4x128xi32, #tpu.memory_space<hbm>>
        %dma_start3A_213 = arith.constant 0 : i32
        %dma_start3A_214 = tpu.memref_slice %arg4[%add3A, %mul3A_19, %dma_start3A_213] : memref<32x80x128xi32, #tpu.memory_space<hbm>> -> memref<1x4x128xi32, #tpu.memory_space<hbm>>
        %dma_start3A_215 = tpu.memref_squeeze %dma_start3A_214 : memref<1x4x128xi32, #tpu.memory_space<hbm>> -> memref<4x128xi32, #tpu.memory_space<hbm>>
        tpu.enqueue_dma source(%dma_start3A_215 : memref<4x128xi32, #tpu.memory_space<hbm>>) target(%arg8 : memref<4x128xi32, #tpu.memory_space<vmem>>) target_semaphore(%run_scoped3A : memref<!tpu.dma_semaphore, #tpu.memory_space<semaphore_mem>>)
        %dma_wait3A_216 = arith.constant 0 : i32
        %dma_wait3A_217 = tpu.memref_slice %arg4[%add3A, %mul3A_19, %dma_wait3A_216] : memref<32x80x128xi32, #tpu.memory_space<hbm>> -> memref<1x4x128xi32, #tpu.memory_space<hbm>>
        %dma_wait3A_218 = tpu.memref_squeeze %dma_wait3A_217 : memref<1x4x128xi32, #tpu.memory_space<hbm>> -> memref<4x128xi32, #tpu.memory_space<hbm>>
        %dma_wait3A_219 = arith.constant 0 : i32
        %dma_wait3A_220 = tpu.memref_slice %arg4[%add3A, %mul3A_19, %dma_wait3A_219] : memref<32x80x128xi32, #tpu.memory_space<hbm>> -> memref<1x4x128xi32, #tpu.memory_space<hbm>>
        %dma_wait3A_221 = tpu.memref_squeeze %dma_wait3A_220 : memref<1x4x128xi32, #tpu.memory_space<hbm>> -> memref<4x128xi32, #tpu.memory_space<hbm>>
        tpu.wait_dma2 semaphore(%run_scoped3A : memref<!tpu.dma_semaphore, #tpu.memory_space<semaphore_mem>>) src(%dma_wait3A_221 : memref<4x128xi32, #tpu.memory_space<hbm>>) dst(%arg8 : memref<4x128xi32, #tpu.memory_space<vmem>>)
        tpu.yield
      }) : () -> ()
      %dma_start3A = arith.constant 0 : i32
      %dma_start3A_20 = arith.constant 0 : i32
      %dma_start3A_21 = arith.constant 0 : i32
      %dma_start3A_22 = arith.constant 0 : i32
      %dma_start3A_23 = tpu.memref_slice %arg9[%dma_start3A_20, %dma_start3A_21, %dma_start3A_22] : memref<2x128x128xf32, #tpu.memory_space<vmem>> -> memref<1x128x128xf32, #tpu.memory_space<vmem>>
      %dma_start3A_24 = tpu.memref_squeeze %dma_start3A_23 : memref<1x128x128xf32, #tpu.memory_space<vmem>> -> memref<128x128xf32, #tpu.memory_space<vmem>>
      %dma_start3A_25 = arith.constant 0 : i32
      %dma_start3A_26 = tpu.memref_slice %arg7[%dma_start3A, %dma_start3A_25] : memref<4x128xi32, #tpu.memory_space<vmem>> -> memref<1x128xi32, #tpu.memory_space<vmem>>
      %dma_start3A_27 = tpu.memref_squeeze %dma_start3A_26 : memref<1x128xi32, #tpu.memory_space<vmem>> -> memref<128xi32, #tpu.memory_space<vmem>>
      %dma_start3A_28 = arith.constant 0 : i32
      %dma_start3A_29 = arith.constant 0 : i32
      %dma_start3A_30 = tpu.memref_slice %arg2[%dma_start3A_28, %dma_start3A_29] : memref<10000x128xf32, #tpu.memory_space<hbm>> -> memref<10000x128xf32, #tpu.memory_space<hbm>>
      tpu.enqueue_indirect_dma source(%dma_start3A_30 : memref<10000x128xf32, #tpu.memory_space<hbm>>) target(%dma_start3A_24 : memref<128x128xf32, #tpu.memory_space<vmem>>) offsets(%dma_start3A_27 : memref<128xi32, #tpu.memory_space<vmem>>) semaphore(%arg10 : memref<!tpu.dma_semaphore, #tpu.memory_space<semaphore_mem>>)
      %dma_start3A_31 = arith.constant 1 : i32
      %dma_start3A_32 = arith.constant 1 : i32
      %dma_start3A_33 = arith.constant 0 : i32
      %dma_start3A_34 = arith.constant 0 : i32
      %dma_start3A_35 = tpu.memref_slice %arg9[%dma_start3A_32, %dma_start3A_33, %dma_start3A_34] : memref<2x128x128xf32, #tpu.memory_space<vmem>> -> memref<1x128x128xf32, #tpu.memory_space<vmem>>
      %dma_start3A_36 = tpu.memref_squeeze %dma_start3A_35 : memref<1x128x128xf32, #tpu.memory_space<vmem>> -> memref<128x128xf32, #tpu.memory_space<vmem>>
      %dma_start3A_37 = arith.constant 0 : i32
      %dma_start3A_38 = tpu.memref_slice %arg7[%dma_start3A_31, %dma_start3A_37] : memref<4x128xi32, #tpu.memory_space<vmem>> -> memref<1x128xi32, #tpu.memory_space<vmem>>
      %dma_start3A_39 = tpu.memref_squeeze %dma_start3A_38 : memref<1x128xi32, #tpu.memory_space<vmem>> -> memref<128xi32, #tpu.memory_space<vmem>>
      %dma_start3A_40 = arith.constant 0 : i32
      %dma_start3A_41 = arith.constant 0 : i32
      %dma_start3A_42 = tpu.memref_slice %arg2[%dma_start3A_40, %dma_start3A_41] : memref<10000x128xf32, #tpu.memory_space<hbm>> -> memref<10000x128xf32, #tpu.memory_space<hbm>>
      tpu.enqueue_indirect_dma source(%dma_start3A_42 : memref<10000x128xf32, #tpu.memory_space<hbm>>) target(%dma_start3A_36 : memref<128x128xf32, #tpu.memory_space<vmem>>) offsets(%dma_start3A_39 : memref<128xi32, #tpu.memory_space<vmem>>) semaphore(%arg11 : memref<!tpu.dma_semaphore, #tpu.memory_space<semaphore_mem>>)
      %dma_wait3A = arith.constant 0 : i32
      %dma_wait3A_43 = arith.constant 0 : i32
      %dma_wait3A_44 = arith.constant 0 : i32
      %dma_wait3A_45 = arith.constant 0 : i32
      %dma_wait3A_46 = tpu.memref_slice %arg9[%dma_wait3A_43, %dma_wait3A_44, %dma_wait3A_45] : memref<2x128x128xf32, #tpu.memory_space<vmem>> -> memref<1x128x128xf32, #tpu.memory_space<vmem>>
      %dma_wait3A_47 = tpu.memref_squeeze %dma_wait3A_46 : memref<1x128x128xf32, #tpu.memory_space<vmem>> -> memref<128x128xf32, #tpu.memory_space<vmem>>
      %dma_wait3A_48 = arith.constant 0 : i32
      %dma_wait3A_49 = tpu.memref_slice %arg7[%dma_wait3A, %dma_wait3A_48] : memref<4x128xi32, #tpu.memory_space<vmem>> -> memref<1x128xi32, #tpu.memory_space<vmem>>
      %dma_wait3A_50 = tpu.memref_squeeze %dma_wait3A_49 : memref<1x128xi32, #tpu.memory_space<vmem>> -> memref<128xi32, #tpu.memory_space<vmem>>
      %dma_wait3A_51 = arith.constant 0 : i32
      %dma_wait3A_52 = arith.constant 0 : i32
      %dma_wait3A_53 = tpu.memref_slice %arg2[%dma_wait3A_51, %dma_wait3A_52] : memref<10000x128xf32, #tpu.memory_space<hbm>> -> memref<10000x128xf32, #tpu.memory_space<hbm>>
      tpu.wait_indirect_dma semaphore(%arg10 : memref<!tpu.dma_semaphore, #tpu.memory_space<semaphore_mem>>) src(%dma_wait3A_53 : memref<10000x128xf32, #tpu.memory_space<hbm>>) dst(%dma_wait3A_47 : memref<128x128xf32, #tpu.memory_space<vmem>>)
      %dma_start3A_54 = arith.constant 0 : i32
      %dma_start3A_55 = arith.constant 0 : i32
      %dma_start3A_56 = arith.constant 0 : i32
      %dma_start3A_57 = arith.constant 0 : i32
      %dma_start3A_58 = tpu.memref_slice %arg9[%dma_start3A_54, %dma_start3A_56, %dma_start3A_57] : memref<2x128x128xf32, #tpu.memory_space<vmem>> -> memref<1x128x128xf32, #tpu.memory_space<vmem>>
      %dma_start3A_59 = tpu.memref_squeeze %dma_start3A_58 : memref<1x128x128xf32, #tpu.memory_space<vmem>> -> memref<128x128xf32, #tpu.memory_space<vmem>>
      %dma_start3A_60 = arith.constant 0 : i32
      %dma_start3A_61 = tpu.memref_slice %arg8[%dma_start3A_55, %dma_start3A_60] : memref<4x128xi32, #tpu.memory_space<vmem>> -> memref<1x128xi32, #tpu.memory_space<vmem>>
      %dma_start3A_62 = tpu.memref_squeeze %dma_start3A_61 : memref<1x128xi32, #tpu.memory_space<vmem>> -> memref<128xi32, #tpu.memory_space<vmem>>
      %dma_start3A_63 = arith.constant 0 : i32
      %dma_start3A_64 = arith.constant 0 : i32
      %dma_start3A_65 = tpu.memref_slice %arg14[%dma_start3A_63, %dma_start3A_64] : memref<10112x128xf32, #tpu.memory_space<vmem_shared>> -> memref<10112x128xf32, #tpu.memory_space<vmem_shared>>
      tpu.enqueue_indirect_dma source(%dma_start3A_59 : memref<128x128xf32, #tpu.memory_space<vmem>>) target(%dma_start3A_65 : memref<10112x128xf32, #tpu.memory_space<vmem_shared>>) offsets(%dma_start3A_62 : memref<128xi32, #tpu.memory_space<vmem>>) semaphore(%arg12 : memref<!tpu.dma_semaphore, #tpu.memory_space<semaphore_mem>>) {add = true}
      %dma_wait3A_66 = arith.constant 0 : i32
      %dma_wait3A_67 = arith.constant 0 : i32
      %dma_wait3A_68 = arith.constant 0 : i32
      %dma_wait3A_69 = arith.constant 0 : i32
      %dma_wait3A_70 = tpu.memref_slice %arg9[%dma_wait3A_66, %dma_wait3A_68, %dma_wait3A_69] : memref<2x128x128xf32, #tpu.memory_space<vmem>> -> memref<1x128x128xf32, #tpu.memory_space<vmem>>
      %dma_wait3A_71 = tpu.memref_squeeze %dma_wait3A_70 : memref<1x128x128xf32, #tpu.memory_space<vmem>> -> memref<128x128xf32, #tpu.memory_space<vmem>>
      %dma_wait3A_72 = arith.constant 0 : i32
      %dma_wait3A_73 = tpu.memref_slice %arg8[%dma_wait3A_67, %dma_wait3A_72] : memref<4x128xi32, #tpu.memory_space<vmem>> -> memref<1x128xi32, #tpu.memory_space<vmem>>
      %dma_wait3A_74 = tpu.memref_squeeze %dma_wait3A_73 : memref<1x128xi32, #tpu.memory_space<vmem>> -> memref<128xi32, #tpu.memory_space<vmem>>
      %dma_wait3A_75 = arith.constant 0 : i32
      %dma_wait3A_76 = arith.constant 0 : i32
      %dma_wait3A_77 = tpu.memref_slice %arg14[%dma_wait3A_75, %dma_wait3A_76] : memref<10112x128xf32, #tpu.memory_space<vmem_shared>> -> memref<10112x128xf32, #tpu.memory_space<vmem_shared>>
      tpu.wait_indirect_dma semaphore(%arg12 : memref<!tpu.dma_semaphore, #tpu.memory_space<semaphore_mem>>) src(%dma_wait3A_71 : memref<128x128xf32, #tpu.memory_space<vmem>>) dst(%dma_wait3A_77 : memref<10112x128xf32, #tpu.memory_space<vmem_shared>>)
      %dma_start3A_78 = arith.constant 2 : i32
      %dma_start3A_79 = arith.constant 0 : i32
      %dma_start3A_80 = arith.constant 0 : i32
      %dma_start3A_81 = arith.constant 0 : i32
      %dma_start3A_82 = tpu.memref_slice %arg9[%dma_start3A_79, %dma_start3A_80, %dma_start3A_81] : memref<2x128x128xf32, #tpu.memory_space<vmem>> -> memref<1x128x128xf32, #tpu.memory_space<vmem>>
      %dma_start3A_83 = tpu.memref_squeeze %dma_start3A_82 : memref<1x128x128xf32, #tpu.memory_space<vmem>> -> memref<128x128xf32, #tpu.memory_space<vmem>>
      %dma_start3A_84 = arith.constant 0 : i32
      %dma_start3A_85 = tpu.memref_slice %arg7[%dma_start3A_78, %dma_start3A_84] : memref<4x128xi32, #tpu.memory_space<vmem>> -> memref<1x128xi32, #tpu.memory_space<vmem>>
      %dma_start3A_86 = tpu.memref_squeeze %dma_start3A_85 : memref<1x128xi32, #tpu.memory_space<vmem>> -> memref<128xi32, #tpu.memory_space<vmem>>
      %dma_start3A_87 = arith.constant 0 : i32
      %dma_start3A_88 = arith.constant 0 : i32
      %dma_start3A_89 = tpu.memref_slice %arg2[%dma_start3A_87, %dma_start3A_88] : memref<10000x128xf32, #tpu.memory_space<hbm>> -> memref<10000x128xf32, #tpu.memory_space<hbm>>
      tpu.enqueue_indirect_dma source(%dma_start3A_89 : memref<10000x128xf32, #tpu.memory_space<hbm>>) target(%dma_start3A_83 : memref<128x128xf32, #tpu.memory_space<vmem>>) offsets(%dma_start3A_86 : memref<128xi32, #tpu.memory_space<vmem>>) semaphore(%arg10 : memref<!tpu.dma_semaphore, #tpu.memory_space<semaphore_mem>>)
      %dma_wait3A_90 = arith.constant 1 : i32
      %dma_wait3A_91 = arith.constant 1 : i32
      %dma_wait3A_92 = arith.constant 0 : i32
      %dma_wait3A_93 = arith.constant 0 : i32
      %dma_wait3A_94 = tpu.memref_slice %arg9[%dma_wait3A_91, %dma_wait3A_92, %dma_wait3A_93] : memref<2x128x128xf32, #tpu.memory_space<vmem>> -> memref<1x128x128xf32, #tpu.memory_space<vmem>>
      %dma_wait3A_95 = tpu.memref_squeeze %dma_wait3A_94 : memref<1x128x128xf32, #tpu.memory_space<vmem>> -> memref<128x128xf32, #tpu.memory_space<vmem>>
      %dma_wait3A_96 = arith.constant 0 : i32
      %dma_wait3A_97 = tpu.memref_slice %arg7[%dma_wait3A_90, %dma_wait3A_96] : memref<4x128xi32, #tpu.memory_space<vmem>> -> memref<1x128xi32, #tpu.memory_space<vmem>>
      %dma_wait3A_98 = tpu.memref_squeeze %dma_wait3A_97 : memref<1x128xi32, #tpu.memory_space<vmem>> -> memref<128xi32, #tpu.memory_space<vmem>>
      %dma_wait3A_99 = arith.constant 0 : i32
      %dma_wait3A_100 = arith.constant 0 : i32
      %dma_wait3A_101 = tpu.memref_slice %arg2[%dma_wait3A_99, %dma_wait3A_100] : memref<10000x128xf32, #tpu.memory_space<hbm>> -> memref<10000x128xf32, #tpu.memory_space<hbm>>
      tpu.wait_indirect_dma semaphore(%arg11 : memref<!tpu.dma_semaphore, #tpu.memory_space<semaphore_mem>>) src(%dma_wait3A_101 : memref<10000x128xf32, #tpu.memory_space<hbm>>) dst(%dma_wait3A_95 : memref<128x128xf32, #tpu.memory_space<vmem>>)
      %dma_start3A_102 = arith.constant 1 : i32
      %dma_start3A_103 = arith.constant 1 : i32
      %dma_start3A_104 = arith.constant 0 : i32
      %dma_start3A_105 = arith.constant 0 : i32
      %dma_start3A_106 = tpu.memref_slice %arg9[%dma_start3A_102, %dma_start3A_104, %dma_start3A_105] : memref<2x128x128xf32, #tpu.memory_space<vmem>> -> memref<1x128x128xf32, #tpu.memory_space<vmem>>
      %dma_start3A_107 = tpu.memref_squeeze %dma_start3A_106 : memref<1x128x128xf32, #tpu.memory_space<vmem>> -> memref<128x128xf32, #tpu.memory_space<vmem>>
      %dma_start3A_108 = arith.constant 0 : i32
      %dma_start3A_109 = tpu.memref_slice %arg8[%dma_start3A_103, %dma_start3A_108] : memref<4x128xi32, #tpu.memory_space<vmem>> -> memref<1x128xi32, #tpu.memory_space<vmem>>
      %dma_start3A_110 = tpu.memref_squeeze %dma_start3A_109 : memref<1x128xi32, #tpu.memory_space<vmem>> -> memref<128xi32, #tpu.memory_space<vmem>>
      %dma_start3A_111 = arith.constant 0 : i32
      %dma_start3A_112 = arith.constant 0 : i32
      %dma_start3A_113 = tpu.memref_slice %arg14[%dma_start3A_111, %dma_start3A_112] : memref<10112x128xf32, #tpu.memory_space<vmem_shared>> -> memref<10112x128xf32, #tpu.memory_space<vmem_shared>>
      tpu.enqueue_indirect_dma source(%dma_start3A_107 : memref<128x128xf32, #tpu.memory_space<vmem>>) target(%dma_start3A_113 : memref<10112x128xf32, #tpu.memory_space<vmem_shared>>) offsets(%dma_start3A_110 : memref<128xi32, #tpu.memory_space<vmem>>) semaphore(%arg13 : memref<!tpu.dma_semaphore, #tpu.memory_space<semaphore_mem>>) {add = true}
      %dma_wait3A_114 = arith.constant 1 : i32
      %dma_wait3A_115 = arith.constant 1 : i32
      %dma_wait3A_116 = arith.constant 0 : i32
      %dma_wait3A_117 = arith.constant 0 : i32
      %dma_wait3A_118 = tpu.memref_slice %arg9[%dma_wait3A_114, %dma_wait3A_116, %dma_wait3A_117] : memref<2x128x128xf32, #tpu.memory_space<vmem>> -> memref<1x128x128xf32, #tpu.memory_space<vmem>>
      %dma_wait3A_119 = tpu.memref_squeeze %dma_wait3A_118 : memref<1x128x128xf32, #tpu.memory_space<vmem>> -> memref<128x128xf32, #tpu.memory_space<vmem>>
      %dma_wait3A_120 = arith.constant 0 : i32
      %dma_wait3A_121 = tpu.memref_slice %arg8[%dma_wait3A_115, %dma_wait3A_120] : memref<4x128xi32, #tpu.memory_space<vmem>> -> memref<1x128xi32, #tpu.memory_space<vmem>>
      %dma_wait3A_122 = tpu.memref_squeeze %dma_wait3A_121 : memref<1x128xi32, #tpu.memory_space<vmem>> -> memref<128xi32, #tpu.memory_space<vmem>>
      %dma_wait3A_123 = arith.constant 0 : i32
      %dma_wait3A_124 = arith.constant 0 : i32
      %dma_wait3A_125 = tpu.memref_slice %arg14[%dma_wait3A_123, %dma_wait3A_124] : memref<10112x128xf32, #tpu.memory_space<vmem_shared>> -> memref<10112x128xf32, #tpu.memory_space<vmem_shared>>
      tpu.wait_indirect_dma semaphore(%arg13 : memref<!tpu.dma_semaphore, #tpu.memory_space<semaphore_mem>>) src(%dma_wait3A_119 : memref<128x128xf32, #tpu.memory_space<vmem>>) dst(%dma_wait3A_125 : memref<10112x128xf32, #tpu.memory_space<vmem_shared>>)
      %dma_start3A_126 = arith.constant 3 : i32
      %dma_start3A_127 = arith.constant 1 : i32
      %dma_start3A_128 = arith.constant 0 : i32
      %dma_start3A_129 = arith.constant 0 : i32
      %dma_start3A_130 = tpu.memref_slice %arg9[%dma_start3A_127, %dma_start3A_128, %dma_start3A_129] : memref<2x128x128xf32, #tpu.memory_space<vmem>> -> memref<1x128x128xf32, #tpu.memory_space<vmem>>
      %dma_start3A_131 = tpu.memref_squeeze %dma_start3A_130 : memref<1x128x128xf32, #tpu.memory_space<vmem>> -> memref<128x128xf32, #tpu.memory_space<vmem>>
      %dma_start3A_132 = arith.constant 0 : i32
      %dma_start3A_133 = tpu.memref_slice %arg7[%dma_start3A_126, %dma_start3A_132] : memref<4x128xi32, #tpu.memory_space<vmem>> -> memref<1x128xi32, #tpu.memory_space<vmem>>
      %dma_start3A_134 = tpu.memref_squeeze %dma_start3A_133 : memref<1x128xi32, #tpu.memory_space<vmem>> -> memref<128xi32, #tpu.memory_space<vmem>>
      %dma_start3A_135 = arith.constant 0 : i32
      %dma_start3A_136 = arith.constant 0 : i32
      %dma_start3A_137 = tpu.memref_slice %arg2[%dma_start3A_135, %dma_start3A_136] : memref<10000x128xf32, #tpu.memory_space<hbm>> -> memref<10000x128xf32, #tpu.memory_space<hbm>>
      tpu.enqueue_indirect_dma source(%dma_start3A_137 : memref<10000x128xf32, #tpu.memory_space<hbm>>) target(%dma_start3A_131 : memref<128x128xf32, #tpu.memory_space<vmem>>) offsets(%dma_start3A_134 : memref<128xi32, #tpu.memory_space<vmem>>) semaphore(%arg11 : memref<!tpu.dma_semaphore, #tpu.memory_space<semaphore_mem>>)
      %dma_wait3A_138 = arith.constant 2 : i32
      %dma_wait3A_139 = arith.constant 0 : i32
      %dma_wait3A_140 = arith.constant 0 : i32
      %dma_wait3A_141 = arith.constant 0 : i32
      %dma_wait3A_142 = tpu.memref_slice %arg9[%dma_wait3A_139, %dma_wait3A_140, %dma_wait3A_141] : memref<2x128x128xf32, #tpu.memory_space<vmem>> -> memref<1x128x128xf32, #tpu.memory_space<vmem>>
      %dma_wait3A_143 = tpu.memref_squeeze %dma_wait3A_142 : memref<1x128x128xf32, #tpu.memory_space<vmem>> -> memref<128x128xf32, #tpu.memory_space<vmem>>
      %dma_wait3A_144 = arith.constant 0 : i32
      %dma_wait3A_145 = tpu.memref_slice %arg7[%dma_wait3A_138, %dma_wait3A_144] : memref<4x128xi32, #tpu.memory_space<vmem>> -> memref<1x128xi32, #tpu.memory_space<vmem>>
      %dma_wait3A_146 = tpu.memref_squeeze %dma_wait3A_145 : memref<1x128xi32, #tpu.memory_space<vmem>> -> memref<128xi32, #tpu.memory_space<vmem>>
      %dma_wait3A_147 = arith.constant 0 : i32
      %dma_wait3A_148 = arith.constant 0 : i32
      %dma_wait3A_149 = tpu.memref_slice %arg2[%dma_wait3A_147, %dma_wait3A_148] : memref<10000x128xf32, #tpu.memory_space<hbm>> -> memref<10000x128xf32, #tpu.memory_space<hbm>>
      tpu.wait_indirect_dma semaphore(%arg10 : memref<!tpu.dma_semaphore, #tpu.memory_space<semaphore_mem>>) src(%dma_wait3A_149 : memref<10000x128xf32, #tpu.memory_space<hbm>>) dst(%dma_wait3A_143 : memref<128x128xf32, #tpu.memory_space<vmem>>)
      %dma_start3A_150 = arith.constant 0 : i32
      %dma_start3A_151 = arith.constant 2 : i32
      %dma_start3A_152 = arith.constant 0 : i32
      %dma_start3A_153 = arith.constant 0 : i32
      %dma_start3A_154 = tpu.memref_slice %arg9[%dma_start3A_150, %dma_start3A_152, %dma_start3A_153] : memref<2x128x128xf32, #tpu.memory_space<vmem>> -> memref<1x128x128xf32, #tpu.memory_space<vmem>>
      %dma_start3A_155 = tpu.memref_squeeze %dma_start3A_154 : memref<1x128x128xf32, #tpu.memory_space<vmem>> -> memref<128x128xf32, #tpu.memory_space<vmem>>
      %dma_start3A_156 = arith.constant 0 : i32
      %dma_start3A_157 = tpu.memref_slice %arg8[%dma_start3A_151, %dma_start3A_156] : memref<4x128xi32, #tpu.memory_space<vmem>> -> memref<1x128xi32, #tpu.memory_space<vmem>>
      %dma_start3A_158 = tpu.memref_squeeze %dma_start3A_157 : memref<1x128xi32, #tpu.memory_space<vmem>> -> memref<128xi32, #tpu.memory_space<vmem>>
      %dma_start3A_159 = arith.constant 0 : i32
      %dma_start3A_160 = arith.constant 0 : i32
      %dma_start3A_161 = tpu.memref_slice %arg14[%dma_start3A_159, %dma_start3A_160] : memref<10112x128xf32, #tpu.memory_space<vmem_shared>> -> memref<10112x128xf32, #tpu.memory_space<vmem_shared>>
      tpu.enqueue_indirect_dma source(%dma_start3A_155 : memref<128x128xf32, #tpu.memory_space<vmem>>) target(%dma_start3A_161 : memref<10112x128xf32, #tpu.memory_space<vmem_shared>>) offsets(%dma_start3A_158 : memref<128xi32, #tpu.memory_space<vmem>>) semaphore(%arg12 : memref<!tpu.dma_semaphore, #tpu.memory_space<semaphore_mem>>) {add = true}
      %dma_wait3A_162 = arith.constant 3 : i32
      %dma_wait3A_163 = arith.constant 1 : i32
      %dma_wait3A_164 = arith.constant 0 : i32
      %dma_wait3A_165 = arith.constant 0 : i32
      %dma_wait3A_166 = tpu.memref_slice %arg9[%dma_wait3A_163, %dma_wait3A_164, %dma_wait3A_165] : memref<2x128x128xf32, #tpu.memory_space<vmem>> -> memref<1x128x128xf32, #tpu.memory_space<vmem>>
      %dma_wait3A_167 = tpu.memref_squeeze %dma_wait3A_166 : memref<1x128x128xf32, #tpu.memory_space<vmem>> -> memref<128x128xf32, #tpu.memory_space<vmem>>
      %dma_wait3A_168 = arith.constant 0 : i32
      %dma_wait3A_169 = tpu.memref_slice %arg7[%dma_wait3A_162, %dma_wait3A_168] : memref<4x128xi32, #tpu.memory_space<vmem>> -> memref<1x128xi32, #tpu.memory_space<vmem>>
      %dma_wait3A_170 = tpu.memref_squeeze %dma_wait3A_169 : memref<1x128xi32, #tpu.memory_space<vmem>> -> memref<128xi32, #tpu.memory_space<vmem>>
      %dma_wait3A_171 = arith.constant 0 : i32
      %dma_wait3A_172 = arith.constant 0 : i32
      %dma_wait3A_173 = tpu.memref_slice %arg2[%dma_wait3A_171, %dma_wait3A_172] : memref<10000x128xf32, #tpu.memory_space<hbm>> -> memref<10000x128xf32, #tpu.memory_space<hbm>>
      tpu.wait_indirect_dma semaphore(%arg11 : memref<!tpu.dma_semaphore, #tpu.memory_space<semaphore_mem>>) src(%dma_wait3A_173 : memref<10000x128xf32, #tpu.memory_space<hbm>>) dst(%dma_wait3A_167 : memref<128x128xf32, #tpu.memory_space<vmem>>)
      %dma_start3A_174 = arith.constant 1 : i32
      %dma_start3A_175 = arith.constant 3 : i32
      %dma_start3A_176 = arith.constant 0 : i32
      %dma_start3A_177 = arith.constant 0 : i32
      %dma_start3A_178 = tpu.memref_slice %arg9[%dma_start3A_174, %dma_start3A_176, %dma_start3A_177] : memref<2x128x128xf32, #tpu.memory_space<vmem>> -> memref<1x128x128xf32, #tpu.memory_space<vmem>>
      %dma_start3A_179 = tpu.memref_squeeze %dma_start3A_178 : memref<1x128x128xf32, #tpu.memory_space<vmem>> -> memref<128x128xf32, #tpu.memory_space<vmem>>
      %dma_start3A_180 = arith.constant 0 : i32
      %dma_start3A_181 = tpu.memref_slice %arg8[%dma_start3A_175, %dma_start3A_180] : memref<4x128xi32, #tpu.memory_space<vmem>> -> memref<1x128xi32, #tpu.memory_space<vmem>>
      %dma_start3A_182 = tpu.memref_squeeze %dma_start3A_181 : memref<1x128xi32, #tpu.memory_space<vmem>> -> memref<128xi32, #tpu.memory_space<vmem>>
      %dma_start3A_183 = arith.constant 0 : i32
      %dma_start3A_184 = arith.constant 0 : i32
      %dma_start3A_185 = tpu.memref_slice %arg14[%dma_start3A_183, %dma_start3A_184] : memref<10112x128xf32, #tpu.memory_space<vmem_shared>> -> memref<10112x128xf32, #tpu.memory_space<vmem_shared>>
      tpu.enqueue_indirect_dma source(%dma_start3A_179 : memref<128x128xf32, #tpu.memory_space<vmem>>) target(%dma_start3A_185 : memref<10112x128xf32, #tpu.memory_space<vmem_shared>>) offsets(%dma_start3A_182 : memref<128xi32, #tpu.memory_space<vmem>>) semaphore(%arg13 : memref<!tpu.dma_semaphore, #tpu.memory_space<semaphore_mem>>) {add = true}
      %dma_wait3A_186 = arith.constant 0 : i32
      %dma_wait3A_187 = arith.constant 2 : i32
      %dma_wait3A_188 = arith.constant 0 : i32
      %dma_wait3A_189 = arith.constant 0 : i32
      %dma_wait3A_190 = tpu.memref_slice %arg9[%dma_wait3A_186, %dma_wait3A_188, %dma_wait3A_189] : memref<2x128x128xf32, #tpu.memory_space<vmem>> -> memref<1x128x128xf32, #tpu.memory_space<vmem>>
      %dma_wait3A_191 = tpu.memref_squeeze %dma_wait3A_190 : memref<1x128x128xf32, #tpu.memory_space<vmem>> -> memref<128x128xf32, #tpu.memory_space<vmem>>
      %dma_wait3A_192 = arith.constant 0 : i32
      %dma_wait3A_193 = tpu.memref_slice %arg8[%dma_wait3A_187, %dma_wait3A_192] : memref<4x128xi32, #tpu.memory_space<vmem>> -> memref<1x128xi32, #tpu.memory_space<vmem>>
      %dma_wait3A_194 = tpu.memref_squeeze %dma_wait3A_193 : memref<1x128xi32, #tpu.memory_space<vmem>> -> memref<128xi32, #tpu.memory_space<vmem>>
      %dma_wait3A_195 = arith.constant 0 : i32
      %dma_wait3A_196 = arith.constant 0 : i32
      %dma_wait3A_197 = tpu.memref_slice %arg14[%dma_wait3A_195, %dma_wait3A_196] : memref<10112x128xf32, #tpu.memory_space<vmem_shared>> -> memref<10112x128xf32, #tpu.memory_space<vmem_shared>>
      tpu.wait_indirect_dma semaphore(%arg12 : memref<!tpu.dma_semaphore, #tpu.memory_space<semaphore_mem>>) src(%dma_wait3A_191 : memref<128x128xf32, #tpu.memory_space<vmem>>) dst(%dma_wait3A_197 : memref<10112x128xf32, #tpu.memory_space<vmem_shared>>)
      %dma_wait3A_198 = arith.constant 1 : i32
      %dma_wait3A_199 = arith.constant 3 : i32
      %dma_wait3A_200 = arith.constant 0 : i32
      %dma_wait3A_201 = arith.constant 0 : i32
      %dma_wait3A_202 = tpu.memref_slice %arg9[%dma_wait3A_198, %dma_wait3A_200, %dma_wait3A_201] : memref<2x128x128xf32, #tpu.memory_space<vmem>> -> memref<1x128x128xf32, #tpu.memory_space<vmem>>
      %dma_wait3A_203 = tpu.memref_squeeze %dma_wait3A_202 : memref<1x128x128xf32, #tpu.memory_space<vmem>> -> memref<128x128xf32, #tpu.memory_space<vmem>>
      %dma_wait3A_204 = arith.constant 0 : i32
      %dma_wait3A_205 = tpu.memref_slice %arg8[%dma_wait3A_199, %dma_wait3A_204] : memref<4x128xi32, #tpu.memory_space<vmem>> -> memref<1x128xi32, #tpu.memory_space<vmem>>
      %dma_wait3A_206 = tpu.memref_squeeze %dma_wait3A_205 : memref<1x128xi32, #tpu.memory_space<vmem>> -> memref<128xi32, #tpu.memory_space<vmem>>
      %dma_wait3A_207 = arith.constant 0 : i32
      %dma_wait3A_208 = arith.constant 0 : i32
      %dma_wait3A_209 = tpu.memref_slice %arg14[%dma_wait3A_207, %dma_wait3A_208] : memref<10112x128xf32, #tpu.memory_space<vmem_shared>> -> memref<10112x128xf32, #tpu.memory_space<vmem_shared>>
      tpu.wait_indirect_dma semaphore(%arg13 : memref<!tpu.dma_semaphore, #tpu.memory_space<semaphore_mem>>) src(%dma_wait3A_203 : memref<128x128xf32, #tpu.memory_space<vmem>>) dst(%dma_wait3A_209 : memref<10112x128xf32, #tpu.memory_space<vmem_shared>>)
    }
    %scan3A_9 = arith.constant 20 : i32
    %barrier3A_10 = arith.constant 0 : index
    tpu.barrier barrier_id(%barrier3A_10)
    %mul3A_11 = arith.constant 632 : i32
    %mul3A_12 = arith.muli %arg1, %mul3A_11 : i32
    %mul3A_13 = arith.constant 632 : i32
    %mul3A_14 = arith.muli %arg1, %mul3A_13 : i32
    "tpu.region"() ({
      %run_scoped3A = tpu.sem_alloc : memref<!tpu.dma_semaphore, #tpu.memory_space<semaphore_mem>>
      %dma_start3A = arith.constant 0 : i32
      %dma_start3A_15 = tpu.memref_slice %arg6[%arg0, %mul3A_14, %dma_start3A] : memref<2x10112x128xf32, #tpu.memory_space<hbm>> -> memref<1x632x128xf32, #tpu.memory_space<hbm>>
      %dma_start3A_16 = tpu.memref_squeeze %dma_start3A_15 : memref<1x632x128xf32, #tpu.memory_space<hbm>> -> memref<632x128xf32, #tpu.memory_space<hbm>>
      %dma_start3A_17 = arith.constant 0 : i32
      %dma_start3A_18 = tpu.memref_slice %arg14[%mul3A_12, %dma_start3A_17] : memref<10112x128xf32, #tpu.memory_space<vmem_shared>> -> memref<632x128xf32, #tpu.memory_space<vmem_shared>>
      tpu.enqueue_dma source(%dma_start3A_18 : memref<632x128xf32, #tpu.memory_space<vmem_shared>>) target(%dma_start3A_16 : memref<632x128xf32, #tpu.memory_space<hbm>>) target_semaphore(%run_scoped3A : memref<!tpu.dma_semaphore, #tpu.memory_space<semaphore_mem>>)
      %dma_wait3A = arith.constant 0 : i32
      %dma_wait3A_19 = tpu.memref_slice %arg6[%arg0, %mul3A_14, %dma_wait3A] : memref<2x10112x128xf32, #tpu.memory_space<hbm>> -> memref<1x632x128xf32, #tpu.memory_space<hbm>>
      %dma_wait3A_20 = tpu.memref_squeeze %dma_wait3A_19 : memref<1x632x128xf32, #tpu.memory_space<hbm>> -> memref<632x128xf32, #tpu.memory_space<hbm>>
      %dma_wait3A_21 = arith.constant 0 : i32
      %dma_wait3A_22 = tpu.memref_slice %arg14[%mul3A_12, %dma_wait3A_21] : memref<10112x128xf32, #tpu.memory_space<vmem_shared>> -> memref<632x128xf32, #tpu.memory_space<vmem_shared>>
      tpu.wait_dma2 semaphore(%run_scoped3A : memref<!tpu.dma_semaphore, #tpu.memory_space<semaphore_mem>>) src(%dma_wait3A_22 : memref<632x128xf32, #tpu.memory_space<vmem_shared>>) dst(%dma_wait3A_20 : memref<632x128xf32, #tpu.memory_space<hbm>>)
      tpu.yield
    }) : () -> ()
    return
  }
}

module attributes {stable_mosaic.version = 14 : i64} {
  func.func @_tc1_body(%arg0: i32, %arg1: memref<1024x128xf32, #tpu.memory_space<vmem>>, %arg2: memref<128x128xf32, #tpu.memory_space<vmem>>, %arg3: memref<1x128xf32, #tpu.memory_space<vmem>>, %arg4: memref<128x128xf32, #tpu.memory_space<vmem>>, %arg5: memref<128x128xf32, #tpu.memory_space<vmem>>, %arg6: memref<1x128xf32, #tpu.memory_space<vmem>>, %arg7: memref<1024x128xf32, #tpu.memory_space<vmem>>, %arg8: memref<1024x128xf32, #tpu.memory_space<vmem>>, %arg9: memref<1024x128xf32, #tpu.memory_space<vmem>>) attributes {dimension_semantics = [#tpu.dimension_semantics<arbitrary>], iteration_bounds = array<i64: 10>, scalar_prefetch = 0 : i64, scratch_operands = 0 : i64, tpu.core_type = #tpu.core_type<tc>, window_params = [{transform_indices = @transform_0, window_bounds = array<i64: 1024, 128>}, {pipeline_mode = #tpu.pipeline_mode<synchronous>, transform_indices = @transform_1, window_bounds = array<i64: 128, 128>}, {pipeline_mode = #tpu.pipeline_mode<synchronous>, transform_indices = @transform_2, window_bounds = array<i64: 1, 128>}, {pipeline_mode = #tpu.pipeline_mode<synchronous>, transform_indices = @transform_3, window_bounds = array<i64: 128, 128>}, {pipeline_mode = #tpu.pipeline_mode<synchronous>, transform_indices = @transform_4, window_bounds = array<i64: 128, 128>}, {pipeline_mode = #tpu.pipeline_mode<synchronous>, transform_indices = @transform_5, window_bounds = array<i64: 1, 128>}, {transform_indices = @transform_6, window_bounds = array<i64: 1024, 128>}, {transform_indices = @transform_7, window_bounds = array<i64: 1024, 128>}, {transform_indices = @transform_8, window_bounds = array<i64: 1024, 128>}]} {
    %get3A = arith.constant 0 : index
    %get3A_0 = arith.constant 0 : index
    %get3A_1 = vector.load %arg1[%get3A, %get3A_0] : memref<1024x128xf32, #tpu.memory_space<vmem>>, vector<1024x128xf32>
    %get3A_2 = arith.constant 0 : index
    %get3A_3 = arith.constant 0 : index
    %get3A_4 = vector.load %arg2[%get3A_2, %get3A_3] : memref<128x128xf32, #tpu.memory_space<vmem>>, vector<128x128xf32>
    %dot_general3A = arith.constant dense<0.000000e+00> : vector<1024x128xf32>
    %dot_general3A_5 = tpu.matmul %get3A_1, %get3A_4, %dot_general3A {dimension_numbers = #tpu.dot_dimension_numbers<[1], [0], [0], [1], [0, 0, 1, 1], [], []>, transpose_lhs_hint = false} : vector<1024x128xf32>, vector<128x128xf32>, vector<1024x128xf32> -> vector<1024x128xf32>
    %get3A_6 = arith.constant 0 : index
    %get3A_7 = arith.constant 0 : index
    %get3A_8 = vector.load %arg3[%get3A_6, %get3A_7] : memref<1x128xf32, #tpu.memory_space<vmem>>, vector<1x128xf32>
    %add3A = vector.broadcast %get3A_8 : vector<1x128xf32> to vector<1024x128xf32>
    %add3A_9 = arith.addf %dot_general3A_5, %add3A : vector<1024x128xf32>
    %max3A = arith.constant 0.000000e+00 : f32
    %max3A_10 = vector.broadcast %max3A : f32 to vector<1024x128xf32>
    %max3A_11 = arith.maximumf %add3A_9, %max3A_10 : vector<1024x128xf32>
    %swap3A = arith.constant 0 : index
    %swap3A_12 = arith.constant 0 : index
    %swap3A_13 = vector.load %arg7[%swap3A, %swap3A_12] : memref<1024x128xf32, #tpu.memory_space<vmem>>, vector<1024x128xf32>
    tpu.vector_store %arg7[%swap3A, %swap3A_12], %max3A_11 {strides = array<i32>} : memref<1024x128xf32, #tpu.memory_space<vmem>>, vector<1024x128xf32>,
    %get3A_14 = arith.constant 0 : index
    %get3A_15 = arith.constant 0 : index
    %get3A_16 = vector.load %arg4[%get3A_14, %get3A_15] : memref<128x128xf32, #tpu.memory_space<vmem>>, vector<128x128xf32>
    %dot_general3A_17 = arith.constant dense<0.000000e+00> : vector<1024x128xf32>
    %dot_general3A_18 = tpu.matmul %get3A_1, %get3A_16, %dot_general3A_17 {dimension_numbers = #tpu.dot_dimension_numbers<[1], [0], [0], [1], [0, 0, 1, 1], [], []>, transpose_lhs_hint = false} : vector<1024x128xf32>, vector<128x128xf32>, vector<1024x128xf32> -> vector<1024x128xf32>
    %swap3A_19 = arith.constant 0 : index
    %swap3A_20 = arith.constant 0 : index
    %swap3A_21 = vector.load %arg8[%swap3A_19, %swap3A_20] : memref<1024x128xf32, #tpu.memory_space<vmem>>, vector<1024x128xf32>
    tpu.vector_store %arg8[%swap3A_19, %swap3A_20], %dot_general3A_18 {strides = array<i32>} : memref<1024x128xf32, #tpu.memory_space<vmem>>, vector<1024x128xf32>,
    %get3A_22 = arith.constant 0 : index
    %get3A_23 = arith.constant 0 : index
    %get3A_24 = vector.load %arg5[%get3A_22, %get3A_23] : memref<128x128xf32, #tpu.memory_space<vmem>>, vector<128x128xf32>
    %dot_general3A_25 = arith.constant dense<0.000000e+00> : vector<1024x128xf32>
    %dot_general3A_26 = tpu.matmul %get3A_1, %get3A_24, %dot_general3A_25 {dimension_numbers = #tpu.dot_dimension_numbers<[1], [0], [0], [1], [0, 0, 1, 1], [], []>, transpose_lhs_hint = false} : vector<1024x128xf32>, vector<128x128xf32>, vector<1024x128xf32> -> vector<1024x128xf32>
    %get3A_27 = arith.constant 0 : index
    %get3A_28 = arith.constant 0 : index
    %get3A_29 = vector.load %arg6[%get3A_27, %get3A_28] : memref<1x128xf32, #tpu.memory_space<vmem>>, vector<1x128xf32>
    %add3A_30 = vector.broadcast %get3A_29 : vector<1x128xf32> to vector<1024x128xf32>
    %add3A_31 = arith.addf %dot_general3A_26, %add3A_30 : vector<1024x128xf32>
    %swap3A_32 = arith.constant 0 : index
    %swap3A_33 = arith.constant 0 : index
    %swap3A_34 = vector.load %arg9[%swap3A_32, %swap3A_33] : memref<1024x128xf32, #tpu.memory_space<vmem>>, vector<1024x128xf32>
    tpu.vector_store %arg9[%swap3A_32, %swap3A_33], %add3A_31 {strides = array<i32>} : memref<1024x128xf32, #tpu.memory_space<vmem>>, vector<1024x128xf32>,
    return
  }
  func.func @transform_0(%arg0: i32) -> (i32, i32) {
    %c0_i32 = arith.constant 0 : i32
    %c0_i32_0 = arith.constant 0 : i32
    return %arg0, %c0_i32 : i32, i32
  }
  func.func @transform_1(%arg0: i32) -> (i32, i32) {
    %c0_i32 = arith.constant 0 : i32
    %c0_i32_0 = arith.constant 0 : i32
    %c0_i32_1 = arith.constant 0 : i32
    return %c0_i32, %c0_i32_0 : i32, i32
  }
  func.func @transform_2(%arg0: i32) -> (i32, i32) {
    %c0_i32 = arith.constant 0 : i32
    %c0_i32_0 = arith.constant 0 : i32
    %c0_i32_1 = arith.constant 0 : i32
    return %c0_i32, %c0_i32_0 : i32, i32
  }
  func.func @transform_3(%arg0: i32) -> (i32, i32) {
    %c0_i32 = arith.constant 0 : i32
    %c0_i32_0 = arith.constant 0 : i32
    %c0_i32_1 = arith.constant 0 : i32
    return %c0_i32, %c0_i32_0 : i32, i32
  }
  func.func @transform_4(%arg0: i32) -> (i32, i32) {
    %c0_i32 = arith.constant 0 : i32
    %c0_i32_0 = arith.constant 0 : i32
    %c0_i32_1 = arith.constant 0 : i32
    return %c0_i32, %c0_i32_0 : i32, i32
  }
  func.func @transform_5(%arg0: i32) -> (i32, i32) {
    %c0_i32 = arith.constant 0 : i32
    %c0_i32_0 = arith.constant 0 : i32
    %c0_i32_1 = arith.constant 0 : i32
    return %c0_i32, %c0_i32_0 : i32, i32
  }
  func.func @transform_6(%arg0: i32) -> (i32, i32) {
    %c0_i32 = arith.constant 0 : i32
    %c0_i32_0 = arith.constant 0 : i32
    return %arg0, %c0_i32 : i32, i32
  }
  func.func @transform_7(%arg0: i32) -> (i32, i32) {
    %c0_i32 = arith.constant 0 : i32
    %c0_i32_0 = arith.constant 0 : i32
    return %arg0, %c0_i32 : i32, i32
  }
  func.func @transform_8(%arg0: i32) -> (i32, i32) {
    %c0_i32 = arith.constant 0 : i32
    %c0_i32_0 = arith.constant 0 : i32
    return %arg0, %c0_i32 : i32, i32
  }
}

module attributes {stable_mosaic.version = 14 : i64} {
  func.func @_tc2_body(%arg0: i32, %arg1: memref<2x1024x128xf32, #tpu.memory_space<vmem>>, %arg2: memref<2x1024x16xf32, #tpu.memory_space<vmem>>, %arg3: memref<1024x128xf32, #tpu.memory_space<vmem>>, %arg4: memref<1024x128xf32, #tpu.memory_space<vmem>>, %arg5: memref<128x128xf32, #tpu.memory_space<vmem>>, %arg6: memref<128x128xf32, #tpu.memory_space<vmem>>, %arg7: memref<128x128xf32, #tpu.memory_space<vmem>>, %arg8: memref<128x128xf32, #tpu.memory_space<vmem>>, %arg9: memref<1x128xf32, #tpu.memory_space<vmem>>, %arg10: memref<1024x128xf32, #tpu.memory_space<vmem>>, %arg11: memref<1024x128xf32, #tpu.memory_space<vmem>>, %arg12: memref<1024x128xf32, #tpu.memory_space<vmem>>) attributes {dimension_semantics = [#tpu.dimension_semantics<arbitrary>], iteration_bounds = array<i64: 10>, scalar_prefetch = 0 : i64, scratch_operands = 0 : i64, tpu.core_type = #tpu.core_type<tc>, window_params = [{transform_indices = @transform_0, window_bounds = array<i64: 2, 1024, 128>}, {transform_indices = @transform_1, window_bounds = array<i64: 2, 1024, 16>}, {transform_indices = @transform_2, window_bounds = array<i64: 1024, 128>}, {transform_indices = @transform_3, window_bounds = array<i64: 1024, 128>}, {pipeline_mode = #tpu.pipeline_mode<synchronous>, transform_indices = @transform_4, window_bounds = array<i64: 128, 128>}, {pipeline_mode = #tpu.pipeline_mode<synchronous>, transform_indices = @transform_5, window_bounds = array<i64: 128, 128>}, {pipeline_mode = #tpu.pipeline_mode<synchronous>, transform_indices = @transform_6, window_bounds = array<i64: 128, 128>}, {pipeline_mode = #tpu.pipeline_mode<synchronous>, transform_indices = @transform_7, window_bounds = array<i64: 128, 128>}, {pipeline_mode = #tpu.pipeline_mode<synchronous>, transform_indices = @transform_8, window_bounds = array<i64: 1, 128>}, {transform_indices = @transform_9, window_bounds = array<i64: 1024, 128>}, {transform_indices = @transform_10, window_bounds = array<i64: 1024, 128>}, {transform_indices = @transform_11, window_bounds = array<i64: 1024, 128>}]} {
    %get3A = arith.constant 0 : index
    %get3A_0 = arith.constant 0 : index
    %get3A_1 = arith.constant 0 : index
    %get3A_2 = vector.load %arg2[%get3A, %get3A_0, %get3A_1] : memref<2x1024x16xf32, #tpu.memory_space<vmem>>, vector<1x1024x1xf32>
    %get3A_3 = vector.shape_cast %get3A_2 : vector<1x1024x1xf32> to vector<1024xf32>
    %get3A_4 = arith.constant 1 : index
    %get3A_5 = arith.constant 0 : index
    %get3A_6 = arith.constant 0 : index
    %get3A_7 = vector.load %arg2[%get3A_4, %get3A_5, %get3A_6] : memref<2x1024x16xf32, #tpu.memory_space<vmem>>, vector<1x1024x1xf32>
    %get3A_8 = vector.shape_cast %get3A_7 : vector<1x1024x1xf32> to vector<1024xf32>
    %add3A = arith.addf %get3A_3, %get3A_8 : vector<1024xf32>
    %max3A = arith.constant 1.000000e+00 : f32
    %max3A_9 = vector.broadcast %max3A : f32 to vector<1024xf32>
    %max3A_10 = arith.maximumf %add3A, %max3A_9 : vector<1024xf32>
    %div3A = arith.constant 1.000000e+00 : f32
    %div3A_11 = vector.broadcast %div3A : f32 to vector<1024xf32>
    %div3A_12 = arith.divf %div3A_11, %max3A_10 : vector<1024xf32>
    %get3A_13 = arith.constant 0 : index
    %get3A_14 = arith.constant 0 : index
    %get3A_15 = arith.constant 0 : index
    %get3A_16 = vector.load %arg1[%get3A_13, %get3A_14, %get3A_15] : memref<2x1024x128xf32, #tpu.memory_space<vmem>>, vector<1x1024x128xf32>
    %get3A_17 = vector.shape_cast %get3A_16 : vector<1x1024x128xf32> to vector<1024x128xf32>
    %get3A_18 = arith.constant 1 : index
    %get3A_19 = arith.constant 0 : index
    %get3A_20 = arith.constant 0 : index
    %get3A_21 = vector.load %arg1[%get3A_18, %get3A_19, %get3A_20] : memref<2x1024x128xf32, #tpu.memory_space<vmem>>, vector<1x1024x128xf32>
    %get3A_22 = vector.shape_cast %get3A_21 : vector<1x1024x128xf32> to vector<1024x128xf32>
    %add3A_23 = arith.addf %get3A_17, %get3A_22 : vector<1024x128xf32>
    %broadcast_in_dim3A = vector.shape_cast %div3A_12 : vector<1024xf32> to vector<1024x1xf32>
    %mul3A = vector.broadcast %broadcast_in_dim3A : vector<1024x1xf32> to vector<1024x128xf32>
    %mul3A_24 = arith.mulf %add3A_23, %mul3A : vector<1024x128xf32>
    %get3A_25 = arith.constant 0 : index
    %get3A_26 = arith.constant 0 : index
    %get3A_27 = vector.load %arg3[%get3A_25, %get3A_26] : memref<1024x128xf32, #tpu.memory_space<vmem>>, vector<1024x128xf32>
    %add3A_28 = arith.addf %mul3A_24, %get3A_27 : vector<1024x128xf32>
    %max3A_29 = arith.constant 0.000000e+00 : f32
    %max3A_30 = vector.broadcast %max3A_29 : f32 to vector<1024x128xf32>
    %max3A_31 = arith.maximumf %add3A_28, %max3A_30 : vector<1024x128xf32>
    %swap3A = arith.constant 0 : index
    %swap3A_32 = arith.constant 0 : index
    %swap3A_33 = vector.load %arg10[%swap3A, %swap3A_32] : memref<1024x128xf32, #tpu.memory_space<vmem>>, vector<1024x128xf32>
    tpu.vector_store %arg10[%swap3A, %swap3A_32], %max3A_31 {strides = array<i32>} : memref<1024x128xf32, #tpu.memory_space<vmem>>, vector<1024x128xf32>,
    %get3A_34 = arith.constant 0 : index
    %get3A_35 = arith.constant 0 : index
    %get3A_36 = vector.load %arg4[%get3A_34, %get3A_35] : memref<1024x128xf32, #tpu.memory_space<vmem>>, vector<1024x128xf32>
    %get3A_37 = arith.constant 0 : index
    %get3A_38 = arith.constant 0 : index
    %get3A_39 = vector.load %arg5[%get3A_37, %get3A_38] : memref<128x128xf32, #tpu.memory_space<vmem>>, vector<128x128xf32>
    %dot_general3A = arith.constant dense<0.000000e+00> : vector<1024x128xf32>
    %dot_general3A_40 = tpu.matmul %get3A_36, %get3A_39, %dot_general3A {dimension_numbers = #tpu.dot_dimension_numbers<[1], [0], [0], [1], [0, 0, 1, 1], [], []>, transpose_lhs_hint = false} : vector<1024x128xf32>, vector<128x128xf32>, vector<1024x128xf32> -> vector<1024x128xf32>
    %get3A_41 = arith.constant 0 : index
    %get3A_42 = arith.constant 0 : index
    %get3A_43 = vector.load %arg6[%get3A_41, %get3A_42] : memref<128x128xf32, #tpu.memory_space<vmem>>, vector<128x128xf32>
    %dot_general3A_44 = arith.constant dense<0.000000e+00> : vector<1024x128xf32>
    %dot_general3A_45 = tpu.matmul %max3A_31, %get3A_43, %dot_general3A_44 {dimension_numbers = #tpu.dot_dimension_numbers<[1], [0], [0], [1], [0, 0, 1, 1], [], []>, transpose_lhs_hint = false} : vector<1024x128xf32>, vector<128x128xf32>, vector<1024x128xf32> -> vector<1024x128xf32>
    %add3A_46 = arith.addf %dot_general3A_40, %dot_general3A_45 : vector<1024x128xf32>
    %swap3A_47 = arith.constant 0 : index
    %swap3A_48 = arith.constant 0 : index
    %swap3A_49 = vector.load %arg11[%swap3A_47, %swap3A_48] : memref<1024x128xf32, #tpu.memory_space<vmem>>, vector<1024x128xf32>
    tpu.vector_store %arg11[%swap3A_47, %swap3A_48], %add3A_46 {strides = array<i32>} : memref<1024x128xf32, #tpu.memory_space<vmem>>, vector<1024x128xf32>,
    %get3A_50 = arith.constant 0 : index
    %get3A_51 = arith.constant 0 : index
    %get3A_52 = vector.load %arg7[%get3A_50, %get3A_51] : memref<128x128xf32, #tpu.memory_space<vmem>>, vector<128x128xf32>
    %dot_general3A_53 = arith.constant dense<0.000000e+00> : vector<1024x128xf32>
    %dot_general3A_54 = tpu.matmul %get3A_36, %get3A_52, %dot_general3A_53 {dimension_numbers = #tpu.dot_dimension_numbers<[1], [0], [0], [1], [0, 0, 1, 1], [], []>, transpose_lhs_hint = false} : vector<1024x128xf32>, vector<128x128xf32>, vector<1024x128xf32> -> vector<1024x128xf32>
    %get3A_55 = arith.constant 0 : index
    %get3A_56 = arith.constant 0 : index
    %get3A_57 = vector.load %arg8[%get3A_55, %get3A_56] : memref<128x128xf32, #tpu.memory_space<vmem>>, vector<128x128xf32>
    %dot_general3A_58 = arith.constant dense<0.000000e+00> : vector<1024x128xf32>
    %dot_general3A_59 = tpu.matmul %max3A_31, %get3A_57, %dot_general3A_58 {dimension_numbers = #tpu.dot_dimension_numbers<[1], [0], [0], [1], [0, 0, 1, 1], [], []>, transpose_lhs_hint = false} : vector<1024x128xf32>, vector<128x128xf32>, vector<1024x128xf32> -> vector<1024x128xf32>
    %add3A_60 = arith.addf %dot_general3A_54, %dot_general3A_59 : vector<1024x128xf32>
    %get3A_61 = arith.constant 0 : index
    %get3A_62 = arith.constant 0 : index
    %get3A_63 = vector.load %arg9[%get3A_61, %get3A_62] : memref<1x128xf32, #tpu.memory_space<vmem>>, vector<1x128xf32>
    %add3A_64 = vector.broadcast %get3A_63 : vector<1x128xf32> to vector<1024x128xf32>
    %add3A_65 = arith.addf %add3A_60, %add3A_64 : vector<1024x128xf32>
    %swap3A_66 = arith.constant 0 : index
    %swap3A_67 = arith.constant 0 : index
    %swap3A_68 = vector.load %arg12[%swap3A_66, %swap3A_67] : memref<1024x128xf32, #tpu.memory_space<vmem>>, vector<1024x128xf32>
    tpu.vector_store %arg12[%swap3A_66, %swap3A_67], %add3A_65 {strides = array<i32>} : memref<1024x128xf32, #tpu.memory_space<vmem>>, vector<1024x128xf32>,
    return
  }
  func.func @transform_0(%arg0: i32) -> (i32, i32, i32) {
    %c0_i32 = arith.constant 0 : i32
    %c0_i32_0 = arith.constant 0 : i32
    %c0_i32_1 = arith.constant 0 : i32
    return %c0_i32, %arg0, %c0_i32_0 : i32, i32, i32
  }
  func.func @transform_1(%arg0: i32) -> (i32, i32, i32) {
    %c0_i32 = arith.constant 0 : i32
    %c0_i32_0 = arith.constant 0 : i32
    %c0_i32_1 = arith.constant 0 : i32
    return %c0_i32, %arg0, %c0_i32_0 : i32, i32, i32
  }
  func.func @transform_2(%arg0: i32) -> (i32, i32) {
    %c0_i32 = arith.constant 0 : i32
    %c0_i32_0 = arith.constant 0 : i32
    return %arg0, %c0_i32 : i32, i32
  }
  func.func @transform_3(%arg0: i32) -> (i32, i32) {
    %c0_i32 = arith.constant 0 : i32
    %c0_i32_0 = arith.constant 0 : i32
    return %arg0, %c0_i32 : i32, i32
  }
  func.func @transform_4(%arg0: i32) -> (i32, i32) {
    %c0_i32 = arith.constant 0 : i32
    %c0_i32_0 = arith.constant 0 : i32
    %c0_i32_1 = arith.constant 0 : i32
    return %c0_i32, %c0_i32_0 : i32, i32
  }
  func.func @transform_5(%arg0: i32) -> (i32, i32) {
    %c0_i32 = arith.constant 0 : i32
    %c0_i32_0 = arith.constant 0 : i32
    %c0_i32_1 = arith.constant 0 : i32
    return %c0_i32, %c0_i32_0 : i32, i32
  }
  func.func @transform_6(%arg0: i32) -> (i32, i32) {
    %c0_i32 = arith.constant 0 : i32
    %c0_i32_0 = arith.constant 0 : i32
    %c0_i32_1 = arith.constant 0 : i32
    return %c0_i32, %c0_i32_0 : i32, i32
  }
  func.func @transform_7(%arg0: i32) -> (i32, i32) {
    %c0_i32 = arith.constant 0 : i32
    %c0_i32_0 = arith.constant 0 : i32
    %c0_i32_1 = arith.constant 0 : i32
    return %c0_i32, %c0_i32_0 : i32, i32
  }
  func.func @transform_8(%arg0: i32) -> (i32, i32) {
    %c0_i32 = arith.constant 0 : i32
    %c0_i32_0 = arith.constant 0 : i32
    %c0_i32_1 = arith.constant 0 : i32
    return %c0_i32, %c0_i32_0 : i32, i32
  }
  func.func @transform_9(%arg0: i32) -> (i32, i32) {
    %c0_i32 = arith.constant 0 : i32
    %c0_i32_0 = arith.constant 0 : i32
    return %arg0, %c0_i32 : i32, i32
  }
  func.func @transform_10(%arg0: i32) -> (i32, i32) {
    %c0_i32 = arith.constant 0 : i32
    %c0_i32_0 = arith.constant 0 : i32
    return %arg0, %c0_i32 : i32, i32
  }
  func.func @transform_11(%arg0: i32) -> (i32, i32) {
    %c0_i32 = arith.constant 0 : i32
    %c0_i32_0 = arith.constant 0 : i32
    return %arg0, %c0_i32 : i32, i32
  }
}

module attributes {stable_mosaic.version = 14 : i64} {
  func.func @_tc3_body(%arg0: i32, %arg1: memref<2x1024x128xf32, #tpu.memory_space<vmem>>, %arg2: memref<2x1024x16xf32, #tpu.memory_space<vmem>>, %arg3: memref<1024x128xf32, #tpu.memory_space<vmem>>, %arg4: memref<1024x128xf32, #tpu.memory_space<vmem>>, %arg5: memref<1024x128xf32, #tpu.memory_space<vmem>>, %arg6: memref<128x128xf32, #tpu.memory_space<vmem>>, %arg7: memref<128x128xf32, #tpu.memory_space<vmem>>, %arg8: memref<128x128xf32, #tpu.memory_space<vmem>>, %arg9: memref<128x128xf32, #tpu.memory_space<vmem>>, %arg10: memref<128x128xf32, #tpu.memory_space<vmem>>, %arg11: memref<128x128xf32, #tpu.memory_space<vmem>>, %arg12: memref<1x128xf32, #tpu.memory_space<vmem>>, %arg13: memref<1024x128xf32, #tpu.memory_space<vmem>>, %arg14: memref<1024x128xf32, #tpu.memory_space<vmem>>) attributes {dimension_semantics = [#tpu.dimension_semantics<arbitrary>], iteration_bounds = array<i64: 10>, scalar_prefetch = 0 : i64, scratch_operands = 0 : i64, tpu.core_type = #tpu.core_type<tc>, window_params = [{transform_indices = @transform_0, window_bounds = array<i64: 2, 1024, 128>}, {transform_indices = @transform_1, window_bounds = array<i64: 2, 1024, 16>}, {transform_indices = @transform_2, window_bounds = array<i64: 1024, 128>}, {transform_indices = @transform_3, window_bounds = array<i64: 1024, 128>}, {transform_indices = @transform_4, window_bounds = array<i64: 1024, 128>}, {pipeline_mode = #tpu.pipeline_mode<synchronous>, transform_indices = @transform_5, window_bounds = array<i64: 128, 128>}, {pipeline_mode = #tpu.pipeline_mode<synchronous>, transform_indices = @transform_6, window_bounds = array<i64: 128, 128>}, {pipeline_mode = #tpu.pipeline_mode<synchronous>, transform_indices = @transform_7, window_bounds = array<i64: 128, 128>}, {pipeline_mode = #tpu.pipeline_mode<synchronous>, transform_indices = @transform_8, window_bounds = array<i64: 128, 128>}, {pipeline_mode = #tpu.pipeline_mode<synchronous>, transform_indices = @transform_9, window_bounds = array<i64: 128, 128>}, {pipeline_mode = #tpu.pipeline_mode<synchronous>, transform_indices = @transform_10, window_bounds = array<i64: 128, 128>}, {pipeline_mode = #tpu.pipeline_mode<synchronous>, transform_indices = @transform_11, window_bounds = array<i64: 1, 128>}, {transform_indices = @transform_12, window_bounds = array<i64: 1024, 128>}, {transform_indices = @transform_13, window_bounds = array<i64: 1024, 128>}]} {
    %get3A = arith.constant 0 : index
    %get3A_0 = arith.constant 0 : index
    %get3A_1 = arith.constant 0 : index
    %get3A_2 = vector.load %arg2[%get3A, %get3A_0, %get3A_1] : memref<2x1024x16xf32, #tpu.memory_space<vmem>>, vector<1x1024x1xf32>
    %get3A_3 = vector.shape_cast %get3A_2 : vector<1x1024x1xf32> to vector<1024xf32>
    %get3A_4 = arith.constant 1 : index
    %get3A_5 = arith.constant 0 : index
    %get3A_6 = arith.constant 0 : index
    %get3A_7 = vector.load %arg2[%get3A_4, %get3A_5, %get3A_6] : memref<2x1024x16xf32, #tpu.memory_space<vmem>>, vector<1x1024x1xf32>
    %get3A_8 = vector.shape_cast %get3A_7 : vector<1x1024x1xf32> to vector<1024xf32>
    %add3A = arith.addf %get3A_3, %get3A_8 : vector<1024xf32>
    %max3A = arith.constant 1.000000e+00 : f32
    %max3A_9 = vector.broadcast %max3A : f32 to vector<1024xf32>
    %max3A_10 = arith.maximumf %add3A, %max3A_9 : vector<1024xf32>
    %div3A = arith.constant 1.000000e+00 : f32
    %div3A_11 = vector.broadcast %div3A : f32 to vector<1024xf32>
    %div3A_12 = arith.divf %div3A_11, %max3A_10 : vector<1024xf32>
    %get3A_13 = arith.constant 0 : index
    %get3A_14 = arith.constant 0 : index
    %get3A_15 = arith.constant 0 : index
    %get3A_16 = vector.load %arg1[%get3A_13, %get3A_14, %get3A_15] : memref<2x1024x128xf32, #tpu.memory_space<vmem>>, vector<1x1024x128xf32>
    %get3A_17 = vector.shape_cast %get3A_16 : vector<1x1024x128xf32> to vector<1024x128xf32>
    %get3A_18 = arith.constant 1 : index
    %get3A_19 = arith.constant 0 : index
    %get3A_20 = arith.constant 0 : index
    %get3A_21 = vector.load %arg1[%get3A_18, %get3A_19, %get3A_20] : memref<2x1024x128xf32, #tpu.memory_space<vmem>>, vector<1x1024x128xf32>
    %get3A_22 = vector.shape_cast %get3A_21 : vector<1x1024x128xf32> to vector<1024x128xf32>
    %add3A_23 = arith.addf %get3A_17, %get3A_22 : vector<1024x128xf32>
    %broadcast_in_dim3A = vector.shape_cast %div3A_12 : vector<1024xf32> to vector<1024x1xf32>
    %mul3A = vector.broadcast %broadcast_in_dim3A : vector<1024x1xf32> to vector<1024x128xf32>
    %mul3A_24 = arith.mulf %add3A_23, %mul3A : vector<1024x128xf32>
    %get3A_25 = arith.constant 0 : index
    %get3A_26 = arith.constant 0 : index
    %get3A_27 = vector.load %arg3[%get3A_25, %get3A_26] : memref<1024x128xf32, #tpu.memory_space<vmem>>, vector<1024x128xf32>
    %add3A_28 = arith.addf %mul3A_24, %get3A_27 : vector<1024x128xf32>
    %max3A_29 = arith.constant 0.000000e+00 : f32
    %max3A_30 = vector.broadcast %max3A_29 : f32 to vector<1024x128xf32>
    %max3A_31 = arith.maximumf %add3A_28, %max3A_30 : vector<1024x128xf32>
    %get3A_32 = arith.constant 0 : index
    %get3A_33 = arith.constant 0 : index
    %get3A_34 = vector.load %arg4[%get3A_32, %get3A_33] : memref<1024x128xf32, #tpu.memory_space<vmem>>, vector<1024x128xf32>
    %get3A_35 = arith.constant 0 : index
    %get3A_36 = arith.constant 0 : index
    %get3A_37 = vector.load %arg5[%get3A_35, %get3A_36] : memref<1024x128xf32, #tpu.memory_space<vmem>>, vector<1024x128xf32>
    %get3A_38 = arith.constant 0 : index
    %get3A_39 = arith.constant 0 : index
    %get3A_40 = vector.load %arg6[%get3A_38, %get3A_39] : memref<128x128xf32, #tpu.memory_space<vmem>>, vector<128x128xf32>
    %dot_general3A = arith.constant dense<0.000000e+00> : vector<1024x128xf32>
    %dot_general3A_41 = tpu.matmul %get3A_34, %get3A_40, %dot_general3A {dimension_numbers = #tpu.dot_dimension_numbers<[1], [0], [0], [1], [0, 0, 1, 1], [], []>, transpose_lhs_hint = false} : vector<1024x128xf32>, vector<128x128xf32>, vector<1024x128xf32> -> vector<1024x128xf32>
    %get3A_42 = arith.constant 0 : index
    %get3A_43 = arith.constant 0 : index
    %get3A_44 = vector.load %arg7[%get3A_42, %get3A_43] : memref<128x128xf32, #tpu.memory_space<vmem>>, vector<128x128xf32>
    %dot_general3A_45 = arith.constant dense<0.000000e+00> : vector<1024x128xf32>
    %dot_general3A_46 = tpu.matmul %get3A_37, %get3A_44, %dot_general3A_45 {dimension_numbers = #tpu.dot_dimension_numbers<[1], [0], [0], [1], [0, 0, 1, 1], [], []>, transpose_lhs_hint = false} : vector<1024x128xf32>, vector<128x128xf32>, vector<1024x128xf32> -> vector<1024x128xf32>
    %add3A_47 = arith.addf %dot_general3A_41, %dot_general3A_46 : vector<1024x128xf32>
    %get3A_48 = arith.constant 0 : index
    %get3A_49 = arith.constant 0 : index
    %get3A_50 = vector.load %arg8[%get3A_48, %get3A_49] : memref<128x128xf32, #tpu.memory_space<vmem>>, vector<128x128xf32>
    %dot_general3A_51 = arith.constant dense<0.000000e+00> : vector<1024x128xf32>
    %dot_general3A_52 = tpu.matmul %max3A_31, %get3A_50, %dot_general3A_51 {dimension_numbers = #tpu.dot_dimension_numbers<[1], [0], [0], [1], [0, 0, 1, 1], [], []>, transpose_lhs_hint = false} : vector<1024x128xf32>, vector<128x128xf32>, vector<1024x128xf32> -> vector<1024x128xf32>
    %add3A_53 = arith.addf %add3A_47, %dot_general3A_52 : vector<1024x128xf32>
    %swap3A = arith.constant 0 : index
    %swap3A_54 = arith.constant 0 : index
    %swap3A_55 = vector.load %arg13[%swap3A, %swap3A_54] : memref<1024x128xf32, #tpu.memory_space<vmem>>, vector<1024x128xf32>
    tpu.vector_store %arg13[%swap3A, %swap3A_54], %add3A_53 {strides = array<i32>} : memref<1024x128xf32, #tpu.memory_space<vmem>>, vector<1024x128xf32>,
    %get3A_56 = arith.constant 0 : index
    %get3A_57 = arith.constant 0 : index
    %get3A_58 = vector.load %arg9[%get3A_56, %get3A_57] : memref<128x128xf32, #tpu.memory_space<vmem>>, vector<128x128xf32>
    %dot_general3A_59 = arith.constant dense<0.000000e+00> : vector<1024x128xf32>
    %dot_general3A_60 = tpu.matmul %get3A_34, %get3A_58, %dot_general3A_59 {dimension_numbers = #tpu.dot_dimension_numbers<[1], [0], [0], [1], [0, 0, 1, 1], [], []>, transpose_lhs_hint = false} : vector<1024x128xf32>, vector<128x128xf32>, vector<1024x128xf32> -> vector<1024x128xf32>
    %get3A_61 = arith.constant 0 : index
    %get3A_62 = arith.constant 0 : index
    %get3A_63 = vector.load %arg10[%get3A_61, %get3A_62] : memref<128x128xf32, #tpu.memory_space<vmem>>, vector<128x128xf32>
    %dot_general3A_64 = arith.constant dense<0.000000e+00> : vector<1024x128xf32>
    %dot_general3A_65 = tpu.matmul %get3A_37, %get3A_63, %dot_general3A_64 {dimension_numbers = #tpu.dot_dimension_numbers<[1], [0], [0], [1], [0, 0, 1, 1], [], []>, transpose_lhs_hint = false} : vector<1024x128xf32>, vector<128x128xf32>, vector<1024x128xf32> -> vector<1024x128xf32>
    %add3A_66 = arith.addf %dot_general3A_60, %dot_general3A_65 : vector<1024x128xf32>
    %get3A_67 = arith.constant 0 : index
    %get3A_68 = arith.constant 0 : index
    %get3A_69 = vector.load %arg11[%get3A_67, %get3A_68] : memref<128x128xf32, #tpu.memory_space<vmem>>, vector<128x128xf32>
    %dot_general3A_70 = arith.constant dense<0.000000e+00> : vector<1024x128xf32>
    %dot_general3A_71 = tpu.matmul %max3A_31, %get3A_69, %dot_general3A_70 {dimension_numbers = #tpu.dot_dimension_numbers<[1], [0], [0], [1], [0, 0, 1, 1], [], []>, transpose_lhs_hint = false} : vector<1024x128xf32>, vector<128x128xf32>, vector<1024x128xf32> -> vector<1024x128xf32>
    %add3A_72 = arith.addf %add3A_66, %dot_general3A_71 : vector<1024x128xf32>
    %get3A_73 = arith.constant 0 : index
    %get3A_74 = arith.constant 0 : index
    %get3A_75 = vector.load %arg12[%get3A_73, %get3A_74] : memref<1x128xf32, #tpu.memory_space<vmem>>, vector<1x128xf32>
    %add3A_76 = vector.broadcast %get3A_75 : vector<1x128xf32> to vector<1024x128xf32>
    %add3A_77 = arith.addf %add3A_72, %add3A_76 : vector<1024x128xf32>
    %swap3A_78 = arith.constant 0 : index
    %swap3A_79 = arith.constant 0 : index
    %swap3A_80 = vector.load %arg14[%swap3A_78, %swap3A_79] : memref<1024x128xf32, #tpu.memory_space<vmem>>, vector<1024x128xf32>
    tpu.vector_store %arg14[%swap3A_78, %swap3A_79], %add3A_77 {strides = array<i32>} : memref<1024x128xf32, #tpu.memory_space<vmem>>, vector<1024x128xf32>,
    return
  }
  func.func @transform_0(%arg0: i32) -> (i32, i32, i32) {
    %c0_i32 = arith.constant 0 : i32
    %c0_i32_0 = arith.constant 0 : i32
    %c0_i32_1 = arith.constant 0 : i32
    return %c0_i32, %arg0, %c0_i32_0 : i32, i32, i32
  }
  func.func @transform_1(%arg0: i32) -> (i32, i32, i32) {
    %c0_i32 = arith.constant 0 : i32
    %c0_i32_0 = arith.constant 0 : i32
    %c0_i32_1 = arith.constant 0 : i32
    return %c0_i32, %arg0, %c0_i32_0 : i32, i32, i32
  }
  func.func @transform_2(%arg0: i32) -> (i32, i32) {
    %c0_i32 = arith.constant 0 : i32
    %c0_i32_0 = arith.constant 0 : i32
    return %arg0, %c0_i32 : i32, i32
  }
  func.func @transform_3(%arg0: i32) -> (i32, i32) {
    %c0_i32 = arith.constant 0 : i32
    %c0_i32_0 = arith.constant 0 : i32
    return %arg0, %c0_i32 : i32, i32
  }
  func.func @transform_4(%arg0: i32) -> (i32, i32) {
    %c0_i32 = arith.constant 0 : i32
    %c0_i32_0 = arith.constant 0 : i32
    return %arg0, %c0_i32 : i32, i32
  }
  func.func @transform_5(%arg0: i32) -> (i32, i32) {
    %c0_i32 = arith.constant 0 : i32
    %c0_i32_0 = arith.constant 0 : i32
    %c0_i32_1 = arith.constant 0 : i32
    return %c0_i32, %c0_i32_0 : i32, i32
  }
  func.func @transform_6(%arg0: i32) -> (i32, i32) {
    %c0_i32 = arith.constant 0 : i32
    %c0_i32_0 = arith.constant 0 : i32
    %c0_i32_1 = arith.constant 0 : i32
    return %c0_i32, %c0_i32_0 : i32, i32
  }
  func.func @transform_7(%arg0: i32) -> (i32, i32) {
    %c0_i32 = arith.constant 0 : i32
    %c0_i32_0 = arith.constant 0 : i32
    %c0_i32_1 = arith.constant 0 : i32
    return %c0_i32, %c0_i32_0 : i32, i32
  }
  func.func @transform_8(%arg0: i32) -> (i32, i32) {
    %c0_i32 = arith.constant 0 : i32
    %c0_i32_0 = arith.constant 0 : i32
    %c0_i32_1 = arith.constant 0 : i32
    return %c0_i32, %c0_i32_0 : i32, i32
  }
  func.func @transform_9(%arg0: i32) -> (i32, i32) {
    %c0_i32 = arith.constant 0 : i32
    %c0_i32_0 = arith.constant 0 : i32
    %c0_i32_1 = arith.constant 0 : i32
    return %c0_i32, %c0_i32_0 : i32, i32
  }
  func.func @transform_10(%arg0: i32) -> (i32, i32) {
    %c0_i32 = arith.constant 0 : i32
    %c0_i32_0 = arith.constant 0 : i32
    %c0_i32_1 = arith.constant 0 : i32
    return %c0_i32, %c0_i32_0 : i32, i32
  }
  func.func @transform_11(%arg0: i32) -> (i32, i32) {
    %c0_i32 = arith.constant 0 : i32
    %c0_i32_0 = arith.constant 0 : i32
    %c0_i32_1 = arith.constant 0 : i32
    return %c0_i32, %c0_i32_0 : i32, i32
  }
  func.func @transform_12(%arg0: i32) -> (i32, i32) {
    %c0_i32 = arith.constant 0 : i32
    %c0_i32_0 = arith.constant 0 : i32
    return %arg0, %c0_i32 : i32, i32
  }
  func.func @transform_13(%arg0: i32) -> (i32, i32) {
    %c0_i32 = arith.constant 0 : i32
    %c0_i32_0 = arith.constant 0 : i32
    return %arg0, %c0_i32 : i32, i32
  }
}

module attributes {stable_mosaic.version = 14 : i64} {
  func.func @_tc4_body(%arg0: i32, %arg1: memref<2x1024x128xf32, #tpu.memory_space<vmem>>, %arg2: memref<2x1024x16xf32, #tpu.memory_space<vmem>>, %arg3: memref<1024x128xf32, #tpu.memory_space<vmem>>, %arg4: memref<1024x128xf32, #tpu.memory_space<vmem>>) attributes {dimension_semantics = [#tpu.dimension_semantics<arbitrary>], iteration_bounds = array<i64: 10>, scalar_prefetch = 0 : i64, scratch_operands = 0 : i64, tpu.core_type = #tpu.core_type<tc>, window_params = [{transform_indices = @transform_0, window_bounds = array<i64: 2, 1024, 128>}, {transform_indices = @transform_1, window_bounds = array<i64: 2, 1024, 16>}, {transform_indices = @transform_2, window_bounds = array<i64: 1024, 128>}, {transform_indices = @transform_3, window_bounds = array<i64: 1024, 128>}]} {
    %get3A = arith.constant 0 : index
    %get3A_0 = arith.constant 0 : index
    %get3A_1 = arith.constant 0 : index
    %get3A_2 = vector.load %arg2[%get3A, %get3A_0, %get3A_1] : memref<2x1024x16xf32, #tpu.memory_space<vmem>>, vector<1x1024x1xf32>
    %get3A_3 = vector.shape_cast %get3A_2 : vector<1x1024x1xf32> to vector<1024xf32>
    %get3A_4 = arith.constant 1 : index
    %get3A_5 = arith.constant 0 : index
    %get3A_6 = arith.constant 0 : index
    %get3A_7 = vector.load %arg2[%get3A_4, %get3A_5, %get3A_6] : memref<2x1024x16xf32, #tpu.memory_space<vmem>>, vector<1x1024x1xf32>
    %get3A_8 = vector.shape_cast %get3A_7 : vector<1x1024x1xf32> to vector<1024xf32>
    %add3A = arith.addf %get3A_3, %get3A_8 : vector<1024xf32>
    %max3A = arith.constant 1.000000e+00 : f32
    %max3A_9 = vector.broadcast %max3A : f32 to vector<1024xf32>
    %max3A_10 = arith.maximumf %add3A, %max3A_9 : vector<1024xf32>
    %div3A = arith.constant 1.000000e+00 : f32
    %div3A_11 = vector.broadcast %div3A : f32 to vector<1024xf32>
    %div3A_12 = arith.divf %div3A_11, %max3A_10 : vector<1024xf32>
    %get3A_13 = arith.constant 0 : index
    %get3A_14 = arith.constant 0 : index
    %get3A_15 = arith.constant 0 : index
    %get3A_16 = vector.load %arg1[%get3A_13, %get3A_14, %get3A_15] : memref<2x1024x128xf32, #tpu.memory_space<vmem>>, vector<1x1024x128xf32>
    %get3A_17 = vector.shape_cast %get3A_16 : vector<1x1024x128xf32> to vector<1024x128xf32>
    %get3A_18 = arith.constant 1 : index
    %get3A_19 = arith.constant 0 : index
    %get3A_20 = arith.constant 0 : index
    %get3A_21 = vector.load %arg1[%get3A_18, %get3A_19, %get3A_20] : memref<2x1024x128xf32, #tpu.memory_space<vmem>>, vector<1x1024x128xf32>
    %get3A_22 = vector.shape_cast %get3A_21 : vector<1x1024x128xf32> to vector<1024x128xf32>
    %add3A_23 = arith.addf %get3A_17, %get3A_22 : vector<1024x128xf32>
    %broadcast_in_dim3A = vector.shape_cast %div3A_12 : vector<1024xf32> to vector<1024x1xf32>
    %mul3A = vector.broadcast %broadcast_in_dim3A : vector<1024x1xf32> to vector<1024x128xf32>
    %mul3A_24 = arith.mulf %add3A_23, %mul3A : vector<1024x128xf32>
    %get3A_25 = arith.constant 0 : index
    %get3A_26 = arith.constant 0 : index
    %get3A_27 = vector.load %arg3[%get3A_25, %get3A_26] : memref<1024x128xf32, #tpu.memory_space<vmem>>, vector<1024x128xf32>
    %add3A_28 = arith.addf %mul3A_24, %get3A_27 : vector<1024x128xf32>
    %max3A_29 = arith.constant 0.000000e+00 : f32
    %max3A_30 = vector.broadcast %max3A_29 : f32 to vector<1024x128xf32>
    %max3A_31 = arith.maximumf %add3A_28, %max3A_30 : vector<1024x128xf32>
    %swap3A = arith.constant 0 : index
    %swap3A_32 = arith.constant 0 : index
    %swap3A_33 = vector.load %arg4[%swap3A, %swap3A_32] : memref<1024x128xf32, #tpu.memory_space<vmem>>, vector<1024x128xf32>
    tpu.vector_store %arg4[%swap3A, %swap3A_32], %max3A_31 {strides = array<i32>} : memref<1024x128xf32, #tpu.memory_space<vmem>>, vector<1024x128xf32>,
    return
  }
  func.func @transform_0(%arg0: i32) -> (i32, i32, i32) {
    %c0_i32 = arith.constant 0 : i32
    %c0_i32_0 = arith.constant 0 : i32
    %c0_i32_1 = arith.constant 0 : i32
    return %c0_i32, %arg0, %c0_i32_0 : i32, i32, i32
  }
  func.func @transform_1(%arg0: i32) -> (i32, i32, i32) {
    %c0_i32 = arith.constant 0 : i32
    %c0_i32_0 = arith.constant 0 : i32
    %c0_i32_1 = arith.constant 0 : i32
    return %c0_i32, %arg0, %c0_i32_0 : i32, i32, i32
  }
  func.func @transform_2(%arg0: i32) -> (i32, i32) {
    %c0_i32 = arith.constant 0 : i32
    %c0_i32_0 = arith.constant 0 : i32
    return %arg0, %c0_i32 : i32, i32
  }
  func.func @transform_3(%arg0: i32) -> (i32, i32) {
    %c0_i32 = arith.constant 0 : i32
    %c0_i32_0 = arith.constant 0 : i32
    return %arg0, %c0_i32 : i32, i32
  }
}

</mosaic_0001>

<sc_bundles>
// kernel: kernel.10.cloned.1.call-start
scs
__scs_entry_jumppad:
0x0: {  	(pc) =	sbr.rel $0x88, $3  }
0x1: {  	(tag) =	ssettag $0x0;
	lr =	simm.s32 $0x1  }
0x2: {  	[smem:$0x3F94] =	sst lr;
	_ =	strace $0xD0000000  }
0x3: {  	_ = 	snop  }
0x4: {  	_ = 	snop  }
0x5: {  	_ = 	snop  }
0x6: {  	_ = 	snop  }
0x7: {  	_ = 	snop  }
__scs_overlays_trampoline_lowered:
0x8: {  	[smem:$0x3FA3] =	sst s0  }
0x9: {  	[smem:$0x3FA4] =	sst s1  }
0xa: {  	[smem:$0x3FA5] =	sst s2  }
0xb: {  	[smem:$0x3FA6] =	sst s3  }
0xc: {  	[smem:$0x3FA7] =	sst s4  }
0xd: {  	[smem:$0x3FA8] =	sst s5  }
0xe: {  	[smem:$0x3FA9] =	sst s6  }
0xf: {  	[smem:$0x3FAA] =	sst s7  }
0x10: {  	[smem:$0x3FAB] =	sst s8  }
0x11: {  	[smem:$0x3FAC] =	sst s9;
	s0 =	simm.s32 @!p0 $0x0  }
0x12: {  	s1 =	sld [smem:$0x3F92];
	s0 =	simm.s32 @p0 $0x1  }
0x13: {  	[smem:$0x3FAD] =	sst s0;
	s0 =	simm.s32 @!p1 $0x0  }
0x14: {  	s2 =	sld [smem:$0x3F91];
	s0 =	simm.s32 @p1 $0x1  }
0x15: {  	[smem:$0x3FAE] =	sst s0;
	s0 =	simm.s32 @!p2 $0x0  }
0x16: {  	s3 =	sld [smem:$0x3FDB];
	s0 =	simm.s32 @p2 $0x1  }
0x17: {  	s4 =	simm.s32 $0x1BF5;
	[smem:$0x3FB0] =	sst s0  }
0x18: {  	s0 =	sld [smem:$0x3F93];
	_ =	swait.ge [sflag:s4], $0x0  }
0x19: {  	s7 =	sld [smem:$0x3F94]  }
0x1a: {  	s8 =	sadd.s32 $0xFFFFE003, lr  }
0x1b: {  	s9 =	sadd.s32 $0xFFFFFEF7, lr;
	s5 =	simm.s32 $0xFFFFFFFF;
	p2 =	slt.u32 s8, $0xFFFFF086  }
0x1c: {  	p1 =	slt.u32 s9, $0xF7A;
	s5 =	simm.s32 @!p2 $0x0  }
0x1d: {  	s5 =	simm.s32 @p1 $0x1;
	p0 =	seq.s32 s7, s2  }
0x1e: {  	s7 =	smul.u32 @!p0 $0xF7A, s2;
	p2 =	seq.s32 @!p0 s5, $0x0  }
0x1f: {  	s9 =	smul.u32 $0xF7A, s1;
	s8 =	simm.s32 @!p0 $0x1BF5;
	p2 =	por !p2, p0  }
0x20: {  	[sflag:s8] =	ssyncset.s32 @!p0 $0xFFFFF086;
	s6 =	sadd.s32 @!p0 s3, s7;
	s7 =	simm.s32 @!p0 $0x108  }
0x21: {  	s3 =	sadd.s32 s3, s9;
	s6 =	sadd.s32 @!p0 $0x88, s6;
	s7 =	simm.s32 @p2 $0x1082  }
0x22: {  	[simem:s7], [sflag:s8] =	dma.local @!p0 [hbm:s6], $0xF7A  }
0x23: {  	s9 =	sor.u32 $0xD0000000, s2;
	s6 =	simm.s32 $0x108;
	_ =	swait.ge @!p0 [sflag:s8], $0x0  }
0x24: {  	s3 =	sadd.s32 $0x88, s3;
	s6 =	simm.s32 @!p1 $0x1082;
	[sflag:s4] =	ssyncset.s32 $0xFFFFF086  }
0x25: {  	[simem:s6], [sflag:s4] =	dma.local [hbm:s3], $0xF7A  }
0x26: {  	[smem:$0x3F94] =	sst s1;
	(tag) =	ssettag s2;
	_ =	strace s9  }
0x27: {  	s1 =	sld [smem:$0x3FA4]  }
0x28: {  	s2 =	sld [smem:$0x3FA5]  }
0x29: {  	s4 =	sld [smem:$0x3FA7]  }
0x2a: {  	p0 =	seq.s32 s5, $0x0;
	s5 =	sld [smem:$0x3FA8]  }
0x2b: {  	s6 =	sld [smem:$0x3FA9]  }
0x2c: {  	s7 =	sld [smem:$0x3FAA]  }
0x2d: {  	s3 =	simm.s32 $0x108;
	s8 =	sld [smem:$0x3FAB]  }
0x2e: {  	s3 =	simm.s32 @!p0 $0x1082;
	s9 =	sld [smem:$0x3FAC]  }
0x2f: {  	lr =	sadd.s32 s0, s3;
	s0 =	sld [smem:$0x3FA3]  }
0x30: {  	s3 =	sld [smem:$0x3FA6]  }
0x31: {  	[smem:$0x3FAF] =	sst s10  }
0x32: {  	s10 =	sld [smem:$0x3FAD];
	_ =	sdelay $0x3  }
0x33: {  	p0 =	seq.s32 s10, $0x1;
	s10 =	sld [smem:$0x3FAF];
	_ =	sdelay $0x3  }
0x34: {  	[smem:$0x3FAF] =	sst s10  }
0x35: {  	s10 =	sld [smem:$0x3FAE];
	_ =	sdelay $0x3  }
0x36: {  	p1 =	seq.s32 s10, $0x1;
	s10 =	sld [smem:$0x3FAF];
	_ =	sdelay $0x3  }
0x37: {  	[smem:$0x3FAF] =	sst s10  }
0x38: {  	s10 =	sld [smem:$0x3FB0]  }
0x39: {  	_ = 	snop;
	(pc) =	sbr.ind lr, $3  }
0x3a: {  	_ = 	snop  }
0x3b: {  	_ = 	snop  }
0x3c: {  	p2 =	seq.s32 s10, $0x1;
	s10 =	sld [smem:$0x3FAF]  }
0x3d: {  	_ =	shalt  }
0x3e: {  	_ =	shalt  }
0x3f: {  	_ =	shalt  }
0x40: {  	_ =	shalt  }
0x41: {  	_ =	shalt  }
0x42: {  	_ =	shalt  }
0x43: {  	_ =	shalt  }
0x44: {  	_ =	shalt  }
0x45: {  	_ =	shalt  }
0x46: {  	_ =	shalt  }
0x47: {  	_ =	shalt  }
0x48: {  	_ =	shalt  }
0x49: {  	_ =	shalt  }
0x4a: {  	_ =	shalt  }
0x4b: {  	_ =	shalt  }
0x4c: {  	_ =	shalt  }
0x4d: {  	_ =	shalt  }
0x4e: {  	_ =	shalt  }
0x4f: {  	_ =	shalt  }
0x50: {  	_ =	shalt  }
0x51: {  	_ =	shalt  }
0x52: {  	_ =	shalt  }
0x53: {  	_ =	shalt  }
0x54: {  	_ =	shalt  }
0x55: {  	_ =	shalt  }
0x56: {  	_ =	shalt  }
0x57: {  	_ =	shalt  }
0x58: {  	_ =	shalt  }
0x59: {  	_ =	shalt  }
0x5a: {  	_ =	shalt  }
0x5b: {  	_ =	shalt  }
0x5c: {  	_ =	shalt  }
0x5d: {  	_ =	shalt  }
0x5e: {  	_ =	shalt  }
0x5f: {  	_ =	shalt  }
0x60: {  	_ =	shalt  }
0x61: {  	_ =	shalt  }
0x62: {  	_ =	shalt  }
0x63: {  	_ =	shalt  }
0x64: {  	_ =	shalt  }
0x65: {  	_ =	shalt  }
0x66: {  	_ =	shalt  }
0x67: {  	_ =	shalt  }
0x68: {  	_ =	shalt  }
0x69: {  	_ =	shalt  }
0x6a: {  	_ =	shalt  }
0x6b: {  	_ =	shalt  }
0x6c: {  	_ =	shalt  }
0x6d: {  	_ =	shalt  }
0x6e: {  	_ =	shalt  }
0x6f: {  	_ =	shalt  }
0x70: {  	_ =	shalt  }
0x71: {  	_ =	shalt  }
0x72: {  	_ =	shalt  }
0x73: {  	_ =	shalt  }
0x74: {  	_ =	shalt  }
0x75: {  	_ =	shalt  }
0x76: {  	_ =	shalt  }
0x77: {  	_ =	shalt  }
0x78: {  	_ =	shalt  }
0x79: {  	_ =	shalt  }
0x7a: {  	_ =	shalt  }
0x7b: {  	_ =	shalt  }
0x7c: {  	_ =	shalt  }
0x7d: {  	_ =	shalt  }
0x7e: {  	_ =	shalt  }
0x7f: {  	_ =	shalt  }
0x80: {  	_ =	shalt  }
0x81: {  	_ =	shalt  }
0x82: {  	_ =	shalt  }
0x83: {  	_ =	shalt  }
0x84: {  	_ =	shalt  }
0x85: {  	_ =	shalt  }
0x86: {  	_ =	shalt  }
0x87: {  	_ =	shalt  }
.Lfunc_end0:
.L_simem_size_0:
called_computation_lowered:
.L_overlay_start_0:
0x88: {  	s2 =	sld [smem:$0x3FD9]  }
0x89: {  	s3 =	sld [smem:$0x3FFE];
	_ =	sdelay $0x1  }
0x8a: {  	s1 =	srdreg.scid  }
0x8b: {  	s0 =	sand.u32 $0x1, s1  }
0x8c: {  	s17 =	sshll.u32 s0, $0xA;
	s2 =	sadd.s32 s3, s2  }
0x8d: {  	s2 =	sadd.s32 s2, s17  }
0x8e: {  	[smem:$0x3FBB] =	sst s2  }
0x8f: {  	_ = 	snop  }
0x90: {  	(tm) =	ssettm $0x1  }
0x91: {  	s18 =	sld [smem:$0x3FFB];
	_ =	sdelay $0x3  }
0x92: {  	_ =	strace s18  }
0x93: {  	s2 =	sld [smem:$0x3FFC];
	_ =	sdelay $0x3  }
0x94: {  	_ =	strace s2  }
0x95: {  	s2 =	sld [smem:$0x3FFD];
	_ =	sdelay $0x3  }
0x96: {  	_ =	strace s2  }
0x97: {  	_ =	strace $0x8FFFFFFF  }
0x98: {  	s19 =	sld [smem:$0x3FDB];
	_ =	sdelay $0x1  }
0x99: {  	s20 =	simm.s32 $_scs_section_size  }
0x9a: {  	s4 =	simm.s32 $_size__tile_overlayer_lowered;
	s5 =	simm.s32 $_tile_overlayer_lowered  }
0x9b: {  	s6 =	simm.s32 $0x1BFF;
	s21 =	sshll.u32 s5, $0x1;
	s3 =	sadd.s32 s20, s19  }
0x9c: {  	s22 =	simm.s32 $0x0;
	s4 =	sshll.u32 s4, $0x1;
	s5 =	sadd.s32 s21, s3  }
0x9d: {  	[timem:s22], [sflag:s6] =	dma.local [hbm:s5], s4  }
0x9e: {  	_ =	swait.ge [sflag:s6], s4  }
0x9f: {  	s4 =	ssub.s32 $0x0, s4;
	[sflag:s6] =	ssyncset.done $0x0  }
0xa0: {  	[sflag:s6] =	ssyncadd.s32 s4;
	_ =	sdelay $0x1  }
0xa1: {  	s23 =	simm.s32 $0x1B8B  }
0xa2: {  	_ =	swait.ge [sflag:s23], $0x1  }
0xa3: {  	[sflag:s23] =	ssyncset.done $0x0  }
0xa4: {  	[sflag:s23] =	ssyncadd.s32 $0xFFFFFFFF  }
0xa5: {  	s4 =	sld [smem:$0x0]  }
0xa6: {  	s5 =	sand.u32 $0xFFFFFFFE, s1  }
0xa7: {  	p0 =	sne.s32 s1, s5  }
0xa8: {  	s5 =	sshll.u32 @p0 s5, $0xE  }
0xa9: {  	s5 =	sadd.s32 @p0 $0x11B8D, s5;
	s6 =	sshll.u32 @p0 s4, $0x11  }
0xaa: {  	s5 =	sor.u32 @p0 s6, s5  }
0xab: {  	[sflag:s5] =	ssyncadd.remote.s32 @p0 $0x1;
	_ =	sdelay $0x1  }
0xac: {  	s5 =	simm.s32 @p0 $0x1B8D  }
0xad: {  	_ =	swait.eq @p0 [sflag:s5], $0x1  }
0xae: {  	[sflag:s5] =	ssyncadd.s32 @p0 $0xFFFFFFFF  }
0xaf: {  	s6 =	sshll.u32 @!p0 s1, $0xE  }
0xb0: {  	s6 =	sor.u32 @!p0 $0x4000, s6;
	s5 =	simm.s32 @!p0 $0x1B8D  }
0xb1: {  	s4 =	sshll.u32 @!p0 s4, $0x11;
	s6 =	sadd.s32 @!p0 $0x11B8D, s6;
	_ =	swait.eq @!p0 [sflag:s5], $0x1  }
0xb2: {  	s4 =	sor.u32 @!p0 s4, s6;
	[sflag:s5] =	ssyncadd.s32 @!p0 $0xFFFFFFFF  }
0xb3: {  	s25 =	simm.s32 $0x1B8E;
	s24 =	sld [smem:$0x3FFE];
	[sflag:s4] =	ssyncadd.remote.s32 @!p0 $0x1  }
0xb4: {  	s26 =	simm.s32 $execute0_lowered;
	[smem:$0x3FD2] =	sst s25  }
0xb5: {  	s5 =	sshll.u32 s26, $0x1;
	_ =	strace $0x80000049;
	[dreg:$0x1] =	wrdreg $0xFFFFFFFF  }
0xb6: {  	s28 =	simm.s32 $_size_execute0_lowered;
	s3 =	sadd.s32 s3, s5;
	[dreg:$0x0] =	wrdreg $0x0  }
0xb7: {  	s5 =	sshll.u32 s28, $0x1;
	[dreg:$0x2] =	wrdreg s3  }
0xb8: {  	[dreg:$0x3] =	wrdreg s5  }
0xb9: {  	[dreg:$0x4] =	wrdreg $0xC0  }
0xba: {  	_ =	task [dreg:s22], $0x5FFFF  }
0xbb: {  	[dreg:$0x1] =	wrdreg $0xFFFFFFFF  }
0xbc: {  	[dreg:$0x0] =	wrdreg $0x60  }
0xbd: {  	[dreg:$0x2] =	wrdreg s24  }
0xbe: {  	[dreg:$0x3] =	wrdreg $0x84000  }
0xbf: {  	[dreg:$0x4] =	wrdreg $0x9  }
0xc0: {  	_ =	task.clear_ibuf [dreg:s22], $0x5FFFF;
	_ =	strace $0x90000049  }
0xc1: {  	s29 =	simm.s32 $0x9;
	_ =	strace $0x8000004B  }
0xc2: {  	_ =	swait.ge [sflag:s29], $0x1  }
0xc3: {  	[sflag:s29] =	ssyncadd.s32 $0xFFFFFFFF  }
0xc4: {  	_ =	strace $0x9000004B  }
0xc5: {  	_ =	sfence  }
0xc6: {  	s30 =	sld [smem:$0x0];
	_ =	sdelay $0x2  }
0xc7: {  	s31 =	sshll.u32 s1, $0xD;
	s1 =	sshrl.u32 s1, $0x2  }
0xc8: {  	s4 =	sand.u32 $0x4000, s31;
	s1 =	sadd.s32 s1, s30  }
0xc9: {  	s0 =	sor.u32 s4, s0;
	s1 =	sshll.u32 s1, $0x11  }
0xca: {  	s0 =	sor.u32 s1, s0  }
0xcb: {  	s0 =	sadd.s32 $0x8F2B, s0  }
0xcc: {  	[sflag:s0] =	ssyncadd.remote.s32 $0x1  }
0xcd: {  	_ =	sfence.sel $0xFFFF  }
0xce: {  	[dreg:$0x0] =	wrdreg $0xFFFFFFFF;
	(pc) =	sbr.abs _section_cstart, $3  }
0xcf: {  	[dreg:$0x1] =	wrdreg $0xFFFFFFFF  }
0xd0: {  	_ =	task.clear_ibuf [dreg:s22], $0x2FFFF;
	_ =	strace $0x9FFFFFFF  }
0xd1: {  	(tm) =	ssettm $0x7FFFFFFF  }
tec
execute0_lowered:
.L_overlay_start_1:
0x0: {  	(tag) =	ssettag $0x1  }
0x1: {  	s0 =	rddreg [dreg:$0x0]  }
0x2: {  	s2 =	rddreg [dreg:$0x1];
	s1 =	stileid.u32  }
0x3: {  	s4 =	srdreg.scid;
	s3 =	simm.s32 $0x0;
	s14 =	simm.s32 $0x200  }
0x4: {  	s15 =	simm.s32 $0x80;
	s16 =	simm.s32 $0x400;
	s17 =	simm.s32 $0x4400  }
0x5: {  	s18 =	simm.s32 $0x1;
	s19 =	simm.s32 $0x3;
	s20 =	simm.s32 $0x100  }
0x6: {  	s21 =	simm.s32 $0x2;
	s22 =	simm.s32 $0x280;
	s23 =	simm.s32 $0x4  }
0x7: {  	s28 =	simm.s32 $0x0;
	s7 =	smul.u32 $0x13C00, s1;
	s8 =	sand.u32 $0x1, s4  }
0x8: {  	[smem:$0x7FF] =	sst s3;
	s4 =	sadd.s32 $0xB5800, s0;
	s5 =	sadd.s32 $0x3E00, s0  }
0x9: {  	s6 =	sadd.s32 $0xDE00, s0;
	s11 =	smul.u32 $0x4F000, s1;
	s31 =	sshll.u32 s1, $0x6  }
0xa: {  	s9 =	smul.u32 $0x13C000, s8;
	_ =	strace $0x8000004A;
	s24 =	ssub.s32 $0x2, s8  }
0xb: {  	s26 =	sshll.u32 s8, $0x4;
	s8 =	sor.u32 $0x1C05, s31;
	s10 =	sshrl.u32 s7, $0x3  }
0xc: {  	s25 =	sshrl.u32 s24, $0x1;
	s29 =	sshrl.u32 s11, $0x2;
	s30 =	sor.u32 s1, s26  }
0xd: {  	s26 =	simm.s32 $0x380;
	s7 =	sadd.s32 s7, s9;
	s10 =	sadd.s32 s10, s0  }
0xe: {  	s12 =	ssub.s32 s24, s25;
	s13 =	sadd.s32 s29, s2;
	s9 =	smul.u32 $0x2800, s30  }
0xf: {  	s24 =	simm.s32 $0x180;
	s25 =	simm.s32 $0x300;
	s7 =	sshrl.u32 s7, $0x3  }
0x10: {  	s11 =	smax.u32 s12, $0x1;
	s12 =	sshrl.u32 s13, $0x3;
	s0 =	sadd.s32 s7, s0  }
0x11: {  	s13 =	simm.s32 $0x5;
	s7 =	sadd.s32 $0x3F000, s10;
	s10 =	sadd.s32 $0xDCA00, s0  }
.LBB2_1:
0x12: {  	[spmem:s12], [sflag:s8] =	dma.local [hbm:s7], $0x2780  }
0x13: {  	s0 =	sand.u32 $0x3C00, s3  }
0x14: {  	s29 =	sand.u32 $0x200, s3;
	_ =	swait.ge [sflag:s13], $0x2780;
	s0 =	sadd.s32 s9, s0  }
0x15: {  	[sflag:s13] =	ssyncset.done $0x0;
	s0 =	sor.u32 s29, s0  }
0x16: {  	[sflag:s13] =	ssyncadd.s32 $0xFFFFD880;
	s0 =	sshrl.u32 s0, $0x3  }
0x17: {  	[bflag:$0x0] =	sbarrier.arrive $0xFFFF;
	s29 =	sadd.s32 s5, s0  }
0x18: {  	[tilespmem:s3], [sflag:$0x5] =	stream.linear.gather [hbm4b:s29+s3], $0x200, $0x38;
	[tilespmem:$0x1C000] =	vst v63  }
0x19: {  	_ =	swait.ge [sflag:s13], $0x200  }
0x1a: {  	[sflag:s13] =	ssyncset.done $0x0  }
0x1b: {  	s0 =	sadd.s32 s6, s0;
	[sflag:s13] =	ssyncadd.s32 $0xFFFFFE00  }
0x1c: {  	[tilespmem:s14], [sflag:$0x5] =	stream.linear.gather [hbm4b:s0+s3], $0x200, $0x38;
	[tilespmem:$0x1C000] =	vst v63  }
0x1d: {  	_ =	swait.ge [sflag:s13], $0x200  }
0x1e: {  	[sflag:s13] =	ssyncset.done $0x0  }
0x1f: {  	[sflag:s13] =	ssyncadd.s32 $0xFFFFFE00  }
0x20: {  	[tilespmem:s16], [sflag:$0x1] =	stream.indirect.gather [hbm4b:s4+s15], $0x80, s3, s15, $0xb8;
	[tilespmem:$0x1C000] =	vst v63  }
0x21: {  	_ = 	snop  }
0x22: {  	[tilespmem:s17], [sflag:$0x2] =	stream.indirect.gather [hbm4b:s4+s15], $0x80, s15, s15, $0xb8;
	[tilespmem:$0x1C000] =	vst v63  }
0x23: {  	_ =	swait.ge [sflag:s18], $0x4000  }
0x24: {  	[sflag:s18] =	ssyncset.done $0x0  }
0x25: {  	[sflag:s18] =	ssyncadd.s32 $0xFFFFC000  }
0x26: {  	[spmem:s2] =	stream.indirect.scatter.add.f32 [tilespmem:s16], [sflag:$0x3], $0x80, s14, s15, $0xb8;
	[tilespmem:$0x1C000] =	vst v63  }
0x27: {  	_ =	swait.ge [sflag:s19], $0x4000  }
0x28: {  	[sflag:s19] =	ssyncset.done $0x0  }
0x29: {  	[sflag:s19] =	ssyncadd.s32 $0xFFFFC000  }
0x2a: {  	[tilespmem:s16], [sflag:$0x1] =	stream.indirect.gather [hbm4b:s4+s15], $0x80, s20, s15, $0xb8;
	[tilespmem:$0x1C000] =	vst v63  }
0x2b: {  	_ =	swait.ge [sflag:s21], $0x4000  }
0x2c: {  	[sflag:s21] =	ssyncset.done $0x0  }
0x2d: {  	[sflag:s21] =	ssyncadd.s32 $0xFFFFC000  }
0x2e: {  	[spmem:s2] =	stream.indirect.scatter.add.f32 [tilespmem:s17], [sflag:$0x4], $0x80, s22, s15, $0xb8;
	[tilespmem:$0x1C000] =	vst v63  }
0x2f: {  	_ =	swait.ge [sflag:s23], $0x4000  }
0x30: {  	[sflag:s23] =	ssyncset.done $0x0  }
0x31: {  	[sflag:s23] =	ssyncadd.s32 $0xFFFFC000  }
0x32: {  	[tilespmem:s17], [sflag:$0x2] =	stream.indirect.gather [hbm4b:s4+s15], $0x80, s24, s15, $0xb8;
	[tilespmem:$0x1C000] =	vst v63  }
0x33: {  	_ =	swait.ge [sflag:s18], $0x4000  }
0x34: {  	[sflag:s18] =	ssyncset.done $0x0  }
0x35: {  	[sflag:s18] =	ssyncadd.s32 $0xFFFFC000  }
0x36: {  	[spmem:s2] =	stream.indirect.scatter.add.f32 [tilespmem:s16], [sflag:$0x3], $0x80, s25, s15, $0xb8;
	[tilespmem:$0x1C000] =	vst v63  }
0x37: {  	_ =	swait.ge [sflag:s21], $0x4000  }
0x38: {  	[sflag:s21] =	ssyncset.done $0x0  }
0x39: {  	[sflag:s21] =	ssyncadd.s32 $0xFFFFC000  }
0x3a: {  	[spmem:s2] =	stream.indirect.scatter.add.f32 [tilespmem:s17], [sflag:$0x4], $0x80, s26, s15, $0xb8;
	[tilespmem:$0x1C000] =	vst v63  }
0x3b: {  	s30 =	simm.s32 $0x200;
	_ =	swait.ge [sflag:s19], $0x4000  }
0x3c: {  	s29 =	sand.u32 $0x3C00, s30;
	[sflag:s19] =	ssyncset.done $0x0  }
0x3d: {  	s29 =	sadd.s32 s9, s29;
	s0 =	sand.u32 $0x200, s30;
	[sflag:s19] =	ssyncadd.s32 $0xFFFFC000  }
0x3e: {  	s0 =	sor.u32 s0, s29;
	_ =	swait.ge [sflag:s23], $0x4000  }
0x3f: {  	s29 =	simm.s32 $0x400;
	s31 =	sshrl.u32 s0, $0x3;
	[sflag:s23] =	ssyncset.done $0x0  }
.LBB2_2:
0x40: {  	s1 =	sadd.s32 s5, s31  }
0x41: {  	[sflag:s23] =	ssyncadd.s32 $0xFFFFC000;
	s30 =	smov.u32 s29;
	s0 =	sadd.s32 $0x200, s29  }
0x42: {  	[tilespmem:s3], [sflag:$0x5] =	stream.linear.gather [hbm4b:s1+s3], $0x200, $0x38;
	[tilespmem:$0x1C000] =	vst v63  }
0x43: {  	p0 =	sne.s32 s29, $0x2600;
	_ =	swait.ge [sflag:s13], $0x200  }
0x44: {  	[sflag:s13] =	ssyncset.done $0x0  }
0x45: {  	s1 =	sadd.s32 s6, s31;
	[sflag:s13] =	ssyncadd.s32 $0xFFFFFE00  }
0x46: {  	[tilespmem:s14], [sflag:$0x5] =	stream.linear.gather [hbm4b:s1+s3], $0x200, $0x38;
	[tilespmem:$0x1C000] =	vst v63  }
0x47: {  	_ =	swait.ge [sflag:s13], $0x200  }
0x48: {  	[sflag:s13] =	ssyncset.done $0x0  }
0x49: {  	[sflag:s13] =	ssyncadd.s32 $0xFFFFFE00  }
0x4a: {  	[tilespmem:s16], [sflag:$0x1] =	stream.indirect.gather [hbm4b:s4+s15], $0x80, s3, s15, $0xb8;
	[tilespmem:$0x1C000] =	vst v63  }
0x4b: {  	_ = 	snop  }
0x4c: {  	[tilespmem:s17], [sflag:$0x2] =	stream.indirect.gather [hbm4b:s4+s15], $0x80, s15, s15, $0xb8;
	[tilespmem:$0x1C000] =	vst v63  }
0x4d: {  	_ =	swait.ge [sflag:s18], $0x4000  }
0x4e: {  	[sflag:s18] =	ssyncset.done $0x0  }
0x4f: {  	[sflag:s18] =	ssyncadd.s32 $0xFFFFC000  }
0x50: {  	[spmem:s2] =	stream.indirect.scatter.add.f32 [tilespmem:s16], [sflag:$0x3], $0x80, s14, s15, $0xb8;
	[tilespmem:$0x1C000] =	vst v63  }
0x51: {  	_ =	swait.ge [sflag:s19], $0x4000  }
0x52: {  	[sflag:s19] =	ssyncset.done $0x0  }
0x53: {  	[sflag:s19] =	ssyncadd.s32 $0xFFFFC000  }
0x54: {  	[tilespmem:s16], [sflag:$0x1] =	stream.indirect.gather [hbm4b:s4+s15], $0x80, s20, s15, $0xb8;
	[tilespmem:$0x1C000] =	vst v63  }
0x55: {  	_ =	swait.ge [sflag:s21], $0x4000  }
0x56: {  	[sflag:s21] =	ssyncset.done $0x0  }
0x57: {  	[sflag:s21] =	ssyncadd.s32 $0xFFFFC000  }
0x58: {  	[spmem:s2] =	stream.indirect.scatter.add.f32 [tilespmem:s17], [sflag:$0x4], $0x80, s22, s15, $0xb8;
	[tilespmem:$0x1C000] =	vst v63  }
0x59: {  	_ =	swait.ge [sflag:s23], $0x4000  }
0x5a: {  	[sflag:s23] =	ssyncset.done $0x0  }
0x5b: {  	[sflag:s23] =	ssyncadd.s32 $0xFFFFC000  }
0x5c: {  	[tilespmem:s17], [sflag:$0x2] =	stream.indirect.gather [hbm4b:s4+s15], $0x80, s24, s15, $0xb8;
	[tilespmem:$0x1C000] =	vst v63  }
0x5d: {  	_ =	swait.ge [sflag:s18], $0x4000  }
0x5e: {  	[sflag:s18] =	ssyncset.done $0x0  }
0x5f: {  	[sflag:s18] =	ssyncadd.s32 $0xFFFFC000  }
0x60: {  	[spmem:s2] =	stream.indirect.scatter.add.f32 [tilespmem:s16], [sflag:$0x3], $0x80, s25, s15, $0xb8;
	[tilespmem:$0x1C000] =	vst v63  }
0x61: {  	_ =	swait.ge [sflag:s21], $0x4000  }
0x62: {  	[sflag:s21] =	ssyncset.done $0x0  }
0x63: {  	[sflag:s21] =	ssyncadd.s32 $0xFFFFC000  }
0x64: {  	[spmem:s2] =	stream.indirect.scatter.add.f32 [tilespmem:s17], [sflag:$0x4], $0x80, s26, s15, $0xb8;
	[tilespmem:$0x1C000] =	vst v63  }
.Ltmp0:
0x65: {  	_ =	swait.ge [sflag:s19], $0x4000;
	(pc) =	sbr.rel @p0 .LBB2_2-.Ltmp0, $4  }
0x66: {  	s1 =	sand.u32 $0x3C00, s30;
	[sflag:s19] =	ssyncset.done $0x0  }
0x67: {  	s29 =	sand.u32 $0x200, s30;
	s1 =	sadd.s32 s9, s1;
	[sflag:s19] =	ssyncadd.s32 $0xFFFFC000  }
0x68: {  	s1 =	sor.u32 s29, s1;
	_ =	swait.ge [sflag:s23], $0x4000  }
0x69: {  	s29 =	smov.u32 s0;
	s31 =	sshrl.u32 s1, $0x3;
	[sflag:s23] =	ssyncset.done $0x0  }
0x6a: {  	s0 =	sadd.s32 s5, s31;
	[sflag:s23] =	ssyncadd.s32 $0xFFFFC000  }
0x6b: {  	[tilespmem:s3], [sflag:$0x5] =	stream.linear.gather [hbm4b:s0+s3], $0x200, $0x38;
	[tilespmem:$0x1C000] =	vst v63  }
0x6c: {  	_ =	swait.ge [sflag:s13], $0x200  }
0x6d: {  	[sflag:s13] =	ssyncset.done $0x0  }
0x6e: {  	s31 =	sadd.s32 s6, s31;
	[sflag:s13] =	ssyncadd.s32 $0xFFFFFE00  }
0x6f: {  	[tilespmem:s14], [sflag:$0x5] =	stream.linear.gather [hbm4b:s31+s3], $0x200, $0x38;
	[tilespmem:$0x1C000] =	vst v63  }
0x70: {  	_ =	swait.ge [sflag:s13], $0x200  }
0x71: {  	[sflag:s13] =	ssyncset.done $0x0  }
0x72: {  	[sflag:s13] =	ssyncadd.s32 $0xFFFFFE00  }
0x73: {  	[tilespmem:s16], [sflag:$0x1] =	stream.indirect.gather [hbm4b:s4+s15], $0x80, s3, s15, $0xb8;
	[tilespmem:$0x1C000] =	vst v63  }
0x74: {  	_ = 	snop  }
0x75: {  	[tilespmem:s17], [sflag:$0x2] =	stream.indirect.gather [hbm4b:s4+s15], $0x80, s15, s15, $0xb8;
	[tilespmem:$0x1C000] =	vst v63  }
0x76: {  	_ =	swait.ge [sflag:s18], $0x4000  }
0x77: {  	[sflag:s18] =	ssyncset.done $0x0  }
0x78: {  	[sflag:s18] =	ssyncadd.s32 $0xFFFFC000  }
0x79: {  	[spmem:s2] =	stream.indirect.scatter.add.f32 [tilespmem:s16], [sflag:$0x3], $0x80, s14, s15, $0xb8;
	[tilespmem:$0x1C000] =	vst v63  }
0x7a: {  	_ =	swait.ge [sflag:s19], $0x4000  }
0x7b: {  	[sflag:s19] =	ssyncset.done $0x0  }
0x7c: {  	[sflag:s19] =	ssyncadd.s32 $0xFFFFC000  }
0x7d: {  	[tilespmem:s16], [sflag:$0x1] =	stream.indirect.gather [hbm4b:s4+s15], $0x80, s20, s15, $0xb8;
	[tilespmem:$0x1C000] =	vst v63  }
0x7e: {  	_ =	swait.ge [sflag:s21], $0x4000  }
0x7f: {  	[sflag:s21] =	ssyncset.done $0x0  }
0x80: {  	[sflag:s21] =	ssyncadd.s32 $0xFFFFC000  }
0x81: {  	[spmem:s2] =	stream.indirect.scatter.add.f32 [tilespmem:s17], [sflag:$0x4], $0x80, s22, s15, $0xb8;
	[tilespmem:$0x1C000] =	vst v63  }
0x82: {  	_ =	swait.ge [sflag:s23], $0x4000  }
0x83: {  	[sflag:s23] =	ssyncset.done $0x0  }
0x84: {  	[sflag:s23] =	ssyncadd.s32 $0xFFFFC000  }
0x85: {  	[tilespmem:s17], [sflag:$0x2] =	stream.indirect.gather [hbm4b:s4+s15], $0x80, s24, s15, $0xb8;
	[tilespmem:$0x1C000] =	vst v63  }
0x86: {  	_ =	swait.ge [sflag:s18], $0x4000  }
0x87: {  	[sflag:s18] =	ssyncset.done $0x0  }
0x88: {  	[sflag:s18] =	ssyncadd.s32 $0xFFFFC000  }
0x89: {  	[spmem:s2] =	stream.indirect.scatter.add.f32 [tilespmem:s16], [sflag:$0x3], $0x80, s25, s15, $0xb8;
	[tilespmem:$0x1C000] =	vst v63  }
0x8a: {  	_ =	swait.ge [sflag:s21], $0x4000  }
0x8b: {  	[sflag:s21] =	ssyncset.done $0x0  }
0x8c: {  	[sflag:s21] =	ssyncadd.s32 $0xFFFFC000  }
0x8d: {  	[spmem:s2] =	stream.indirect.scatter.add.f32 [tilespmem:s17], [sflag:$0x4], $0x80, s26, s15, $0xb8;
	[tilespmem:$0x1C000] =	vst v63  }
0x8e: {  	_ =	swait.ge [sflag:s19], $0x4000  }
0x8f: {  	[sflag:s19] =	ssyncset.done $0x0  }
0x90: {  	[sflag:s19] =	ssyncadd.s32 $0xFFFFC000  }
0x91: {  	_ =	swait.ge [sflag:s23], $0x4000  }
0x92: {  	s28 =	sadd.s32 $0x1, s28;
	[sflag:s23] =	ssyncset.done $0x0  }
0x93: {  	p0 =	sne.s32 s28, s11;
	[sflag:s23] =	ssyncadd.s32 $0xFFFFC000  }
.Ltmp1:
0x94: {  	[bflag:$0x0] =	sbarrier.arrive $0xFFFF;
	(pc) =	sbr.rel @p0 .LBB2_1-.Ltmp1, $4  }
0x95: {  	[hbm:s10], [sflag:s8] =	dma.local [spmem:s12], $0x2780  }
0x96: {  	_ =	swait.ge [sflag:s13], $0x2780  }
0x97: {  	[sflag:s13] =	ssyncset.done $0x0  }
0x98: {  	[sflag:s13] =	ssyncadd.s32 $0xFFFFD880  }
0x99: {  	_ =	sfence.sel $0x180000  }
0x9a: {  	[bflag:$0x0] =	sbarrier.arrive $0xFFFF  }
0x9b: {  	_ =	strace $0x9000004A  }
0x9c: {  	s0 =	stileid.u32;
	[bflag:$0x2] =	sbarrier.arrive $0xFFFF  }
0x9d: {  	p0 =	sne.s32 s0, $0x0;
	s0 =	rddreg [dreg:$0x2]  }
0x9e: {  	s0 =	sadd.s32 @!p0 $0x100000, s0  }
0x9f: {  	[sflag:s0] =	ssyncadd.tile.s32 @!p0 $0x1;
	_ =	shalt  }
.Lfunc_end2:
_tile_overlayer_lowered:
.L_overlay_start_2:
0xa0: {  	(tag) =	ssettag $0x2  }
0xa1: {  	s0 =	rddreg [dreg:$0x0];
	s2 =	stileid.u32  }
0xa2: {  	s1 =	rddreg [dreg:$0x1];
	p0 =	sne.s32 s2, $0x0  }
0xa3: {  	s3 =	rddreg [dreg:$0x2];
	[bflag:$0x3] =	sbarrier.arrive $0xFFFF;
	s2 =	simm.s32 @!p0 $0x1C05  }
0xa4: {  	[timem:s3], [sflag:s2] =	dma.local @!p0 [hbm:s0], s1  }
0xa5: {  	s0 =	simm.s32 @!p0 $0x5  }
0xa6: {  	_ =	swait.ge @!p0 [sflag:s0], s1  }
0xa7: {  	s1 =	ssub.s32 @!p0 $0x0, s1;
	[sflag:s0] =	ssyncset.done @!p0 $0x0  }
0xa8: {  	[sflag:s0] =	ssyncadd.s32 @!p0 s1  }
0xa9: {  	[bflag:$0x3] =	sbarrier.arrive $0xFFFF  }
0xaa: {  	_ =	shalt  }

// kernel: kernel.13.cloned.1.call-start
scs
__scs_entry_jumppad:
0x0: {  	(pc) =	sbr.rel $0x88, $3  }
0x1: {  	(tag) =	ssettag $0x0;
	lr =	simm.s32 $0x1  }
0x2: {  	[smem:$0x3F94] =	sst lr;
	_ =	strace $0xD0000000  }
0x3: {  	_ = 	snop  }
0x4: {  	_ = 	snop  }
0x5: {  	_ = 	snop  }
0x6: {  	_ = 	snop  }
0x7: {  	_ = 	snop  }
__scs_overlays_trampoline_lowered:
0x8: {  	[smem:$0x3FA3] =	sst s0  }
0x9: {  	[smem:$0x3FA4] =	sst s1  }
0xa: {  	[smem:$0x3FA5] =	sst s2  }
0xb: {  	[smem:$0x3FA6] =	sst s3  }
0xc: {  	[smem:$0x3FA7] =	sst s4  }
0xd: {  	[smem:$0x3FA8] =	sst s5  }
0xe: {  	[smem:$0x3FA9] =	sst s6  }
0xf: {  	[smem:$0x3FAA] =	sst s7  }
0x10: {  	[smem:$0x3FAB] =	sst s8  }
0x11: {  	[smem:$0x3FAC] =	sst s9;
	s0 =	simm.s32 @!p0 $0x0  }
0x12: {  	s1 =	sld [smem:$0x3F92];
	s0 =	simm.s32 @p0 $0x1  }
0x13: {  	[smem:$0x3FAD] =	sst s0;
	s0 =	simm.s32 @!p1 $0x0  }
0x14: {  	s2 =	sld [smem:$0x3F91];
	s0 =	simm.s32 @p1 $0x1  }
0x15: {  	[smem:$0x3FAE] =	sst s0;
	s0 =	simm.s32 @!p2 $0x0  }
0x16: {  	s3 =	sld [smem:$0x3FDB];
	s0 =	simm.s32 @p2 $0x1  }
0x17: {  	s4 =	simm.s32 $0x1BF5;
	[smem:$0x3FB0] =	sst s0  }
0x18: {  	s0 =	sld [smem:$0x3F93];
	_ =	swait.ge [sflag:s4], $0x0  }
0x19: {  	s7 =	sld [smem:$0x3F94]  }
0x1a: {  	s8 =	sadd.s32 $0xFFFFE003, lr  }
0x1b: {  	s9 =	sadd.s32 $0xFFFFFEF7, lr;
	s5 =	simm.s32 $0xFFFFFFFF;
	p2 =	slt.u32 s8, $0xFFFFF086  }
0x1c: {  	p1 =	slt.u32 s9, $0xF7A;
	s5 =	simm.s32 @!p2 $0x0  }
0x1d: {  	s5 =	simm.s32 @p1 $0x1;
	p0 =	seq.s32 s7, s2  }
0x1e: {  	s7 =	smul.u32 @!p0 $0xF7A, s2;
	p2 =	seq.s32 @!p0 s5, $0x0  }
0x1f: {  	s9 =	smul.u32 $0xF7A, s1;
	s8 =	simm.s32 @!p0 $0x1BF5;
	p2 =	por !p2, p0  }
0x20: {  	[sflag:s8] =	ssyncset.s32 @!p0 $0xFFFFF086;
	s6 =	sadd.s32 @!p0 s3, s7;
	s7 =	simm.s32 @!p0 $0x108  }
0x21: {  	s3 =	sadd.s32 s3, s9;
	s6 =	sadd.s32 @!p0 $0x88, s6;
	s7 =	simm.s32 @p2 $0x1082  }
0x22: {  	[simem:s7], [sflag:s8] =	dma.local @!p0 [hbm:s6], $0xF7A  }
0x23: {  	s9 =	sor.u32 $0xD0000000, s2;
	s6 =	simm.s32 $0x108;
	_ =	swait.ge @!p0 [sflag:s8], $0x0  }
0x24: {  	s3 =	sadd.s32 $0x88, s3;
	s6 =	simm.s32 @!p1 $0x1082;
	[sflag:s4] =	ssyncset.s32 $0xFFFFF086  }
0x25: {  	[simem:s6], [sflag:s4] =	dma.local [hbm:s3], $0xF7A  }
0x26: {  	[smem:$0x3F94] =	sst s1;
	(tag) =	ssettag s2;
	_ =	strace s9  }
0x27: {  	s1 =	sld [smem:$0x3FA4]  }
0x28: {  	s2 =	sld [smem:$0x3FA5]  }
0x29: {  	s4 =	sld [smem:$0x3FA7]  }
0x2a: {  	p0 =	seq.s32 s5, $0x0;
	s5 =	sld [smem:$0x3FA8]  }
0x2b: {  	s6 =	sld [smem:$0x3FA9]  }
0x2c: {  	s7 =	sld [smem:$0x3FAA]  }
0x2d: {  	s3 =	simm.s32 $0x108;
	s8 =	sld [smem:$0x3FAB]  }
0x2e: {  	s3 =	simm.s32 @!p0 $0x1082;
	s9 =	sld [smem:$0x3FAC]  }
0x2f: {  	lr =	sadd.s32 s0, s3;
	s0 =	sld [smem:$0x3FA3]  }
0x30: {  	s3 =	sld [smem:$0x3FA6]  }
0x31: {  	[smem:$0x3FAF] =	sst s10  }
0x32: {  	s10 =	sld [smem:$0x3FAD];
	_ =	sdelay $0x3  }
0x33: {  	p0 =	seq.s32 s10, $0x1;
	s10 =	sld [smem:$0x3FAF];
	_ =	sdelay $0x3  }
0x34: {  	[smem:$0x3FAF] =	sst s10  }
0x35: {  	s10 =	sld [smem:$0x3FAE];
	_ =	sdelay $0x3  }
0x36: {  	p1 =	seq.s32 s10, $0x1;
	s10 =	sld [smem:$0x3FAF];
	_ =	sdelay $0x3  }
0x37: {  	[smem:$0x3FAF] =	sst s10  }
0x38: {  	s10 =	sld [smem:$0x3FB0]  }
0x39: {  	_ = 	snop;
	(pc) =	sbr.ind lr, $3  }
0x3a: {  	_ = 	snop  }
0x3b: {  	_ = 	snop  }
0x3c: {  	p2 =	seq.s32 s10, $0x1;
	s10 =	sld [smem:$0x3FAF]  }
0x3d: {  	_ =	shalt  }
0x3e: {  	_ =	shalt  }
0x3f: {  	_ =	shalt  }
0x40: {  	_ =	shalt  }
0x41: {  	_ =	shalt  }
0x42: {  	_ =	shalt  }
0x43: {  	_ =	shalt  }
0x44: {  	_ =	shalt  }
0x45: {  	_ =	shalt  }
0x46: {  	_ =	shalt  }
0x47: {  	_ =	shalt  }
0x48: {  	_ =	shalt  }
0x49: {  	_ =	shalt  }
0x4a: {  	_ =	shalt  }
0x4b: {  	_ =	shalt  }
0x4c: {  	_ =	shalt  }
0x4d: {  	_ =	shalt  }
0x4e: {  	_ =	shalt  }
0x4f: {  	_ =	shalt  }
0x50: {  	_ =	shalt  }
0x51: {  	_ =	shalt  }
0x52: {  	_ =	shalt  }
0x53: {  	_ =	shalt  }
0x54: {  	_ =	shalt  }
0x55: {  	_ =	shalt  }
0x56: {  	_ =	shalt  }
0x57: {  	_ =	shalt  }
0x58: {  	_ =	shalt  }
0x59: {  	_ =	shalt  }
0x5a: {  	_ =	shalt  }
0x5b: {  	_ =	shalt  }
0x5c: {  	_ =	shalt  }
0x5d: {  	_ =	shalt  }
0x5e: {  	_ =	shalt  }
0x5f: {  	_ =	shalt  }
0x60: {  	_ =	shalt  }
0x61: {  	_ =	shalt  }
0x62: {  	_ =	shalt  }
0x63: {  	_ =	shalt  }
0x64: {  	_ =	shalt  }
0x65: {  	_ =	shalt  }
0x66: {  	_ =	shalt  }
0x67: {  	_ =	shalt  }
0x68: {  	_ =	shalt  }
0x69: {  	_ =	shalt  }
0x6a: {  	_ =	shalt  }
0x6b: {  	_ =	shalt  }
0x6c: {  	_ =	shalt  }
0x6d: {  	_ =	shalt  }
0x6e: {  	_ =	shalt  }
0x6f: {  	_ =	shalt  }
0x70: {  	_ =	shalt  }
0x71: {  	_ =	shalt  }
0x72: {  	_ =	shalt  }
0x73: {  	_ =	shalt  }
0x74: {  	_ =	shalt  }
0x75: {  	_ =	shalt  }
0x76: {  	_ =	shalt  }
0x77: {  	_ =	shalt  }
0x78: {  	_ =	shalt  }
0x79: {  	_ =	shalt  }
0x7a: {  	_ =	shalt  }
0x7b: {  	_ =	shalt  }
0x7c: {  	_ =	shalt  }
0x7d: {  	_ =	shalt  }
0x7e: {  	_ =	shalt  }
0x7f: {  	_ =	shalt  }
0x80: {  	_ =	shalt  }
0x81: {  	_ =	shalt  }
0x82: {  	_ =	shalt  }
0x83: {  	_ =	shalt  }
0x84: {  	_ =	shalt  }
0x85: {  	_ =	shalt  }
0x86: {  	_ =	shalt  }
0x87: {  	_ =	shalt  }
.Lfunc_end0:
.L_simem_size_0:
called_computation.1_lowered:
.L_overlay_start_0:
0x88: {  	s2 =	sld [smem:$0x3FD9]  }
0x89: {  	s3 =	sld [smem:$0x3FFE];
	_ =	sdelay $0x1  }
0x8a: {  	s1 =	srdreg.scid  }
0x8b: {  	s0 =	sand.u32 $0x1, s1  }
0x8c: {  	s17 =	sshll.u32 s0, $0xA;
	s2 =	sadd.s32 s3, s2  }
0x8d: {  	s2 =	sadd.s32 s2, s17  }
0x8e: {  	[smem:$0x3FBB] =	sst s2  }
0x8f: {  	_ = 	snop  }
0x90: {  	s2 =	sld [smem:$0x3FD0];
	(tm) =	ssettm $0x1  }
0x91: {  	s18 =	sld [smem:$0x3FFB];
	_ =	sdelay $0x3  }
0x92: {  	_ =	strace s18  }
0x93: {  	s3 =	sld [smem:$0x3FFC];
	_ =	sdelay $0x3  }
0x94: {  	_ =	strace s3  }
0x95: {  	s3 =	sld [smem:$0x3FFD];
	_ =	sdelay $0x3  }
0x96: {  	_ =	strace s3  }
0x97: {  	_ =	strace $0x8FFFFFFF  }
0x98: {  	s19 =	sld [smem:$0x3FDB];
	_ =	sdelay $0x1  }
0x99: {  	s4 =	simm.s32 $_scs_section_size  }
0x9a: {  	s5 =	simm.s32 $_size__tile_overlayer_lowered;
	s6 =	simm.s32 $_tile_overlayer_lowered  }
0x9b: {  	s22 =	simm.s32 $0x1BFF;
	s21 =	sshll.u32 s6, $0x1;
	s3 =	sadd.s32 s4, s19  }
0x9c: {  	s7 =	simm.s32 $0x0;
	s20 =	sshll.u32 s5, $0x1;
	s5 =	sadd.s32 s21, s3  }
0x9d: {  	[timem:s7], [sflag:s22] =	dma.local [hbm:s5], s20  }
0x9e: {  	_ =	swait.ge [sflag:s22], s20  }
0x9f: {  	s4 =	ssub.s32 $0x0, s20;
	[sflag:s22] =	ssyncset.done $0x0  }
0xa0: {  	[sflag:s22] =	ssyncadd.s32 s4;
	_ =	sdelay $0x1  }
0xa1: {  	s23 =	simm.s32 $0x1B8B  }
0xa2: {  	_ =	swait.ge [sflag:s23], $0x1  }
0xa3: {  	[sflag:s23] =	ssyncset.done $0x0  }
0xa4: {  	s25 =	simm.s32 $0x1B8E;
	s24 =	sld [smem:$0x3FFE];
	[sflag:s23] =	ssyncadd.s32 $0xFFFFFFFF  }
0xa5: {  	s26 =	simm.s32 $execute0_lowered;
	[smem:$0x3FD2] =	sst s25  }
0xa6: {  	s5 =	sshll.u32 s26, $0x1;
	_ =	strace $0x80000046;
	[dreg:$0x1] =	wrdreg $0xFFFFFFFF  }
0xa7: {  	s28 =	simm.s32 $_size_execute0_lowered;
	s3 =	sadd.s32 s3, s5;
	[dreg:$0x0] =	wrdreg $0x0  }
0xa8: {  	s5 =	sshll.u32 s28, $0x1;
	[dreg:$0x2] =	wrdreg s3  }
0xa9: {  	[dreg:$0x3] =	wrdreg s5  }
0xaa: {  	[dreg:$0x4] =	wrdreg $0xC0  }
0xab: {  	_ =	task [dreg:s7], $0x5FFFF  }
0xac: {  	[dreg:$0x1] =	wrdreg $0xFFFFFFFF  }
0xad: {  	[dreg:$0x0] =	wrdreg $0x60  }
0xae: {  	[dreg:$0x2] =	wrdreg s2  }
0xaf: {  	[dreg:$0x3] =	wrdreg s24  }
0xb0: {  	[dreg:$0x4] =	wrdreg $0x84000  }
0xb1: {  	[dreg:$0x5] =	wrdreg $0xA  }
0xb2: {  	_ =	task.clear_ibuf [dreg:s7], $0x6FFFF;
	_ =	strace $0x90000046  }
0xb3: {  	s29 =	simm.s32 $0xA;
	_ =	strace $0x80000048  }
0xb4: {  	_ =	swait.ge [sflag:s29], $0x1  }
0xb5: {  	[sflag:s29] =	ssyncadd.s32 $0xFFFFFFFF  }
0xb6: {  	_ =	strace $0x90000048  }
0xb7: {  	_ =	sfence  }
0xb8: {  	s30 =	sld [smem:$0x0];
	_ =	sdelay $0x2  }
0xb9: {  	s31 =	sshll.u32 s1, $0xD;
	s1 =	sshrl.u32 s1, $0x2  }
0xba: {  	s3 =	sand.u32 $0x4000, s31;
	s1 =	sadd.s32 s1, s30  }
0xbb: {  	s0 =	sor.u32 s3, s0;
	s1 =	sshll.u32 s1, $0x11  }
0xbc: {  	s0 =	sor.u32 s1, s0  }
0xbd: {  	s0 =	sadd.s32 $0x8F2B, s0  }
0xbe: {  	[sflag:s0] =	ssyncadd.remote.s32 $0x1  }
0xbf: {  	_ =	sfence.sel $0xFFFF  }
0xc0: {  	[dreg:$0x0] =	wrdreg $0xFFFFFFFF;
	(pc) =	sbr.abs _section_cstart, $3  }
0xc1: {  	[dreg:$0x1] =	wrdreg $0xFFFFFFFF  }
0xc2: {  	_ =	task.clear_ibuf [dreg:s7], $0x2FFFF;
	_ =	strace $0x9FFFFFFF  }
0xc3: {  	(tm) =	ssettm $0x7FFFFFFF  }
tec
execute0_lowered:
.L_overlay_start_1:
0x0: {  	(tag) =	ssettag $0x1  }
0x1: {  	s2 =	rddreg [dreg:$0x0]  }
0x2: {  	s0 =	rddreg [dreg:$0x1]  }
0x3: {  	s3 =	rddreg [dreg:$0x2]  }
0x4: {  	s1 =	stileid.u32;
	s5 =	srdreg.scid;
	s4 =	simm.s32 $0x0  }
0x5: {  	s14 =	simm.s32 $0x200;
	s15 =	simm.s32 $0x80;
	s16 =	simm.s32 $0x400  }
0x6: {  	s17 =	simm.s32 $0x4400;
	s18 =	simm.s32 $0x1;
	s19 =	simm.s32 $0x3  }
0x7: {  	s20 =	simm.s32 $0x100;
	s21 =	simm.s32 $0x2;
	s22 =	simm.s32 $0x280  }
0x8: {  	s23 =	simm.s32 $0x4;
	s28 =	simm.s32 $0x0;
	s7 =	smul.u32 $0x13C00, s1  }
0x9: {  	s8 =	sand.u32 $0x1, s5;
	[smem:$0x7FF] =	sst s4;
	s5 =	sadd.s32 $0x3E00, s0  }
0xa: {  	s6 =	sadd.s32 $0xDE00, s0;
	s11 =	smul.u32 $0x4F000, s1;
	s31 =	sshll.u32 s1, $0x6  }
0xb: {  	s9 =	smul.u32 $0x13C000, s8;
	_ =	strace $0x80000047;
	s24 =	ssub.s32 $0x2, s8  }
0xc: {  	s26 =	sshll.u32 s8, $0x4;
	s8 =	sor.u32 $0x1C05, s31;
	s10 =	sshrl.u32 s7, $0x3  }
0xd: {  	s25 =	sshrl.u32 s24, $0x1;
	s29 =	sshrl.u32 s11, $0x2;
	s30 =	sor.u32 s1, s26  }
0xe: {  	s26 =	simm.s32 $0x380;
	s7 =	sadd.s32 s7, s9;
	s10 =	sadd.s32 s10, s0  }
0xf: {  	s12 =	ssub.s32 s24, s25;
	s13 =	sadd.s32 s29, s3;
	s9 =	smul.u32 $0x2800, s30  }
0x10: {  	s24 =	simm.s32 $0x180;
	s25 =	simm.s32 $0x300;
	s7 =	sshrl.u32 s7, $0x3  }
0x11: {  	s11 =	smax.u32 s12, $0x1;
	s12 =	sshrl.u32 s13, $0x3;
	s0 =	sadd.s32 s7, s0  }
0x12: {  	s13 =	simm.s32 $0x5;
	s7 =	sadd.s32 $0x3F000, s10;
	s10 =	sadd.s32 $0x66800, s0  }
.LBB2_1:
0x13: {  	[spmem:s12], [sflag:s8] =	dma.local [hbm:s7], $0x2780  }
0x14: {  	s0 =	sand.u32 $0x3C00, s4  }
0x15: {  	s29 =	sand.u32 $0x200, s4;
	_ =	swait.ge [sflag:s13], $0x2780;
	s0 =	sadd.s32 s9, s0  }
0x16: {  	[sflag:s13] =	ssyncset.done $0x0;
	s0 =	sor.u32 s29, s0  }
0x17: {  	[sflag:s13] =	ssyncadd.s32 $0xFFFFD880;
	s0 =	sshrl.u32 s0, $0x3  }
0x18: {  	[bflag:$0x0] =	sbarrier.arrive $0xFFFF;
	s29 =	sadd.s32 s5, s0  }
0x19: {  	[tilespmem:s4], [sflag:$0x5] =	stream.linear.gather [hbm4b:s29+s4], $0x200, $0x38;
	[tilespmem:$0x1C000] =	vst v63  }
0x1a: {  	_ =	swait.ge [sflag:s13], $0x200  }
0x1b: {  	[sflag:s13] =	ssyncset.done $0x0  }
0x1c: {  	s0 =	sadd.s32 s6, s0;
	[sflag:s13] =	ssyncadd.s32 $0xFFFFFE00  }
0x1d: {  	[tilespmem:s14], [sflag:$0x5] =	stream.linear.gather [hbm4b:s0+s4], $0x200, $0x38;
	[tilespmem:$0x1C000] =	vst v63  }
0x1e: {  	_ =	swait.ge [sflag:s13], $0x200  }
0x1f: {  	[sflag:s13] =	ssyncset.done $0x0  }
0x20: {  	[sflag:s13] =	ssyncadd.s32 $0xFFFFFE00  }
0x21: {  	[tilespmem:s16], [sflag:$0x1] =	stream.indirect.gather [hbm4b:s2+s15], $0x80, s4, s15, $0xb8;
	[tilespmem:$0x1C000] =	vst v63  }
0x22: {  	_ = 	snop  }
0x23: {  	[tilespmem:s17], [sflag:$0x2] =	stream.indirect.gather [hbm4b:s2+s15], $0x80, s15, s15, $0xb8;
	[tilespmem:$0x1C000] =	vst v63  }
0x24: {  	_ =	swait.ge [sflag:s18], $0x4000  }
0x25: {  	[sflag:s18] =	ssyncset.done $0x0  }
0x26: {  	[sflag:s18] =	ssyncadd.s32 $0xFFFFC000  }
0x27: {  	[spmem:s3] =	stream.indirect.scatter.add.f32 [tilespmem:s16], [sflag:$0x3], $0x80, s14, s15, $0xb8;
	[tilespmem:$0x1C000] =	vst v63  }
0x28: {  	_ =	swait.ge [sflag:s19], $0x4000  }
0x29: {  	[sflag:s19] =	ssyncset.done $0x0  }
0x2a: {  	[sflag:s19] =	ssyncadd.s32 $0xFFFFC000  }
0x2b: {  	[tilespmem:s16], [sflag:$0x1] =	stream.indirect.gather [hbm4b:s2+s15], $0x80, s20, s15, $0xb8;
	[tilespmem:$0x1C000] =	vst v63  }
0x2c: {  	_ =	swait.ge [sflag:s21], $0x4000  }
0x2d: {  	[sflag:s21] =	ssyncset.done $0x0  }
0x2e: {  	[sflag:s21] =	ssyncadd.s32 $0xFFFFC000  }
0x2f: {  	[spmem:s3] =	stream.indirect.scatter.add.f32 [tilespmem:s17], [sflag:$0x4], $0x80, s22, s15, $0xb8;
	[tilespmem:$0x1C000] =	vst v63  }
0x30: {  	_ =	swait.ge [sflag:s23], $0x4000  }
0x31: {  	[sflag:s23] =	ssyncset.done $0x0  }
0x32: {  	[sflag:s23] =	ssyncadd.s32 $0xFFFFC000  }
0x33: {  	[tilespmem:s17], [sflag:$0x2] =	stream.indirect.gather [hbm4b:s2+s15], $0x80, s24, s15, $0xb8;
	[tilespmem:$0x1C000] =	vst v63  }
0x34: {  	_ =	swait.ge [sflag:s18], $0x4000  }
0x35: {  	[sflag:s18] =	ssyncset.done $0x0  }
0x36: {  	[sflag:s18] =	ssyncadd.s32 $0xFFFFC000  }
0x37: {  	[spmem:s3] =	stream.indirect.scatter.add.f32 [tilespmem:s16], [sflag:$0x3], $0x80, s25, s15, $0xb8;
	[tilespmem:$0x1C000] =	vst v63  }
0x38: {  	_ =	swait.ge [sflag:s21], $0x4000  }
0x39: {  	[sflag:s21] =	ssyncset.done $0x0  }
0x3a: {  	[sflag:s21] =	ssyncadd.s32 $0xFFFFC000  }
0x3b: {  	[spmem:s3] =	stream.indirect.scatter.add.f32 [tilespmem:s17], [sflag:$0x4], $0x80, s26, s15, $0xb8;
	[tilespmem:$0x1C000] =	vst v63  }
0x3c: {  	s30 =	simm.s32 $0x200;
	_ =	swait.ge [sflag:s19], $0x4000  }
0x3d: {  	s29 =	sand.u32 $0x3C00, s30;
	[sflag:s19] =	ssyncset.done $0x0  }
0x3e: {  	s29 =	sadd.s32 s9, s29;
	s0 =	sand.u32 $0x200, s30;
	[sflag:s19] =	ssyncadd.s32 $0xFFFFC000  }
0x3f: {  	s0 =	sor.u32 s0, s29;
	_ =	swait.ge [sflag:s23], $0x4000  }
0x40: {  	s29 =	simm.s32 $0x400;
	s31 =	sshrl.u32 s0, $0x3;
	[sflag:s23] =	ssyncset.done $0x0  }
.LBB2_2:
0x41: {  	s1 =	sadd.s32 s5, s31  }
0x42: {  	[sflag:s23] =	ssyncadd.s32 $0xFFFFC000;
	s30 =	smov.u32 s29;
	s0 =	sadd.s32 $0x200, s29  }
0x43: {  	[tilespmem:s4], [sflag:$0x5] =	stream.linear.gather [hbm4b:s1+s4], $0x200, $0x38;
	[tilespmem:$0x1C000] =	vst v63  }
0x44: {  	p0 =	sne.s32 s29, $0x2600;
	_ =	swait.ge [sflag:s13], $0x200  }
0x45: {  	[sflag:s13] =	ssyncset.done $0x0  }
0x46: {  	s1 =	sadd.s32 s6, s31;
	[sflag:s13] =	ssyncadd.s32 $0xFFFFFE00  }
0x47: {  	[tilespmem:s14], [sflag:$0x5] =	stream.linear.gather [hbm4b:s1+s4], $0x200, $0x38;
	[tilespmem:$0x1C000] =	vst v63  }
0x48: {  	_ =	swait.ge [sflag:s13], $0x200  }
0x49: {  	[sflag:s13] =	ssyncset.done $0x0  }
0x4a: {  	[sflag:s13] =	ssyncadd.s32 $0xFFFFFE00  }
0x4b: {  	[tilespmem:s16], [sflag:$0x1] =	stream.indirect.gather [hbm4b:s2+s15], $0x80, s4, s15, $0xb8;
	[tilespmem:$0x1C000] =	vst v63  }
0x4c: {  	_ = 	snop  }
0x4d: {  	[tilespmem:s17], [sflag:$0x2] =	stream.indirect.gather [hbm4b:s2+s15], $0x80, s15, s15, $0xb8;
	[tilespmem:$0x1C000] =	vst v63  }
0x4e: {  	_ =	swait.ge [sflag:s18], $0x4000  }
0x4f: {  	[sflag:s18] =	ssyncset.done $0x0  }
0x50: {  	[sflag:s18] =	ssyncadd.s32 $0xFFFFC000  }
0x51: {  	[spmem:s3] =	stream.indirect.scatter.add.f32 [tilespmem:s16], [sflag:$0x3], $0x80, s14, s15, $0xb8;
	[tilespmem:$0x1C000] =	vst v63  }
0x52: {  	_ =	swait.ge [sflag:s19], $0x4000  }
0x53: {  	[sflag:s19] =	ssyncset.done $0x0  }
0x54: {  	[sflag:s19] =	ssyncadd.s32 $0xFFFFC000  }
0x55: {  	[tilespmem:s16], [sflag:$0x1] =	stream.indirect.gather [hbm4b:s2+s15], $0x80, s20, s15, $0xb8;
	[tilespmem:$0x1C000] =	vst v63  }
0x56: {  	_ =	swait.ge [sflag:s21], $0x4000  }
0x57: {  	[sflag:s21] =	ssyncset.done $0x0  }
0x58: {  	[sflag:s21] =	ssyncadd.s32 $0xFFFFC000  }
0x59: {  	[spmem:s3] =	stream.indirect.scatter.add.f32 [tilespmem:s17], [sflag:$0x4], $0x80, s22, s15, $0xb8;
	[tilespmem:$0x1C000] =	vst v63  }
0x5a: {  	_ =	swait.ge [sflag:s23], $0x4000  }
0x5b: {  	[sflag:s23] =	ssyncset.done $0x0  }
0x5c: {  	[sflag:s23] =	ssyncadd.s32 $0xFFFFC000  }
0x5d: {  	[tilespmem:s17], [sflag:$0x2] =	stream.indirect.gather [hbm4b:s2+s15], $0x80, s24, s15, $0xb8;
	[tilespmem:$0x1C000] =	vst v63  }
0x5e: {  	_ =	swait.ge [sflag:s18], $0x4000  }
0x5f: {  	[sflag:s18] =	ssyncset.done $0x0  }
0x60: {  	[sflag:s18] =	ssyncadd.s32 $0xFFFFC000  }
0x61: {  	[spmem:s3] =	stream.indirect.scatter.add.f32 [tilespmem:s16], [sflag:$0x3], $0x80, s25, s15, $0xb8;
	[tilespmem:$0x1C000] =	vst v63  }
0x62: {  	_ =	swait.ge [sflag:s21], $0x4000  }
0x63: {  	[sflag:s21] =	ssyncset.done $0x0  }
0x64: {  	[sflag:s21] =	ssyncadd.s32 $0xFFFFC000  }
0x65: {  	[spmem:s3] =	stream.indirect.scatter.add.f32 [tilespmem:s17], [sflag:$0x4], $0x80, s26, s15, $0xb8;
	[tilespmem:$0x1C000] =	vst v63  }
.Ltmp0:
0x66: {  	_ =	swait.ge [sflag:s19], $0x4000;
	(pc) =	sbr.rel @p0 .LBB2_2-.Ltmp0, $4  }
0x67: {  	s1 =	sand.u32 $0x3C00, s30;
	[sflag:s19] =	ssyncset.done $0x0  }
0x68: {  	s29 =	sand.u32 $0x200, s30;
	s1 =	sadd.s32 s9, s1;
	[sflag:s19] =	ssyncadd.s32 $0xFFFFC000  }
0x69: {  	s1 =	sor.u32 s29, s1;
	_ =	swait.ge [sflag:s23], $0x4000  }
0x6a: {  	s29 =	smov.u32 s0;
	s31 =	sshrl.u32 s1, $0x3;
	[sflag:s23] =	ssyncset.done $0x0  }
0x6b: {  	s0 =	sadd.s32 s5, s31;
	[sflag:s23] =	ssyncadd.s32 $0xFFFFC000  }
0x6c: {  	[tilespmem:s4], [sflag:$0x5] =	stream.linear.gather [hbm4b:s0+s4], $0x200, $0x38;
	[tilespmem:$0x1C000] =	vst v63  }
0x6d: {  	_ =	swait.ge [sflag:s13], $0x200  }
0x6e: {  	[sflag:s13] =	ssyncset.done $0x0  }
0x6f: {  	s31 =	sadd.s32 s6, s31;
	[sflag:s13] =	ssyncadd.s32 $0xFFFFFE00  }
0x70: {  	[tilespmem:s14], [sflag:$0x5] =	stream.linear.gather [hbm4b:s31+s4], $0x200, $0x38;
	[tilespmem:$0x1C000] =	vst v63  }
0x71: {  	_ =	swait.ge [sflag:s13], $0x200  }
0x72: {  	[sflag:s13] =	ssyncset.done $0x0  }
0x73: {  	[sflag:s13] =	ssyncadd.s32 $0xFFFFFE00  }
0x74: {  	[tilespmem:s16], [sflag:$0x1] =	stream.indirect.gather [hbm4b:s2+s15], $0x80, s4, s15, $0xb8;
	[tilespmem:$0x1C000] =	vst v63  }
0x75: {  	_ = 	snop  }
0x76: {  	[tilespmem:s17], [sflag:$0x2] =	stream.indirect.gather [hbm4b:s2+s15], $0x80, s15, s15, $0xb8;
	[tilespmem:$0x1C000] =	vst v63  }
0x77: {  	_ =	swait.ge [sflag:s18], $0x4000  }
0x78: {  	[sflag:s18] =	ssyncset.done $0x0  }
0x79: {  	[sflag:s18] =	ssyncadd.s32 $0xFFFFC000  }
0x7a: {  	[spmem:s3] =	stream.indirect.scatter.add.f32 [tilespmem:s16], [sflag:$0x3], $0x80, s14, s15, $0xb8;
	[tilespmem:$0x1C000] =	vst v63  }
0x7b: {  	_ =	swait.ge [sflag:s19], $0x4000  }
0x7c: {  	[sflag:s19] =	ssyncset.done $0x0  }
0x7d: {  	[sflag:s19] =	ssyncadd.s32 $0xFFFFC000  }
0x7e: {  	[tilespmem:s16], [sflag:$0x1] =	stream.indirect.gather [hbm4b:s2+s15], $0x80, s20, s15, $0xb8;
	[tilespmem:$0x1C000] =	vst v63  }
0x7f: {  	_ =	swait.ge [sflag:s21], $0x4000  }
0x80: {  	[sflag:s21] =	ssyncset.done $0x0  }
0x81: {  	[sflag:s21] =	ssyncadd.s32 $0xFFFFC000  }
0x82: {  	[spmem:s3] =	stream.indirect.scatter.add.f32 [tilespmem:s17], [sflag:$0x4], $0x80, s22, s15, $0xb8;
	[tilespmem:$0x1C000] =	vst v63  }
0x83: {  	_ =	swait.ge [sflag:s23], $0x4000  }
0x84: {  	[sflag:s23] =	ssyncset.done $0x0  }
0x85: {  	[sflag:s23] =	ssyncadd.s32 $0xFFFFC000  }
0x86: {  	[tilespmem:s17], [sflag:$0x2] =	stream.indirect.gather [hbm4b:s2+s15], $0x80, s24, s15, $0xb8;
	[tilespmem:$0x1C000] =	vst v63  }
0x87: {  	_ =	swait.ge [sflag:s18], $0x4000  }
0x88: {  	[sflag:s18] =	ssyncset.done $0x0  }
0x89: {  	[sflag:s18] =	ssyncadd.s32 $0xFFFFC000  }
0x8a: {  	[spmem:s3] =	stream.indirect.scatter.add.f32 [tilespmem:s16], [sflag:$0x3], $0x80, s25, s15, $0xb8;
	[tilespmem:$0x1C000] =	vst v63  }
0x8b: {  	_ =	swait.ge [sflag:s21], $0x4000  }
0x8c: {  	[sflag:s21] =	ssyncset.done $0x0  }
0x8d: {  	[sflag:s21] =	ssyncadd.s32 $0xFFFFC000  }
0x8e: {  	[spmem:s3] =	stream.indirect.scatter.add.f32 [tilespmem:s17], [sflag:$0x4], $0x80, s26, s15, $0xb8;
	[tilespmem:$0x1C000] =	vst v63  }
0x8f: {  	_ =	swait.ge [sflag:s19], $0x4000  }
0x90: {  	[sflag:s19] =	ssyncset.done $0x0  }
0x91: {  	[sflag:s19] =	ssyncadd.s32 $0xFFFFC000  }
0x92: {  	_ =	swait.ge [sflag:s23], $0x4000  }
0x93: {  	s28 =	sadd.s32 $0x1, s28;
	[sflag:s23] =	ssyncset.done $0x0  }
0x94: {  	p0 =	sne.s32 s28, s11;
	[sflag:s23] =	ssyncadd.s32 $0xFFFFC000  }
.Ltmp1:
0x95: {  	[bflag:$0x0] =	sbarrier.arrive $0xFFFF;
	(pc) =	sbr.rel @p0 .LBB2_1-.Ltmp1, $4  }
0x96: {  	[hbm:s10], [sflag:s8] =	dma.local [spmem:s12], $0x2780  }
0x97: {  	_ =	swait.ge [sflag:s13], $0x2780  }
0x98: {  	[sflag:s13] =	ssyncset.done $0x0  }
0x99: {  	[sflag:s13] =	ssyncadd.s32 $0xFFFFD880  }
0x9a: {  	_ =	sfence.sel $0x180000  }
0x9b: {  	[bflag:$0x0] =	sbarrier.arrive $0xFFFF  }
0x9c: {  	_ =	strace $0x90000047  }
0x9d: {  	s0 =	stileid.u32;
	[bflag:$0x2] =	sbarrier.arrive $0xFFFF  }
0x9e: {  	p0 =	sne.s32 s0, $0x0;
	s0 =	rddreg [dreg:$0x3]  }
0x9f: {  	s0 =	sadd.s32 @!p0 $0x100000, s0  }
0xa0: {  	[sflag:s0] =	ssyncadd.tile.s32 @!p0 $0x1;
	_ =	shalt  }
.Lfunc_end2:
_tile_overlayer_lowered:
.L_overlay_start_2:
0xa1: {  	(tag) =	ssettag $0x2  }
0xa2: {  	s0 =	rddreg [dreg:$0x0];
	s2 =	stileid.u32  }
0xa3: {  	s1 =	rddreg [dreg:$0x1];
	p0 =	sne.s32 s2, $0x0  }
0xa4: {  	s3 =	rddreg [dreg:$0x2];
	[bflag:$0x3] =	sbarrier.arrive $0xFFFF;
	s2 =	simm.s32 @!p0 $0x1C05  }
0xa5: {  	[timem:s3], [sflag:s2] =	dma.local @!p0 [hbm:s0], s1  }
0xa6: {  	s0 =	simm.s32 @!p0 $0x5  }
0xa7: {  	_ =	swait.ge @!p0 [sflag:s0], s1  }
0xa8: {  	s1 =	ssub.s32 @!p0 $0x0, s1;
	[sflag:s0] =	ssyncset.done @!p0 $0x0  }
0xa9: {  	[sflag:s0] =	ssyncadd.s32 @!p0 s1  }
0xaa: {  	[bflag:$0x3] =	sbarrier.arrive $0xFFFF  }
0xab: {  	_ =	shalt  }

// kernel: kernel.16.cloned.1.call-start
scs
__scs_entry_jumppad:
0x0: {  	(pc) =	sbr.rel $0x88, $3  }
0x1: {  	(tag) =	ssettag $0x0;
	lr =	simm.s32 $0x1  }
0x2: {  	[smem:$0x3F94] =	sst lr;
	_ =	strace $0xD0000000  }
0x3: {  	_ = 	snop  }
0x4: {  	_ = 	snop  }
0x5: {  	_ = 	snop  }
0x6: {  	_ = 	snop  }
0x7: {  	_ = 	snop  }
__scs_overlays_trampoline_lowered:
0x8: {  	[smem:$0x3FA3] =	sst s0  }
0x9: {  	[smem:$0x3FA4] =	sst s1  }
0xa: {  	[smem:$0x3FA5] =	sst s2  }
0xb: {  	[smem:$0x3FA6] =	sst s3  }
0xc: {  	[smem:$0x3FA7] =	sst s4  }
0xd: {  	[smem:$0x3FA8] =	sst s5  }
0xe: {  	[smem:$0x3FA9] =	sst s6  }
0xf: {  	[smem:$0x3FAA] =	sst s7  }
0x10: {  	[smem:$0x3FAB] =	sst s8  }
0x11: {  	[smem:$0x3FAC] =	sst s9;
	s0 =	simm.s32 @!p0 $0x0  }
0x12: {  	s1 =	sld [smem:$0x3F92];
	s0 =	simm.s32 @p0 $0x1  }
0x13: {  	[smem:$0x3FAD] =	sst s0;
	s0 =	simm.s32 @!p1 $0x0  }
0x14: {  	s2 =	sld [smem:$0x3F91];
	s0 =	simm.s32 @p1 $0x1  }
0x15: {  	[smem:$0x3FAE] =	sst s0;
	s0 =	simm.s32 @!p2 $0x0  }
0x16: {  	s3 =	sld [smem:$0x3FDB];
	s0 =	simm.s32 @p2 $0x1  }
0x17: {  	s4 =	simm.s32 $0x1BF5;
	[smem:$0x3FB0] =	sst s0  }
0x18: {  	s0 =	sld [smem:$0x3F93];
	_ =	swait.ge [sflag:s4], $0x0  }
0x19: {  	s7 =	sld [smem:$0x3F94]  }
0x1a: {  	s8 =	sadd.s32 $0xFFFFE003, lr  }
0x1b: {  	s9 =	sadd.s32 $0xFFFFFEF7, lr;
	s5 =	simm.s32 $0xFFFFFFFF;
	p2 =	slt.u32 s8, $0xFFFFF086  }
0x1c: {  	p1 =	slt.u32 s9, $0xF7A;
	s5 =	simm.s32 @!p2 $0x0  }
0x1d: {  	s5 =	simm.s32 @p1 $0x1;
	p0 =	seq.s32 s7, s2  }
0x1e: {  	s7 =	smul.u32 @!p0 $0xF7A, s2;
	p2 =	seq.s32 @!p0 s5, $0x0  }
0x1f: {  	s9 =	smul.u32 $0xF7A, s1;
	s8 =	simm.s32 @!p0 $0x1BF5;
	p2 =	por !p2, p0  }
0x20: {  	[sflag:s8] =	ssyncset.s32 @!p0 $0xFFFFF086;
	s6 =	sadd.s32 @!p0 s3, s7;
	s7 =	simm.s32 @!p0 $0x108  }
0x21: {  	s3 =	sadd.s32 s3, s9;
	s6 =	sadd.s32 @!p0 $0x88, s6;
	s7 =	simm.s32 @p2 $0x1082  }
0x22: {  	[simem:s7], [sflag:s8] =	dma.local @!p0 [hbm:s6], $0xF7A  }
0x23: {  	s9 =	sor.u32 $0xD0000000, s2;
	s6 =	simm.s32 $0x108;
	_ =	swait.ge @!p0 [sflag:s8], $0x0  }
0x24: {  	s3 =	sadd.s32 $0x88, s3;
	s6 =	simm.s32 @!p1 $0x1082;
	[sflag:s4] =	ssyncset.s32 $0xFFFFF086  }
0x25: {  	[simem:s6], [sflag:s4] =	dma.local [hbm:s3], $0xF7A  }
0x26: {  	[smem:$0x3F94] =	sst s1;
	(tag) =	ssettag s2;
	_ =	strace s9  }
0x27: {  	s1 =	sld [smem:$0x3FA4]  }
0x28: {  	s2 =	sld [smem:$0x3FA5]  }
0x29: {  	s4 =	sld [smem:$0x3FA7]  }
0x2a: {  	p0 =	seq.s32 s5, $0x0;
	s5 =	sld [smem:$0x3FA8]  }
0x2b: {  	s6 =	sld [smem:$0x3FA9]  }
0x2c: {  	s7 =	sld [smem:$0x3FAA]  }
0x2d: {  	s3 =	simm.s32 $0x108;
	s8 =	sld [smem:$0x3FAB]  }
0x2e: {  	s3 =	simm.s32 @!p0 $0x1082;
	s9 =	sld [smem:$0x3FAC]  }
0x2f: {  	lr =	sadd.s32 s0, s3;
	s0 =	sld [smem:$0x3FA3]  }
0x30: {  	s3 =	sld [smem:$0x3FA6]  }
0x31: {  	[smem:$0x3FAF] =	sst s10  }
0x32: {  	s10 =	sld [smem:$0x3FAD];
	_ =	sdelay $0x3  }
0x33: {  	p0 =	seq.s32 s10, $0x1;
	s10 =	sld [smem:$0x3FAF];
	_ =	sdelay $0x3  }
0x34: {  	[smem:$0x3FAF] =	sst s10  }
0x35: {  	s10 =	sld [smem:$0x3FAE];
	_ =	sdelay $0x3  }
0x36: {  	p1 =	seq.s32 s10, $0x1;
	s10 =	sld [smem:$0x3FAF];
	_ =	sdelay $0x3  }
0x37: {  	[smem:$0x3FAF] =	sst s10  }
0x38: {  	s10 =	sld [smem:$0x3FB0]  }
0x39: {  	_ = 	snop;
	(pc) =	sbr.ind lr, $3  }
0x3a: {  	_ = 	snop  }
0x3b: {  	_ = 	snop  }
0x3c: {  	p2 =	seq.s32 s10, $0x1;
	s10 =	sld [smem:$0x3FAF]  }
0x3d: {  	_ =	shalt  }
0x3e: {  	_ =	shalt  }
0x3f: {  	_ =	shalt  }
0x40: {  	_ =	shalt  }
0x41: {  	_ =	shalt  }
0x42: {  	_ =	shalt  }
0x43: {  	_ =	shalt  }
0x44: {  	_ =	shalt  }
0x45: {  	_ =	shalt  }
0x46: {  	_ =	shalt  }
0x47: {  	_ =	shalt  }
0x48: {  	_ =	shalt  }
0x49: {  	_ =	shalt  }
0x4a: {  	_ =	shalt  }
0x4b: {  	_ =	shalt  }
0x4c: {  	_ =	shalt  }
0x4d: {  	_ =	shalt  }
0x4e: {  	_ =	shalt  }
0x4f: {  	_ =	shalt  }
0x50: {  	_ =	shalt  }
0x51: {  	_ =	shalt  }
0x52: {  	_ =	shalt  }
0x53: {  	_ =	shalt  }
0x54: {  	_ =	shalt  }
0x55: {  	_ =	shalt  }
0x56: {  	_ =	shalt  }
0x57: {  	_ =	shalt  }
0x58: {  	_ =	shalt  }
0x59: {  	_ =	shalt  }
0x5a: {  	_ =	shalt  }
0x5b: {  	_ =	shalt  }
0x5c: {  	_ =	shalt  }
0x5d: {  	_ =	shalt  }
0x5e: {  	_ =	shalt  }
0x5f: {  	_ =	shalt  }
0x60: {  	_ =	shalt  }
0x61: {  	_ =	shalt  }
0x62: {  	_ =	shalt  }
0x63: {  	_ =	shalt  }
0x64: {  	_ =	shalt  }
0x65: {  	_ =	shalt  }
0x66: {  	_ =	shalt  }
0x67: {  	_ =	shalt  }
0x68: {  	_ =	shalt  }
0x69: {  	_ =	shalt  }
0x6a: {  	_ =	shalt  }
0x6b: {  	_ =	shalt  }
0x6c: {  	_ =	shalt  }
0x6d: {  	_ =	shalt  }
0x6e: {  	_ =	shalt  }
0x6f: {  	_ =	shalt  }
0x70: {  	_ =	shalt  }
0x71: {  	_ =	shalt  }
0x72: {  	_ =	shalt  }
0x73: {  	_ =	shalt  }
0x74: {  	_ =	shalt  }
0x75: {  	_ =	shalt  }
0x76: {  	_ =	shalt  }
0x77: {  	_ =	shalt  }
0x78: {  	_ =	shalt  }
0x79: {  	_ =	shalt  }
0x7a: {  	_ =	shalt  }
0x7b: {  	_ =	shalt  }
0x7c: {  	_ =	shalt  }
0x7d: {  	_ =	shalt  }
0x7e: {  	_ =	shalt  }
0x7f: {  	_ =	shalt  }
0x80: {  	_ =	shalt  }
0x81: {  	_ =	shalt  }
0x82: {  	_ =	shalt  }
0x83: {  	_ =	shalt  }
0x84: {  	_ =	shalt  }
0x85: {  	_ =	shalt  }
0x86: {  	_ =	shalt  }
0x87: {  	_ =	shalt  }
.Lfunc_end0:
.L_simem_size_0:
called_computation.2_lowered:
.L_overlay_start_0:
0x88: {  	s2 =	sld [smem:$0x3FD9]  }
0x89: {  	s3 =	sld [smem:$0x3FFE];
	_ =	sdelay $0x1  }
0x8a: {  	s1 =	srdreg.scid  }
0x8b: {  	s0 =	sand.u32 $0x1, s1  }
0x8c: {  	s17 =	sshll.u32 s0, $0xA;
	s2 =	sadd.s32 s3, s2  }
0x8d: {  	s2 =	sadd.s32 s2, s17  }
0x8e: {  	[smem:$0x3FBB] =	sst s2  }
0x8f: {  	_ = 	snop  }
0x90: {  	s2 =	sld [smem:$0x3FD0];
	(tm) =	ssettm $0x1  }
0x91: {  	s18 =	sld [smem:$0x3FFB];
	_ =	sdelay $0x3  }
0x92: {  	_ =	strace s18  }
0x93: {  	s3 =	sld [smem:$0x3FFC];
	_ =	sdelay $0x3  }
0x94: {  	_ =	strace s3  }
0x95: {  	s3 =	sld [smem:$0x3FFD];
	_ =	sdelay $0x3  }
0x96: {  	_ =	strace s3  }
0x97: {  	_ =	strace $0x8FFFFFFF  }
0x98: {  	s19 =	sld [smem:$0x3FDB];
	_ =	sdelay $0x1  }
0x99: {  	s4 =	simm.s32 $_scs_section_size  }
0x9a: {  	s5 =	simm.s32 $_size__tile_overlayer_lowered;
	s6 =	simm.s32 $_tile_overlayer_lowered  }
0x9b: {  	s22 =	simm.s32 $0x1BFF;
	s21 =	sshll.u32 s6, $0x1;
	s3 =	sadd.s32 s4, s19  }
0x9c: {  	s7 =	simm.s32 $0x0;
	s20 =	sshll.u32 s5, $0x1;
	s5 =	sadd.s32 s21, s3  }
0x9d: {  	[timem:s7], [sflag:s22] =	dma.local [hbm:s5], s20  }
0x9e: {  	_ =	swait.ge [sflag:s22], s20  }
0x9f: {  	s4 =	ssub.s32 $0x0, s20;
	[sflag:s22] =	ssyncset.done $0x0  }
0xa0: {  	[sflag:s22] =	ssyncadd.s32 s4;
	_ =	sdelay $0x1  }
0xa1: {  	s23 =	simm.s32 $0x1B8B  }
0xa2: {  	_ =	swait.ge [sflag:s23], $0x1  }
0xa3: {  	[sflag:s23] =	ssyncset.done $0x0  }
0xa4: {  	s25 =	simm.s32 $0x1B8E;
	s24 =	sld [smem:$0x3FFE];
	[sflag:s23] =	ssyncadd.s32 $0xFFFFFFFF  }
0xa5: {  	s26 =	simm.s32 $execute0_lowered;
	[smem:$0x3FD2] =	sst s25  }
0xa6: {  	s5 =	sshll.u32 s26, $0x1;
	_ =	strace $0x8000004C;
	[dreg:$0x1] =	wrdreg $0xFFFFFFFF  }
0xa7: {  	s28 =	simm.s32 $_size_execute0_lowered;
	s3 =	sadd.s32 s3, s5;
	[dreg:$0x0] =	wrdreg $0x0  }
0xa8: {  	s5 =	sshll.u32 s28, $0x1;
	[dreg:$0x2] =	wrdreg s3  }
0xa9: {  	[dreg:$0x3] =	wrdreg s5  }
0xaa: {  	[dreg:$0x4] =	wrdreg $0xC0  }
0xab: {  	_ =	task [dreg:s7], $0x5FFFF  }
0xac: {  	[dreg:$0x1] =	wrdreg $0xFFFFFFFF  }
0xad: {  	[dreg:$0x0] =	wrdreg $0x60  }
0xae: {  	[dreg:$0x2] =	wrdreg s2  }
0xaf: {  	[dreg:$0x3] =	wrdreg s24  }
0xb0: {  	[dreg:$0x4] =	wrdreg $0x84000  }
0xb1: {  	[dreg:$0x5] =	wrdreg $0x9  }
0xb2: {  	_ =	task.clear_ibuf [dreg:s7], $0x6FFFF;
	_ =	strace $0x9000004C  }
0xb3: {  	s29 =	simm.s32 $0x9;
	_ =	strace $0x8000004E  }
0xb4: {  	_ =	swait.ge [sflag:s29], $0x1  }
0xb5: {  	[sflag:s29] =	ssyncadd.s32 $0xFFFFFFFF  }
0xb6: {  	_ =	strace $0x9000004E  }
0xb7: {  	_ =	sfence  }
0xb8: {  	s30 =	sld [smem:$0x0];
	_ =	sdelay $0x2  }
0xb9: {  	s31 =	sshll.u32 s1, $0xD;
	s1 =	sshrl.u32 s1, $0x2  }
0xba: {  	s3 =	sand.u32 $0x4000, s31;
	s1 =	sadd.s32 s1, s30  }
0xbb: {  	s0 =	sor.u32 s3, s0;
	s1 =	sshll.u32 s1, $0x11  }
0xbc: {  	s0 =	sor.u32 s1, s0  }
0xbd: {  	s0 =	sadd.s32 $0x8F2B, s0  }
0xbe: {  	[sflag:s0] =	ssyncadd.remote.s32 $0x1  }
0xbf: {  	_ =	sfence.sel $0xFFFF  }
0xc0: {  	[dreg:$0x0] =	wrdreg $0xFFFFFFFF;
	(pc) =	sbr.abs _section_cstart, $3  }
0xc1: {  	[dreg:$0x1] =	wrdreg $0xFFFFFFFF  }
0xc2: {  	_ =	task.clear_ibuf [dreg:s7], $0x2FFFF;
	_ =	strace $0x9FFFFFFF  }
0xc3: {  	(tm) =	ssettm $0x7FFFFFFF  }
tec
execute0_lowered:
.L_overlay_start_1:
0x0: {  	(tag) =	ssettag $0x1  }
0x1: {  	s2 =	rddreg [dreg:$0x0]  }
0x2: {  	s0 =	rddreg [dreg:$0x1]  }
0x3: {  	s3 =	rddreg [dreg:$0x2]  }
0x4: {  	s1 =	stileid.u32;
	s5 =	srdreg.scid;
	s4 =	simm.s32 $0x0  }
0x5: {  	s14 =	simm.s32 $0x200;
	s15 =	simm.s32 $0x80;
	s16 =	simm.s32 $0x400  }
0x6: {  	s17 =	simm.s32 $0x4400;
	s18 =	simm.s32 $0x1;
	s19 =	simm.s32 $0x3  }
0x7: {  	s20 =	simm.s32 $0x100;
	s21 =	simm.s32 $0x2;
	s22 =	simm.s32 $0x280  }
0x8: {  	s23 =	simm.s32 $0x4;
	s28 =	simm.s32 $0x0;
	s7 =	smul.u32 $0x13C00, s1  }
0x9: {  	s8 =	sand.u32 $0x1, s5;
	[smem:$0x7FF] =	sst s4;
	s5 =	sadd.s32 $0x3E00, s0  }
0xa: {  	s6 =	sadd.s32 $0xDE00, s0;
	s11 =	smul.u32 $0x4F000, s1;
	s31 =	sshll.u32 s1, $0x6  }
0xb: {  	s9 =	smul.u32 $0x13C000, s8;
	_ =	strace $0x8000004D;
	s24 =	ssub.s32 $0x2, s8  }
0xc: {  	s26 =	sshll.u32 s8, $0x4;
	s8 =	sor.u32 $0x1C05, s31;
	s10 =	sshrl.u32 s7, $0x3  }
0xd: {  	s25 =	sshrl.u32 s24, $0x1;
	s29 =	sshrl.u32 s11, $0x2;
	s30 =	sor.u32 s1, s26  }
0xe: {  	s26 =	simm.s32 $0x380;
	s7 =	sadd.s32 s7, s9;
	s10 =	sadd.s32 s10, s0  }
0xf: {  	s12 =	ssub.s32 s24, s25;
	s13 =	sadd.s32 s29, s3;
	s9 =	smul.u32 $0x2800, s30  }
0x10: {  	s24 =	simm.s32 $0x180;
	s25 =	simm.s32 $0x300;
	s7 =	sshrl.u32 s7, $0x3  }
0x11: {  	s11 =	smax.u32 s12, $0x1;
	s12 =	sshrl.u32 s13, $0x3;
	s0 =	sadd.s32 s7, s0  }
0x12: {  	s13 =	simm.s32 $0x5;
	s7 =	sadd.s32 $0x3F000, s10;
	s10 =	sadd.s32 $0x12BA00, s0  }
.LBB2_1:
0x13: {  	[spmem:s12], [sflag:s8] =	dma.local [hbm:s7], $0x2780  }
0x14: {  	s0 =	sand.u32 $0x3C00, s4  }
0x15: {  	s29 =	sand.u32 $0x200, s4;
	_ =	swait.ge [sflag:s13], $0x2780;
	s0 =	sadd.s32 s9, s0  }
0x16: {  	[sflag:s13] =	ssyncset.done $0x0;
	s0 =	sor.u32 s29, s0  }
0x17: {  	[sflag:s13] =	ssyncadd.s32 $0xFFFFD880;
	s0 =	sshrl.u32 s0, $0x3  }
0x18: {  	[bflag:$0x0] =	sbarrier.arrive $0xFFFF;
	s29 =	sadd.s32 s5, s0  }
0x19: {  	[tilespmem:s4], [sflag:$0x5] =	stream.linear.gather [hbm4b:s29+s4], $0x200, $0x38;
	[tilespmem:$0x1C000] =	vst v63  }
0x1a: {  	_ =	swait.ge [sflag:s13], $0x200  }
0x1b: {  	[sflag:s13] =	ssyncset.done $0x0  }
0x1c: {  	s0 =	sadd.s32 s6, s0;
	[sflag:s13] =	ssyncadd.s32 $0xFFFFFE00  }
0x1d: {  	[tilespmem:s14], [sflag:$0x5] =	stream.linear.gather [hbm4b:s0+s4], $0x200, $0x38;
	[tilespmem:$0x1C000] =	vst v63  }
0x1e: {  	_ =	swait.ge [sflag:s13], $0x200  }
0x1f: {  	[sflag:s13] =	ssyncset.done $0x0  }
0x20: {  	[sflag:s13] =	ssyncadd.s32 $0xFFFFFE00  }
0x21: {  	[tilespmem:s16], [sflag:$0x1] =	stream.indirect.gather [hbm4b:s2+s15], $0x80, s4, s15, $0xb8;
	[tilespmem:$0x1C000] =	vst v63  }
0x22: {  	_ = 	snop  }
0x23: {  	[tilespmem:s17], [sflag:$0x2] =	stream.indirect.gather [hbm4b:s2+s15], $0x80, s15, s15, $0xb8;
	[tilespmem:$0x1C000] =	vst v63  }
0x24: {  	_ =	swait.ge [sflag:s18], $0x4000  }
0x25: {  	[sflag:s18] =	ssyncset.done $0x0  }
0x26: {  	[sflag:s18] =	ssyncadd.s32 $0xFFFFC000  }
0x27: {  	[spmem:s3] =	stream.indirect.scatter.add.f32 [tilespmem:s16], [sflag:$0x3], $0x80, s14, s15, $0xb8;
	[tilespmem:$0x1C000] =	vst v63  }
0x28: {  	_ =	swait.ge [sflag:s19], $0x4000  }
0x29: {  	[sflag:s19] =	ssyncset.done $0x0  }
0x2a: {  	[sflag:s19] =	ssyncadd.s32 $0xFFFFC000  }
0x2b: {  	[tilespmem:s16], [sflag:$0x1] =	stream.indirect.gather [hbm4b:s2+s15], $0x80, s20, s15, $0xb8;
	[tilespmem:$0x1C000] =	vst v63  }
0x2c: {  	_ =	swait.ge [sflag:s21], $0x4000  }
0x2d: {  	[sflag:s21] =	ssyncset.done $0x0  }
0x2e: {  	[sflag:s21] =	ssyncadd.s32 $0xFFFFC000  }
0x2f: {  	[spmem:s3] =	stream.indirect.scatter.add.f32 [tilespmem:s17], [sflag:$0x4], $0x80, s22, s15, $0xb8;
	[tilespmem:$0x1C000] =	vst v63  }
0x30: {  	_ =	swait.ge [sflag:s23], $0x4000  }
0x31: {  	[sflag:s23] =	ssyncset.done $0x0  }
0x32: {  	[sflag:s23] =	ssyncadd.s32 $0xFFFFC000  }
0x33: {  	[tilespmem:s17], [sflag:$0x2] =	stream.indirect.gather [hbm4b:s2+s15], $0x80, s24, s15, $0xb8;
	[tilespmem:$0x1C000] =	vst v63  }
0x34: {  	_ =	swait.ge [sflag:s18], $0x4000  }
0x35: {  	[sflag:s18] =	ssyncset.done $0x0  }
0x36: {  	[sflag:s18] =	ssyncadd.s32 $0xFFFFC000  }
0x37: {  	[spmem:s3] =	stream.indirect.scatter.add.f32 [tilespmem:s16], [sflag:$0x3], $0x80, s25, s15, $0xb8;
	[tilespmem:$0x1C000] =	vst v63  }
0x38: {  	_ =	swait.ge [sflag:s21], $0x4000  }
0x39: {  	[sflag:s21] =	ssyncset.done $0x0  }
0x3a: {  	[sflag:s21] =	ssyncadd.s32 $0xFFFFC000  }
0x3b: {  	[spmem:s3] =	stream.indirect.scatter.add.f32 [tilespmem:s17], [sflag:$0x4], $0x80, s26, s15, $0xb8;
	[tilespmem:$0x1C000] =	vst v63  }
0x3c: {  	s30 =	simm.s32 $0x200;
	_ =	swait.ge [sflag:s19], $0x4000  }
0x3d: {  	s29 =	sand.u32 $0x3C00, s30;
	[sflag:s19] =	ssyncset.done $0x0  }
0x3e: {  	s29 =	sadd.s32 s9, s29;
	s0 =	sand.u32 $0x200, s30;
	[sflag:s19] =	ssyncadd.s32 $0xFFFFC000  }
0x3f: {  	s0 =	sor.u32 s0, s29;
	_ =	swait.ge [sflag:s23], $0x4000  }
0x40: {  	s29 =	simm.s32 $0x400;
	s31 =	sshrl.u32 s0, $0x3;
	[sflag:s23] =	ssyncset.done $0x0  }
.LBB2_2:
0x41: {  	s1 =	sadd.s32 s5, s31  }
0x42: {  	[sflag:s23] =	ssyncadd.s32 $0xFFFFC000;
	s30 =	smov.u32 s29;
	s0 =	sadd.s32 $0x200, s29  }
0x43: {  	[tilespmem:s4], [sflag:$0x5] =	stream.linear.gather [hbm4b:s1+s4], $0x200, $0x38;
	[tilespmem:$0x1C000] =	vst v63  }
0x44: {  	p0 =	sne.s32 s29, $0x2600;
	_ =	swait.ge [sflag:s13], $0x200  }
0x45: {  	[sflag:s13] =	ssyncset.done $0x0  }
0x46: {  	s1 =	sadd.s32 s6, s31;
	[sflag:s13] =	ssyncadd.s32 $0xFFFFFE00  }
0x47: {  	[tilespmem:s14], [sflag:$0x5] =	stream.linear.gather [hbm4b:s1+s4], $0x200, $0x38;
	[tilespmem:$0x1C000] =	vst v63  }
0x48: {  	_ =	swait.ge [sflag:s13], $0x200  }
0x49: {  	[sflag:s13] =	ssyncset.done $0x0  }
0x4a: {  	[sflag:s13] =	ssyncadd.s32 $0xFFFFFE00  }
0x4b: {  	[tilespmem:s16], [sflag:$0x1] =	stream.indirect.gather [hbm4b:s2+s15], $0x80, s4, s15, $0xb8;
	[tilespmem:$0x1C000] =	vst v63  }
0x4c: {  	_ = 	snop  }
0x4d: {  	[tilespmem:s17], [sflag:$0x2] =	stream.indirect.gather [hbm4b:s2+s15], $0x80, s15, s15, $0xb8;
	[tilespmem:$0x1C000] =	vst v63  }
0x4e: {  	_ =	swait.ge [sflag:s18], $0x4000  }
0x4f: {  	[sflag:s18] =	ssyncset.done $0x0  }
0x50: {  	[sflag:s18] =	ssyncadd.s32 $0xFFFFC000  }
0x51: {  	[spmem:s3] =	stream.indirect.scatter.add.f32 [tilespmem:s16], [sflag:$0x3], $0x80, s14, s15, $0xb8;
	[tilespmem:$0x1C000] =	vst v63  }
0x52: {  	_ =	swait.ge [sflag:s19], $0x4000  }
0x53: {  	[sflag:s19] =	ssyncset.done $0x0  }
0x54: {  	[sflag:s19] =	ssyncadd.s32 $0xFFFFC000  }
0x55: {  	[tilespmem:s16], [sflag:$0x1] =	stream.indirect.gather [hbm4b:s2+s15], $0x80, s20, s15, $0xb8;
	[tilespmem:$0x1C000] =	vst v63  }
0x56: {  	_ =	swait.ge [sflag:s21], $0x4000  }
0x57: {  	[sflag:s21] =	ssyncset.done $0x0  }
0x58: {  	[sflag:s21] =	ssyncadd.s32 $0xFFFFC000  }
0x59: {  	[spmem:s3] =	stream.indirect.scatter.add.f32 [tilespmem:s17], [sflag:$0x4], $0x80, s22, s15, $0xb8;
	[tilespmem:$0x1C000] =	vst v63  }
0x5a: {  	_ =	swait.ge [sflag:s23], $0x4000  }
0x5b: {  	[sflag:s23] =	ssyncset.done $0x0  }
0x5c: {  	[sflag:s23] =	ssyncadd.s32 $0xFFFFC000  }
0x5d: {  	[tilespmem:s17], [sflag:$0x2] =	stream.indirect.gather [hbm4b:s2+s15], $0x80, s24, s15, $0xb8;
	[tilespmem:$0x1C000] =	vst v63  }
0x5e: {  	_ =	swait.ge [sflag:s18], $0x4000  }
0x5f: {  	[sflag:s18] =	ssyncset.done $0x0  }
0x60: {  	[sflag:s18] =	ssyncadd.s32 $0xFFFFC000  }
0x61: {  	[spmem:s3] =	stream.indirect.scatter.add.f32 [tilespmem:s16], [sflag:$0x3], $0x80, s25, s15, $0xb8;
	[tilespmem:$0x1C000] =	vst v63  }
0x62: {  	_ =	swait.ge [sflag:s21], $0x4000  }
0x63: {  	[sflag:s21] =	ssyncset.done $0x0  }
0x64: {  	[sflag:s21] =	ssyncadd.s32 $0xFFFFC000  }
0x65: {  	[spmem:s3] =	stream.indirect.scatter.add.f32 [tilespmem:s17], [sflag:$0x4], $0x80, s26, s15, $0xb8;
	[tilespmem:$0x1C000] =	vst v63  }
.Ltmp0:
0x66: {  	_ =	swait.ge [sflag:s19], $0x4000;
	(pc) =	sbr.rel @p0 .LBB2_2-.Ltmp0, $4  }
0x67: {  	s1 =	sand.u32 $0x3C00, s30;
	[sflag:s19] =	ssyncset.done $0x0  }
0x68: {  	s29 =	sand.u32 $0x200, s30;
	s1 =	sadd.s32 s9, s1;
	[sflag:s19] =	ssyncadd.s32 $0xFFFFC000  }
0x69: {  	s1 =	sor.u32 s29, s1;
	_ =	swait.ge [sflag:s23], $0x4000  }
0x6a: {  	s29 =	smov.u32 s0;
	s31 =	sshrl.u32 s1, $0x3;
	[sflag:s23] =	ssyncset.done $0x0  }
0x6b: {  	s0 =	sadd.s32 s5, s31;
	[sflag:s23] =	ssyncadd.s32 $0xFFFFC000  }
0x6c: {  	[tilespmem:s4], [sflag:$0x5] =	stream.linear.gather [hbm4b:s0+s4], $0x200, $0x38;
	[tilespmem:$0x1C000] =	vst v63  }
0x6d: {  	_ =	swait.ge [sflag:s13], $0x200  }
0x6e: {  	[sflag:s13] =	ssyncset.done $0x0  }
0x6f: {  	s31 =	sadd.s32 s6, s31;
	[sflag:s13] =	ssyncadd.s32 $0xFFFFFE00  }
0x70: {  	[tilespmem:s14], [sflag:$0x5] =	stream.linear.gather [hbm4b:s31+s4], $0x200, $0x38;
	[tilespmem:$0x1C000] =	vst v63  }
0x71: {  	_ =	swait.ge [sflag:s13], $0x200  }
0x72: {  	[sflag:s13] =	ssyncset.done $0x0  }
0x73: {  	[sflag:s13] =	ssyncadd.s32 $0xFFFFFE00  }
0x74: {  	[tilespmem:s16], [sflag:$0x1] =	stream.indirect.gather [hbm4b:s2+s15], $0x80, s4, s15, $0xb8;
	[tilespmem:$0x1C000] =	vst v63  }
0x75: {  	_ = 	snop  }
0x76: {  	[tilespmem:s17], [sflag:$0x2] =	stream.indirect.gather [hbm4b:s2+s15], $0x80, s15, s15, $0xb8;
	[tilespmem:$0x1C000] =	vst v63  }
0x77: {  	_ =	swait.ge [sflag:s18], $0x4000  }
0x78: {  	[sflag:s18] =	ssyncset.done $0x0  }
0x79: {  	[sflag:s18] =	ssyncadd.s32 $0xFFFFC000  }
0x7a: {  	[spmem:s3] =	stream.indirect.scatter.add.f32 [tilespmem:s16], [sflag:$0x3], $0x80, s14, s15, $0xb8;
	[tilespmem:$0x1C000] =	vst v63  }
0x7b: {  	_ =	swait.ge [sflag:s19], $0x4000  }
0x7c: {  	[sflag:s19] =	ssyncset.done $0x0  }
0x7d: {  	[sflag:s19] =	ssyncadd.s32 $0xFFFFC000  }
0x7e: {  	[tilespmem:s16], [sflag:$0x1] =	stream.indirect.gather [hbm4b:s2+s15], $0x80, s20, s15, $0xb8;
	[tilespmem:$0x1C000] =	vst v63  }
0x7f: {  	_ =	swait.ge [sflag:s21], $0x4000  }
0x80: {  	[sflag:s21] =	ssyncset.done $0x0  }
0x81: {  	[sflag:s21] =	ssyncadd.s32 $0xFFFFC000  }
0x82: {  	[spmem:s3] =	stream.indirect.scatter.add.f32 [tilespmem:s17], [sflag:$0x4], $0x80, s22, s15, $0xb8;
	[tilespmem:$0x1C000] =	vst v63  }
0x83: {  	_ =	swait.ge [sflag:s23], $0x4000  }
0x84: {  	[sflag:s23] =	ssyncset.done $0x0  }
0x85: {  	[sflag:s23] =	ssyncadd.s32 $0xFFFFC000  }
0x86: {  	[tilespmem:s17], [sflag:$0x2] =	stream.indirect.gather [hbm4b:s2+s15], $0x80, s24, s15, $0xb8;
	[tilespmem:$0x1C000] =	vst v63  }
0x87: {  	_ =	swait.ge [sflag:s18], $0x4000  }
0x88: {  	[sflag:s18] =	ssyncset.done $0x0  }
0x89: {  	[sflag:s18] =	ssyncadd.s32 $0xFFFFC000  }
0x8a: {  	[spmem:s3] =	stream.indirect.scatter.add.f32 [tilespmem:s16], [sflag:$0x3], $0x80, s25, s15, $0xb8;
	[tilespmem:$0x1C000] =	vst v63  }
0x8b: {  	_ =	swait.ge [sflag:s21], $0x4000  }
0x8c: {  	[sflag:s21] =	ssyncset.done $0x0  }
0x8d: {  	[sflag:s21] =	ssyncadd.s32 $0xFFFFC000  }
0x8e: {  	[spmem:s3] =	stream.indirect.scatter.add.f32 [tilespmem:s17], [sflag:$0x4], $0x80, s26, s15, $0xb8;
	[tilespmem:$0x1C000] =	vst v63  }
0x8f: {  	_ =	swait.ge [sflag:s19], $0x4000  }
0x90: {  	[sflag:s19] =	ssyncset.done $0x0  }
0x91: {  	[sflag:s19] =	ssyncadd.s32 $0xFFFFC000  }
0x92: {  	_ =	swait.ge [sflag:s23], $0x4000  }
0x93: {  	s28 =	sadd.s32 $0x1, s28;
	[sflag:s23] =	ssyncset.done $0x0  }
0x94: {  	p0 =	sne.s32 s28, s11;
	[sflag:s23] =	ssyncadd.s32 $0xFFFFC000  }
.Ltmp1:
0x95: {  	[bflag:$0x0] =	sbarrier.arrive $0xFFFF;
	(pc) =	sbr.rel @p0 .LBB2_1-.Ltmp1, $4  }
0x96: {  	[hbm:s10], [sflag:s8] =	dma.local [spmem:s12], $0x2780  }
0x97: {  	_ =	swait.ge [sflag:s13], $0x2780  }
0x98: {  	[sflag:s13] =	ssyncset.done $0x0  }
0x99: {  	[sflag:s13] =	ssyncadd.s32 $0xFFFFD880  }
0x9a: {  	_ =	sfence.sel $0x180000  }
0x9b: {  	[bflag:$0x0] =	sbarrier.arrive $0xFFFF  }
0x9c: {  	_ =	strace $0x9000004D  }
0x9d: {  	s0 =	stileid.u32;
	[bflag:$0x2] =	sbarrier.arrive $0xFFFF  }
0x9e: {  	p0 =	sne.s32 s0, $0x0;
	s0 =	rddreg [dreg:$0x3]  }
0x9f: {  	s0 =	sadd.s32 @!p0 $0x100000, s0  }
0xa0: {  	[sflag:s0] =	ssyncadd.tile.s32 @!p0 $0x1;
	_ =	shalt  }
.Lfunc_end2:
_tile_overlayer_lowered:
.L_overlay_start_2:
0xa1: {  	(tag) =	ssettag $0x2  }
0xa2: {  	s0 =	rddreg [dreg:$0x0];
	s2 =	stileid.u32  }
0xa3: {  	s1 =	rddreg [dreg:$0x1];
	p0 =	sne.s32 s2, $0x0  }
0xa4: {  	s3 =	rddreg [dreg:$0x2];
	[bflag:$0x3] =	sbarrier.arrive $0xFFFF;
	s2 =	simm.s32 @!p0 $0x1C05  }
0xa5: {  	[timem:s3], [sflag:s2] =	dma.local @!p0 [hbm:s0], s1  }
0xa6: {  	s0 =	simm.s32 @!p0 $0x5  }
0xa7: {  	_ =	swait.ge @!p0 [sflag:s0], s1  }
0xa8: {  	s1 =	ssub.s32 @!p0 $0x0, s1;
	[sflag:s0] =	ssyncset.done @!p0 $0x0  }
0xa9: {  	[sflag:s0] =	ssyncadd.s32 @!p0 s1  }
0xaa: {  	[bflag:$0x3] =	sbarrier.arrive $0xFFFF  }
0xab: {  	_ =	shalt  }

// kernel: kernel.19.cloned.1.call-start
scs
__scs_entry_jumppad:
0x0: {  	(pc) =	sbr.rel $0x88, $3  }
0x1: {  	(tag) =	ssettag $0x0;
	lr =	simm.s32 $0x1  }
0x2: {  	[smem:$0x3F94] =	sst lr;
	_ =	strace $0xD0000000  }
0x3: {  	_ = 	snop  }
0x4: {  	_ = 	snop  }
0x5: {  	_ = 	snop  }
0x6: {  	_ = 	snop  }
0x7: {  	_ = 	snop  }
__scs_overlays_trampoline_lowered:
0x8: {  	[smem:$0x3FA3] =	sst s0  }
0x9: {  	[smem:$0x3FA4] =	sst s1  }
0xa: {  	[smem:$0x3FA5] =	sst s2  }
0xb: {  	[smem:$0x3FA6] =	sst s3  }
0xc: {  	[smem:$0x3FA7] =	sst s4  }
0xd: {  	[smem:$0x3FA8] =	sst s5  }
0xe: {  	[smem:$0x3FA9] =	sst s6  }
0xf: {  	[smem:$0x3FAA] =	sst s7  }
0x10: {  	[smem:$0x3FAB] =	sst s8  }
0x11: {  	[smem:$0x3FAC] =	sst s9;
	s0 =	simm.s32 @!p0 $0x0  }
0x12: {  	s1 =	sld [smem:$0x3F92];
	s0 =	simm.s32 @p0 $0x1  }
0x13: {  	[smem:$0x3FAD] =	sst s0;
	s0 =	simm.s32 @!p1 $0x0  }
0x14: {  	s2 =	sld [smem:$0x3F91];
	s0 =	simm.s32 @p1 $0x1  }
0x15: {  	[smem:$0x3FAE] =	sst s0;
	s0 =	simm.s32 @!p2 $0x0  }
0x16: {  	s3 =	sld [smem:$0x3FDB];
	s0 =	simm.s32 @p2 $0x1  }
0x17: {  	s4 =	simm.s32 $0x1BF5;
	[smem:$0x3FB0] =	sst s0  }
0x18: {  	s0 =	sld [smem:$0x3F93];
	_ =	swait.ge [sflag:s4], $0x0  }
0x19: {  	s7 =	sld [smem:$0x3F94]  }
0x1a: {  	s8 =	sadd.s32 $0xFFFFE003, lr  }
0x1b: {  	s9 =	sadd.s32 $0xFFFFFEF7, lr;
	s5 =	simm.s32 $0xFFFFFFFF;
	p2 =	slt.u32 s8, $0xFFFFF086  }
0x1c: {  	p1 =	slt.u32 s9, $0xF7A;
	s5 =	simm.s32 @!p2 $0x0  }
0x1d: {  	s5 =	simm.s32 @p1 $0x1;
	p0 =	seq.s32 s7, s2  }
0x1e: {  	s7 =	smul.u32 @!p0 $0xF7A, s2;
	p2 =	seq.s32 @!p0 s5, $0x0  }
0x1f: {  	s9 =	smul.u32 $0xF7A, s1;
	s8 =	simm.s32 @!p0 $0x1BF5;
	p2 =	por !p2, p0  }
0x20: {  	[sflag:s8] =	ssyncset.s32 @!p0 $0xFFFFF086;
	s6 =	sadd.s32 @!p0 s3, s7;
	s7 =	simm.s32 @!p0 $0x108  }
0x21: {  	s3 =	sadd.s32 s3, s9;
	s6 =	sadd.s32 @!p0 $0x88, s6;
	s7 =	simm.s32 @p2 $0x1082  }
0x22: {  	[simem:s7], [sflag:s8] =	dma.local @!p0 [hbm:s6], $0xF7A  }
0x23: {  	s9 =	sor.u32 $0xD0000000, s2;
	s6 =	simm.s32 $0x108;
	_ =	swait.ge @!p0 [sflag:s8], $0x0  }
0x24: {  	s3 =	sadd.s32 $0x88, s3;
	s6 =	simm.s32 @!p1 $0x1082;
	[sflag:s4] =	ssyncset.s32 $0xFFFFF086  }
0x25: {  	[simem:s6], [sflag:s4] =	dma.local [hbm:s3], $0xF7A  }
0x26: {  	[smem:$0x3F94] =	sst s1;
	(tag) =	ssettag s2;
	_ =	strace s9  }
0x27: {  	s1 =	sld [smem:$0x3FA4]  }
0x28: {  	s2 =	sld [smem:$0x3FA5]  }
0x29: {  	s4 =	sld [smem:$0x3FA7]  }
0x2a: {  	p0 =	seq.s32 s5, $0x0;
	s5 =	sld [smem:$0x3FA8]  }
0x2b: {  	s6 =	sld [smem:$0x3FA9]  }
0x2c: {  	s7 =	sld [smem:$0x3FAA]  }
0x2d: {  	s3 =	simm.s32 $0x108;
	s8 =	sld [smem:$0x3FAB]  }
0x2e: {  	s3 =	simm.s32 @!p0 $0x1082;
	s9 =	sld [smem:$0x3FAC]  }
0x2f: {  	lr =	sadd.s32 s0, s3;
	s0 =	sld [smem:$0x3FA3]  }
0x30: {  	s3 =	sld [smem:$0x3FA6]  }
0x31: {  	[smem:$0x3FAF] =	sst s10  }
0x32: {  	s10 =	sld [smem:$0x3FAD];
	_ =	sdelay $0x3  }
0x33: {  	p0 =	seq.s32 s10, $0x1;
	s10 =	sld [smem:$0x3FAF];
	_ =	sdelay $0x3  }
0x34: {  	[smem:$0x3FAF] =	sst s10  }
0x35: {  	s10 =	sld [smem:$0x3FAE];
	_ =	sdelay $0x3  }
0x36: {  	p1 =	seq.s32 s10, $0x1;
	s10 =	sld [smem:$0x3FAF];
	_ =	sdelay $0x3  }
0x37: {  	[smem:$0x3FAF] =	sst s10  }
0x38: {  	s10 =	sld [smem:$0x3FB0]  }
0x39: {  	_ = 	snop;
	(pc) =	sbr.ind lr, $3  }
0x3a: {  	_ = 	snop  }
0x3b: {  	_ = 	snop  }
0x3c: {  	p2 =	seq.s32 s10, $0x1;
	s10 =	sld [smem:$0x3FAF]  }
0x3d: {  	_ =	shalt  }
0x3e: {  	_ =	shalt  }
0x3f: {  	_ =	shalt  }
0x40: {  	_ =	shalt  }
0x41: {  	_ =	shalt  }
0x42: {  	_ =	shalt  }
0x43: {  	_ =	shalt  }
0x44: {  	_ =	shalt  }
0x45: {  	_ =	shalt  }
0x46: {  	_ =	shalt  }
0x47: {  	_ =	shalt  }
0x48: {  	_ =	shalt  }
0x49: {  	_ =	shalt  }
0x4a: {  	_ =	shalt  }
0x4b: {  	_ =	shalt  }
0x4c: {  	_ =	shalt  }
0x4d: {  	_ =	shalt  }
0x4e: {  	_ =	shalt  }
0x4f: {  	_ =	shalt  }
0x50: {  	_ =	shalt  }
0x51: {  	_ =	shalt  }
0x52: {  	_ =	shalt  }
0x53: {  	_ =	shalt  }
0x54: {  	_ =	shalt  }
0x55: {  	_ =	shalt  }
0x56: {  	_ =	shalt  }
0x57: {  	_ =	shalt  }
0x58: {  	_ =	shalt  }
0x59: {  	_ =	shalt  }
0x5a: {  	_ =	shalt  }
0x5b: {  	_ =	shalt  }
0x5c: {  	_ =	shalt  }
0x5d: {  	_ =	shalt  }
0x5e: {  	_ =	shalt  }
0x5f: {  	_ =	shalt  }
0x60: {  	_ =	shalt  }
0x61: {  	_ =	shalt  }
0x62: {  	_ =	shalt  }
0x63: {  	_ =	shalt  }
0x64: {  	_ =	shalt  }
0x65: {  	_ =	shalt  }
0x66: {  	_ =	shalt  }
0x67: {  	_ =	shalt  }
0x68: {  	_ =	shalt  }
0x69: {  	_ =	shalt  }
0x6a: {  	_ =	shalt  }
0x6b: {  	_ =	shalt  }
0x6c: {  	_ =	shalt  }
0x6d: {  	_ =	shalt  }
0x6e: {  	_ =	shalt  }
0x6f: {  	_ =	shalt  }
0x70: {  	_ =	shalt  }
0x71: {  	_ =	shalt  }
0x72: {  	_ =	shalt  }
0x73: {  	_ =	shalt  }
0x74: {  	_ =	shalt  }
0x75: {  	_ =	shalt  }
0x76: {  	_ =	shalt  }
0x77: {  	_ =	shalt  }
0x78: {  	_ =	shalt  }
0x79: {  	_ =	shalt  }
0x7a: {  	_ =	shalt  }
0x7b: {  	_ =	shalt  }
0x7c: {  	_ =	shalt  }
0x7d: {  	_ =	shalt  }
0x7e: {  	_ =	shalt  }
0x7f: {  	_ =	shalt  }
0x80: {  	_ =	shalt  }
0x81: {  	_ =	shalt  }
0x82: {  	_ =	shalt  }
0x83: {  	_ =	shalt  }
0x84: {  	_ =	shalt  }
0x85: {  	_ =	shalt  }
0x86: {  	_ =	shalt  }
0x87: {  	_ =	shalt  }
.Lfunc_end0:
.L_simem_size_0:
called_computation.3_lowered:
.L_overlay_start_0:
0x88: {  	s2 =	sld [smem:$0x3FD9]  }
0x89: {  	s3 =	sld [smem:$0x3FFE];
	_ =	sdelay $0x1  }
0x8a: {  	s1 =	srdreg.scid  }
0x8b: {  	s0 =	sand.u32 $0x1, s1  }
0x8c: {  	s17 =	sshll.u32 s0, $0xA;
	s2 =	sadd.s32 s3, s2  }
0x8d: {  	s2 =	sadd.s32 s2, s17  }
0x8e: {  	[smem:$0x3FBB] =	sst s2  }
0x8f: {  	_ = 	snop  }
0x90: {  	s2 =	sld [smem:$0x3FD0];
	(tm) =	ssettm $0x1  }
0x91: {  	s18 =	sld [smem:$0x3FFB];
	_ =	sdelay $0x3  }
0x92: {  	_ =	strace s18  }
0x93: {  	s3 =	sld [smem:$0x3FFC];
	_ =	sdelay $0x3  }
0x94: {  	_ =	strace s3  }
0x95: {  	s3 =	sld [smem:$0x3FFD];
	_ =	sdelay $0x3  }
0x96: {  	_ =	strace s3  }
0x97: {  	_ =	strace $0x8FFFFFFF  }
0x98: {  	s19 =	sld [smem:$0x3FDB];
	_ =	sdelay $0x1  }
0x99: {  	s4 =	simm.s32 $_scs_section_size  }
0x9a: {  	s5 =	simm.s32 $_size__tile_overlayer_lowered;
	s6 =	simm.s32 $_tile_overlayer_lowered  }
0x9b: {  	s22 =	simm.s32 $0x1BFF;
	s21 =	sshll.u32 s6, $0x1;
	s3 =	sadd.s32 s4, s19  }
0x9c: {  	s7 =	simm.s32 $0x0;
	s20 =	sshll.u32 s5, $0x1;
	s5 =	sadd.s32 s21, s3  }
0x9d: {  	[timem:s7], [sflag:s22] =	dma.local [hbm:s5], s20  }
0x9e: {  	_ =	swait.ge [sflag:s22], s20  }
0x9f: {  	s4 =	ssub.s32 $0x0, s20;
	[sflag:s22] =	ssyncset.done $0x0  }
0xa0: {  	[sflag:s22] =	ssyncadd.s32 s4;
	_ =	sdelay $0x1  }
0xa1: {  	s23 =	simm.s32 $0x1B8B  }
0xa2: {  	_ =	swait.ge [sflag:s23], $0x1  }
0xa3: {  	[sflag:s23] =	ssyncset.done $0x0  }
0xa4: {  	s25 =	simm.s32 $0x1B8E;
	s24 =	sld [smem:$0x3FFE];
	[sflag:s23] =	ssyncadd.s32 $0xFFFFFFFF  }
0xa5: {  	s26 =	simm.s32 $execute0_lowered;
	[smem:$0x3FD2] =	sst s25  }
0xa6: {  	s5 =	sshll.u32 s26, $0x1;
	_ =	strace $0x8000004F;
	[dreg:$0x1] =	wrdreg $0xFFFFFFFF  }
0xa7: {  	s28 =	simm.s32 $_size_execute0_lowered;
	s3 =	sadd.s32 s3, s5;
	[dreg:$0x0] =	wrdreg $0x0  }
0xa8: {  	s5 =	sshll.u32 s28, $0x1;
	[dreg:$0x2] =	wrdreg s3  }
0xa9: {  	[dreg:$0x3] =	wrdreg s5  }
0xaa: {  	[dreg:$0x4] =	wrdreg $0xC0  }
0xab: {  	_ =	task [dreg:s7], $0x5FFFF  }
0xac: {  	[dreg:$0x1] =	wrdreg $0xFFFFFFFF  }
0xad: {  	[dreg:$0x0] =	wrdreg $0x60  }
0xae: {  	[dreg:$0x2] =	wrdreg s2  }
0xaf: {  	[dreg:$0x3] =	wrdreg s24  }
0xb0: {  	[dreg:$0x4] =	wrdreg $0x84000  }
0xb1: {  	[dreg:$0x5] =	wrdreg $0x9  }
0xb2: {  	_ =	task.clear_ibuf [dreg:s7], $0x6FFFF;
	_ =	strace $0x9000004F  }
0xb3: {  	s29 =	simm.s32 $0x9;
	_ =	strace $0x80000051  }
0xb4: {  	_ =	swait.ge [sflag:s29], $0x1  }
0xb5: {  	[sflag:s29] =	ssyncadd.s32 $0xFFFFFFFF  }
0xb6: {  	_ =	strace $0x90000051  }
0xb7: {  	_ =	sfence  }
0xb8: {  	s30 =	sld [smem:$0x0];
	_ =	sdelay $0x2  }
0xb9: {  	s31 =	sshll.u32 s1, $0xD;
	s1 =	sshrl.u32 s1, $0x2  }
0xba: {  	s3 =	sand.u32 $0x4000, s31;
	s1 =	sadd.s32 s1, s30  }
0xbb: {  	s0 =	sor.u32 s3, s0;
	s1 =	sshll.u32 s1, $0x11  }
0xbc: {  	s0 =	sor.u32 s1, s0  }
0xbd: {  	s0 =	sadd.s32 $0x8F2B, s0  }
0xbe: {  	[sflag:s0] =	ssyncadd.remote.s32 $0x1  }
0xbf: {  	_ =	sfence.sel $0xFFFF  }
0xc0: {  	[dreg:$0x0] =	wrdreg $0xFFFFFFFF;
	(pc) =	sbr.abs _section_cstart, $3  }
0xc1: {  	[dreg:$0x1] =	wrdreg $0xFFFFFFFF  }
0xc2: {  	_ =	task.clear_ibuf [dreg:s7], $0x2FFFF;
	_ =	strace $0x9FFFFFFF  }
0xc3: {  	(tm) =	ssettm $0x7FFFFFFF  }
tec
execute0_lowered:
.L_overlay_start_1:
0x0: {  	(tag) =	ssettag $0x1  }
0x1: {  	s2 =	rddreg [dreg:$0x0]  }
0x2: {  	s0 =	rddreg [dreg:$0x1]  }
0x3: {  	s3 =	rddreg [dreg:$0x2]  }
0x4: {  	s1 =	stileid.u32;
	s5 =	srdreg.scid;
	s4 =	simm.s32 $0x0  }
0x5: {  	s14 =	simm.s32 $0x200;
	s15 =	simm.s32 $0x80;
	s16 =	simm.s32 $0x400  }
0x6: {  	s17 =	simm.s32 $0x4400;
	s18 =	simm.s32 $0x1;
	s19 =	simm.s32 $0x3  }
0x7: {  	s20 =	simm.s32 $0x100;
	s21 =	simm.s32 $0x2;
	s22 =	simm.s32 $0x280  }
0x8: {  	s23 =	simm.s32 $0x4;
	s28 =	simm.s32 $0x0;
	s7 =	smul.u32 $0x13C00, s1  }
0x9: {  	s8 =	sand.u32 $0x1, s5;
	[smem:$0x7FF] =	sst s4;
	s5 =	sadd.s32 $0x3E00, s0  }
0xa: {  	s6 =	sadd.s32 $0xDE00, s0;
	s11 =	smul.u32 $0x4F000, s1;
	s31 =	sshll.u32 s1, $0x6  }
0xb: {  	s9 =	smul.u32 $0x13C000, s8;
	_ =	strace $0x80000050;
	s24 =	ssub.s32 $0x2, s8  }
0xc: {  	s26 =	sshll.u32 s8, $0x4;
	s8 =	sor.u32 $0x1C05, s31;
	s10 =	sshrl.u32 s7, $0x3  }
0xd: {  	s25 =	sshrl.u32 s24, $0x1;
	s29 =	sshrl.u32 s11, $0x2;
	s30 =	sor.u32 s1, s26  }
0xe: {  	s26 =	simm.s32 $0x380;
	s7 =	sadd.s32 s7, s9;
	s10 =	sadd.s32 s10, s0  }
0xf: {  	s12 =	ssub.s32 s24, s25;
	s13 =	sadd.s32 s29, s3;
	s9 =	smul.u32 $0x2800, s30  }
0x10: {  	s24 =	simm.s32 $0x180;
	s25 =	simm.s32 $0x300;
	s7 =	sshrl.u32 s7, $0x3  }
0x11: {  	s11 =	smax.u32 s12, $0x1;
	s12 =	sshrl.u32 s13, $0x3;
	s0 =	sadd.s32 s7, s0  }
0x12: {  	s13 =	simm.s32 $0x5;
	s7 =	sadd.s32 $0x3F000, s10;
	s10 =	sadd.s32 $0x66800, s0  }
.LBB2_1:
0x13: {  	[spmem:s12], [sflag:s8] =	dma.local [hbm:s7], $0x2780  }
0x14: {  	s0 =	sand.u32 $0x3C00, s4  }
0x15: {  	s29 =	sand.u32 $0x200, s4;
	_ =	swait.ge [sflag:s13], $0x2780;
	s0 =	sadd.s32 s9, s0  }
0x16: {  	[sflag:s13] =	ssyncset.done $0x0;
	s0 =	sor.u32 s29, s0  }
0x17: {  	[sflag:s13] =	ssyncadd.s32 $0xFFFFD880;
	s0 =	sshrl.u32 s0, $0x3  }
0x18: {  	[bflag:$0x0] =	sbarrier.arrive $0xFFFF;
	s29 =	sadd.s32 s5, s0  }
0x19: {  	[tilespmem:s4], [sflag:$0x5] =	stream.linear.gather [hbm4b:s29+s4], $0x200, $0x38;
	[tilespmem:$0x1C000] =	vst v63  }
0x1a: {  	_ =	swait.ge [sflag:s13], $0x200  }
0x1b: {  	[sflag:s13] =	ssyncset.done $0x0  }
0x1c: {  	s0 =	sadd.s32 s6, s0;
	[sflag:s13] =	ssyncadd.s32 $0xFFFFFE00  }
0x1d: {  	[tilespmem:s14], [sflag:$0x5] =	stream.linear.gather [hbm4b:s0+s4], $0x200, $0x38;
	[tilespmem:$0x1C000] =	vst v63  }
0x1e: {  	_ =	swait.ge [sflag:s13], $0x200  }
0x1f: {  	[sflag:s13] =	ssyncset.done $0x0  }
0x20: {  	[sflag:s13] =	ssyncadd.s32 $0xFFFFFE00  }
0x21: {  	[tilespmem:s16], [sflag:$0x1] =	stream.indirect.gather [hbm4b:s2+s15], $0x80, s4, s15, $0xb8;
	[tilespmem:$0x1C000] =	vst v63  }
0x22: {  	_ = 	snop  }
0x23: {  	[tilespmem:s17], [sflag:$0x2] =	stream.indirect.gather [hbm4b:s2+s15], $0x80, s15, s15, $0xb8;
	[tilespmem:$0x1C000] =	vst v63  }
0x24: {  	_ =	swait.ge [sflag:s18], $0x4000  }
0x25: {  	[sflag:s18] =	ssyncset.done $0x0  }
0x26: {  	[sflag:s18] =	ssyncadd.s32 $0xFFFFC000  }
0x27: {  	[spmem:s3] =	stream.indirect.scatter.add.f32 [tilespmem:s16], [sflag:$0x3], $0x80, s14, s15, $0xb8;
	[tilespmem:$0x1C000] =	vst v63  }
0x28: {  	_ =	swait.ge [sflag:s19], $0x4000  }
0x29: {  	[sflag:s19] =	ssyncset.done $0x0  }
0x2a: {  	[sflag:s19] =	ssyncadd.s32 $0xFFFFC000  }
0x2b: {  	[tilespmem:s16], [sflag:$0x1] =	stream.indirect.gather [hbm4b:s2+s15], $0x80, s20, s15, $0xb8;
	[tilespmem:$0x1C000] =	vst v63  }
0x2c: {  	_ =	swait.ge [sflag:s21], $0x4000  }
0x2d: {  	[sflag:s21] =	ssyncset.done $0x0  }
0x2e: {  	[sflag:s21] =	ssyncadd.s32 $0xFFFFC000  }
0x2f: {  	[spmem:s3] =	stream.indirect.scatter.add.f32 [tilespmem:s17], [sflag:$0x4], $0x80, s22, s15, $0xb8;
	[tilespmem:$0x1C000] =	vst v63  }
0x30: {  	_ =	swait.ge [sflag:s23], $0x4000  }
0x31: {  	[sflag:s23] =	ssyncset.done $0x0  }
0x32: {  	[sflag:s23] =	ssyncadd.s32 $0xFFFFC000  }
0x33: {  	[tilespmem:s17], [sflag:$0x2] =	stream.indirect.gather [hbm4b:s2+s15], $0x80, s24, s15, $0xb8;
	[tilespmem:$0x1C000] =	vst v63  }
0x34: {  	_ =	swait.ge [sflag:s18], $0x4000  }
0x35: {  	[sflag:s18] =	ssyncset.done $0x0  }
0x36: {  	[sflag:s18] =	ssyncadd.s32 $0xFFFFC000  }
0x37: {  	[spmem:s3] =	stream.indirect.scatter.add.f32 [tilespmem:s16], [sflag:$0x3], $0x80, s25, s15, $0xb8;
	[tilespmem:$0x1C000] =	vst v63  }
0x38: {  	_ =	swait.ge [sflag:s21], $0x4000  }
0x39: {  	[sflag:s21] =	ssyncset.done $0x0  }
0x3a: {  	[sflag:s21] =	ssyncadd.s32 $0xFFFFC000  }
0x3b: {  	[spmem:s3] =	stream.indirect.scatter.add.f32 [tilespmem:s17], [sflag:$0x4], $0x80, s26, s15, $0xb8;
	[tilespmem:$0x1C000] =	vst v63  }
0x3c: {  	s30 =	simm.s32 $0x200;
	_ =	swait.ge [sflag:s19], $0x4000  }
0x3d: {  	s29 =	sand.u32 $0x3C00, s30;
	[sflag:s19] =	ssyncset.done $0x0  }
0x3e: {  	s29 =	sadd.s32 s9, s29;
	s0 =	sand.u32 $0x200, s30;
	[sflag:s19] =	ssyncadd.s32 $0xFFFFC000  }
0x3f: {  	s0 =	sor.u32 s0, s29;
	_ =	swait.ge [sflag:s23], $0x4000  }
0x40: {  	s29 =	simm.s32 $0x400;
	s31 =	sshrl.u32 s0, $0x3;
	[sflag:s23] =	ssyncset.done $0x0  }
.LBB2_2:
0x41: {  	s1 =	sadd.s32 s5, s31  }
0x42: {  	[sflag:s23] =	ssyncadd.s32 $0xFFFFC000;
	s30 =	smov.u32 s29;
	s0 =	sadd.s32 $0x200, s29  }
0x43: {  	[tilespmem:s4], [sflag:$0x5] =	stream.linear.gather [hbm4b:s1+s4], $0x200, $0x38;
	[tilespmem:$0x1C000] =	vst v63  }
0x44: {  	p0 =	sne.s32 s29, $0x2600;
	_ =	swait.ge [sflag:s13], $0x200  }
0x45: {  	[sflag:s13] =	ssyncset.done $0x0  }
0x46: {  	s1 =	sadd.s32 s6, s31;
	[sflag:s13] =	ssyncadd.s32 $0xFFFFFE00  }
0x47: {  	[tilespmem:s14], [sflag:$0x5] =	stream.linear.gather [hbm4b:s1+s4], $0x200, $0x38;
	[tilespmem:$0x1C000] =	vst v63  }
0x48: {  	_ =	swait.ge [sflag:s13], $0x200  }
0x49: {  	[sflag:s13] =	ssyncset.done $0x0  }
0x4a: {  	[sflag:s13] =	ssyncadd.s32 $0xFFFFFE00  }
0x4b: {  	[tilespmem:s16], [sflag:$0x1] =	stream.indirect.gather [hbm4b:s2+s15], $0x80, s4, s15, $0xb8;
	[tilespmem:$0x1C000] =	vst v63  }
0x4c: {  	_ = 	snop  }
0x4d: {  	[tilespmem:s17], [sflag:$0x2] =	stream.indirect.gather [hbm4b:s2+s15], $0x80, s15, s15, $0xb8;
	[tilespmem:$0x1C000] =	vst v63  }
0x4e: {  	_ =	swait.ge [sflag:s18], $0x4000  }
0x4f: {  	[sflag:s18] =	ssyncset.done $0x0  }
0x50: {  	[sflag:s18] =	ssyncadd.s32 $0xFFFFC000  }
0x51: {  	[spmem:s3] =	stream.indirect.scatter.add.f32 [tilespmem:s16], [sflag:$0x3], $0x80, s14, s15, $0xb8;
	[tilespmem:$0x1C000] =	vst v63  }
0x52: {  	_ =	swait.ge [sflag:s19], $0x4000  }
0x53: {  	[sflag:s19] =	ssyncset.done $0x0  }
0x54: {  	[sflag:s19] =	ssyncadd.s32 $0xFFFFC000  }
0x55: {  	[tilespmem:s16], [sflag:$0x1] =	stream.indirect.gather [hbm4b:s2+s15], $0x80, s20, s15, $0xb8;
	[tilespmem:$0x1C000] =	vst v63  }
0x56: {  	_ =	swait.ge [sflag:s21], $0x4000  }
0x57: {  	[sflag:s21] =	ssyncset.done $0x0  }
0x58: {  	[sflag:s21] =	ssyncadd.s32 $0xFFFFC000  }
0x59: {  	[spmem:s3] =	stream.indirect.scatter.add.f32 [tilespmem:s17], [sflag:$0x4], $0x80, s22, s15, $0xb8;
	[tilespmem:$0x1C000] =	vst v63  }
0x5a: {  	_ =	swait.ge [sflag:s23], $0x4000  }
0x5b: {  	[sflag:s23] =	ssyncset.done $0x0  }
0x5c: {  	[sflag:s23] =	ssyncadd.s32 $0xFFFFC000  }
0x5d: {  	[tilespmem:s17], [sflag:$0x2] =	stream.indirect.gather [hbm4b:s2+s15], $0x80, s24, s15, $0xb8;
	[tilespmem:$0x1C000] =	vst v63  }
0x5e: {  	_ =	swait.ge [sflag:s18], $0x4000  }
0x5f: {  	[sflag:s18] =	ssyncset.done $0x0  }
0x60: {  	[sflag:s18] =	ssyncadd.s32 $0xFFFFC000  }
0x61: {  	[spmem:s3] =	stream.indirect.scatter.add.f32 [tilespmem:s16], [sflag:$0x3], $0x80, s25, s15, $0xb8;
	[tilespmem:$0x1C000] =	vst v63  }
0x62: {  	_ =	swait.ge [sflag:s21], $0x4000  }
0x63: {  	[sflag:s21] =	ssyncset.done $0x0  }
0x64: {  	[sflag:s21] =	ssyncadd.s32 $0xFFFFC000  }
0x65: {  	[spmem:s3] =	stream.indirect.scatter.add.f32 [tilespmem:s17], [sflag:$0x4], $0x80, s26, s15, $0xb8;
	[tilespmem:$0x1C000] =	vst v63  }
.Ltmp0:
0x66: {  	_ =	swait.ge [sflag:s19], $0x4000;
	(pc) =	sbr.rel @p0 .LBB2_2-.Ltmp0, $4  }
0x67: {  	s1 =	sand.u32 $0x3C00, s30;
	[sflag:s19] =	ssyncset.done $0x0  }
0x68: {  	s29 =	sand.u32 $0x200, s30;
	s1 =	sadd.s32 s9, s1;
	[sflag:s19] =	ssyncadd.s32 $0xFFFFC000  }
0x69: {  	s1 =	sor.u32 s29, s1;
	_ =	swait.ge [sflag:s23], $0x4000  }
0x6a: {  	s29 =	smov.u32 s0;
	s31 =	sshrl.u32 s1, $0x3;
	[sflag:s23] =	ssyncset.done $0x0  }
0x6b: {  	s0 =	sadd.s32 s5, s31;
	[sflag:s23] =	ssyncadd.s32 $0xFFFFC000  }
0x6c: {  	[tilespmem:s4], [sflag:$0x5] =	stream.linear.gather [hbm4b:s0+s4], $0x200, $0x38;
	[tilespmem:$0x1C000] =	vst v63  }
0x6d: {  	_ =	swait.ge [sflag:s13], $0x200  }
0x6e: {  	[sflag:s13] =	ssyncset.done $0x0  }
0x6f: {  	s31 =	sadd.s32 s6, s31;
	[sflag:s13] =	ssyncadd.s32 $0xFFFFFE00  }
0x70: {  	[tilespmem:s14], [sflag:$0x5] =	stream.linear.gather [hbm4b:s31+s4], $0x200, $0x38;
	[tilespmem:$0x1C000] =	vst v63  }
0x71: {  	_ =	swait.ge [sflag:s13], $0x200  }
0x72: {  	[sflag:s13] =	ssyncset.done $0x0  }
0x73: {  	[sflag:s13] =	ssyncadd.s32 $0xFFFFFE00  }
0x74: {  	[tilespmem:s16], [sflag:$0x1] =	stream.indirect.gather [hbm4b:s2+s15], $0x80, s4, s15, $0xb8;
	[tilespmem:$0x1C000] =	vst v63  }
0x75: {  	_ = 	snop  }
0x76: {  	[tilespmem:s17], [sflag:$0x2] =	stream.indirect.gather [hbm4b:s2+s15], $0x80, s15, s15, $0xb8;
	[tilespmem:$0x1C000] =	vst v63  }
0x77: {  	_ =	swait.ge [sflag:s18], $0x4000  }
0x78: {  	[sflag:s18] =	ssyncset.done $0x0  }
0x79: {  	[sflag:s18] =	ssyncadd.s32 $0xFFFFC000  }
0x7a: {  	[spmem:s3] =	stream.indirect.scatter.add.f32 [tilespmem:s16], [sflag:$0x3], $0x80, s14, s15, $0xb8;
	[tilespmem:$0x1C000] =	vst v63  }
0x7b: {  	_ =	swait.ge [sflag:s19], $0x4000  }
0x7c: {  	[sflag:s19] =	ssyncset.done $0x0  }
0x7d: {  	[sflag:s19] =	ssyncadd.s32 $0xFFFFC000  }
0x7e: {  	[tilespmem:s16], [sflag:$0x1] =	stream.indirect.gather [hbm4b:s2+s15], $0x80, s20, s15, $0xb8;
	[tilespmem:$0x1C000] =	vst v63  }
0x7f: {  	_ =	swait.ge [sflag:s21], $0x4000  }
0x80: {  	[sflag:s21] =	ssyncset.done $0x0  }
0x81: {  	[sflag:s21] =	ssyncadd.s32 $0xFFFFC000  }
0x82: {  	[spmem:s3] =	stream.indirect.scatter.add.f32 [tilespmem:s17], [sflag:$0x4], $0x80, s22, s15, $0xb8;
	[tilespmem:$0x1C000] =	vst v63  }
0x83: {  	_ =	swait.ge [sflag:s23], $0x4000  }
0x84: {  	[sflag:s23] =	ssyncset.done $0x0  }
0x85: {  	[sflag:s23] =	ssyncadd.s32 $0xFFFFC000  }
0x86: {  	[tilespmem:s17], [sflag:$0x2] =	stream.indirect.gather [hbm4b:s2+s15], $0x80, s24, s15, $0xb8;
	[tilespmem:$0x1C000] =	vst v63  }
0x87: {  	_ =	swait.ge [sflag:s18], $0x4000  }
0x88: {  	[sflag:s18] =	ssyncset.done $0x0  }
0x89: {  	[sflag:s18] =	ssyncadd.s32 $0xFFFFC000  }
0x8a: {  	[spmem:s3] =	stream.indirect.scatter.add.f32 [tilespmem:s16], [sflag:$0x3], $0x80, s25, s15, $0xb8;
	[tilespmem:$0x1C000] =	vst v63  }
0x8b: {  	_ =	swait.ge [sflag:s21], $0x4000  }
0x8c: {  	[sflag:s21] =	ssyncset.done $0x0  }
0x8d: {  	[sflag:s21] =	ssyncadd.s32 $0xFFFFC000  }
0x8e: {  	[spmem:s3] =	stream.indirect.scatter.add.f32 [tilespmem:s17], [sflag:$0x4], $0x80, s26, s15, $0xb8;
	[tilespmem:$0x1C000] =	vst v63  }
0x8f: {  	_ =	swait.ge [sflag:s19], $0x4000  }
0x90: {  	[sflag:s19] =	ssyncset.done $0x0  }
0x91: {  	[sflag:s19] =	ssyncadd.s32 $0xFFFFC000  }
0x92: {  	_ =	swait.ge [sflag:s23], $0x4000  }
0x93: {  	s28 =	sadd.s32 $0x1, s28;
	[sflag:s23] =	ssyncset.done $0x0  }
0x94: {  	p0 =	sne.s32 s28, s11;
	[sflag:s23] =	ssyncadd.s32 $0xFFFFC000  }
.Ltmp1:
0x95: {  	[bflag:$0x0] =	sbarrier.arrive $0xFFFF;
	(pc) =	sbr.rel @p0 .LBB2_1-.Ltmp1, $4  }
0x96: {  	[hbm:s10], [sflag:s8] =	dma.local [spmem:s12], $0x2780  }
0x97: {  	_ =	swait.ge [sflag:s13], $0x2780  }
0x98: {  	[sflag:s13] =	ssyncset.done $0x0  }
0x99: {  	[sflag:s13] =	ssyncadd.s32 $0xFFFFD880  }
0x9a: {  	_ =	sfence.sel $0x180000  }
0x9b: {  	[bflag:$0x0] =	sbarrier.arrive $0xFFFF  }
0x9c: {  	_ =	strace $0x90000050  }
0x9d: {  	s0 =	stileid.u32;
	[bflag:$0x2] =	sbarrier.arrive $0xFFFF  }
0x9e: {  	p0 =	sne.s32 s0, $0x0;
	s0 =	rddreg [dreg:$0x3]  }
0x9f: {  	s0 =	sadd.s32 @!p0 $0x100000, s0  }
0xa0: {  	[sflag:s0] =	ssyncadd.tile.s32 @!p0 $0x1;
	_ =	shalt  }
.Lfunc_end2:
_tile_overlayer_lowered:
.L_overlay_start_2:
0xa1: {  	(tag) =	ssettag $0x2  }
0xa2: {  	s0 =	rddreg [dreg:$0x0];
	s2 =	stileid.u32  }
0xa3: {  	s1 =	rddreg [dreg:$0x1];
	p0 =	sne.s32 s2, $0x0  }
0xa4: {  	s3 =	rddreg [dreg:$0x2];
	[bflag:$0x3] =	sbarrier.arrive $0xFFFF;
	s2 =	simm.s32 @!p0 $0x1C05  }
0xa5: {  	[timem:s3], [sflag:s2] =	dma.local @!p0 [hbm:s0], s1  }
0xa6: {  	s0 =	simm.s32 @!p0 $0x5  }
0xa7: {  	_ =	swait.ge @!p0 [sflag:s0], s1  }
0xa8: {  	s1 =	ssub.s32 @!p0 $0x0, s1;
	[sflag:s0] =	ssyncset.done @!p0 $0x0  }
0xa9: {  	[sflag:s0] =	ssyncadd.s32 @!p0 s1  }
0xaa: {  	[bflag:$0x3] =	sbarrier.arrive $0xFFFF  }
0xab: {  	_ =	shalt  }

</sc_bundles>
